<compile_context>
chip_gen: v7x
topology: tpu7x:2x2x1
jax: 0.10.2.dev20260603
libtpu: 0.0.44.dev20260713+nightly
codegen_flags: <defaults>
</compile_context>

<pallas_src>
import functools

import jax
import jax.numpy as jnp
from jax import lax
from jax.experimental import pallas as pl
from jax.experimental.pallas import tpu as pltpu
from jax.experimental.pallas import tpu_sc as plsc

N = 10000
NPAD = 10240
E = 320000
D = 128
H = 64
NSC = 16
EPT = E // NSC
CH = 80
NCHUNK = EPT // CH
RPT = NPAD // NSC


def _edge_tables_body(eat_ref, w1_ref, u_ref, wu_ref, b_ref, t_ref):
    t = lax.dot_general(eat_ref[...], w1_ref[...], (((0,), (0,)), ((), ())),
                        preferred_element_type=jnp.float32)
    c = jnp.dot(u_ref[...], wu_ref[...], preferred_element_type=jnp.float32) + b_ref[...]
    t_ref[...] = t + c


def _node_tables_body(x_ref, ws_ref, wr_ref, xsa, xsb, xra, xrb):
    xs = jnp.dot(x_ref[...], ws_ref[...], preferred_element_type=jnp.float32)
    xr = jnp.dot(x_ref[...], wr_ref[...], preferred_element_type=jnp.float32)
    xsa[...] = xs[:, :H]
    xsb[...] = xs[:, H:]
    xra[...] = xr[:, :H]
    xrb[...] = xr[:, H:]


def _sc_edge_body(rows_hbm, cols_hbm, t_hbm, xsa_hbm, xsb_hbm,
                  xra_hbm, xrb_hbm,
                  ea2_hbm, sa_hbm, sb_hbm, ra_hbm, rb_hbm,
                  rv, cv, tbuf, gs, gr, acc_s, acc_r,
                  sem_i, sem_t, sem_g, sem_h, sem_w, sem_s):
    cid = lax.axis_index("c")
    sid = lax.axis_index("s")
    zero = jnp.zeros((16,), jnp.float32)

    def half(xs_hbm, xr_hbm, col_off, s_hbm, r_hbm):
        def zbody(i, carry):
            for q in range(4):
                gs[i, pl.ds(q * 16, 16)] = zero
            return carry
        lax.fori_loop(0, CH, zbody, None)
        rbase = sid * RPT
        for z in range(RPT // CH):
            pltpu.sync_copy(gs, acc_s.at[pl.ds(rbase + z * CH, CH)])
            pltpu.sync_copy(gs, acc_r.at[pl.ds(rbase + z * CH, CH)])
        plsc.subcore_barrier()

        ebase = sid * EPT

        def start_idx(k, p):
            pltpu.async_copy(rows_hbm.at[pl.ds(ebase + k * CH, CH)], rv[p],
                             sem_i[p])
            pltpu.async_copy(cols_hbm.at[pl.ds(ebase + k * CH, CH)], cv[p],
                             sem_i[p])

        def wait_idx(p):
            pltpu.make_async_copy(rows_hbm.at[pl.ds(ebase, CH)], rv[p],
                                  sem_i[p]).wait()
            pltpu.make_async_copy(cols_hbm.at[pl.ds(ebase, CH)], cv[p],
                                  sem_i[p]).wait()

        def start_t(k, p):
            pltpu.async_copy(t_hbm.at[pl.ds(ebase + k * CH, CH),
                                      pl.ds(col_off, H)], tbuf[p], sem_t[p])

        def wait_t(p):
            pltpu.make_async_copy(t_hbm.at[pl.ds(ebase, CH),
                                           pl.ds(col_off, H)],
                                  tbuf[p], sem_t[p]).wait()

        def start_gath(p):
            pltpu.async_copy(xs_hbm.at[rv[p]], gs, sem_g)
            pltpu.async_copy(xr_hbm.at[cv[p]], gr, sem_h)

        def wait_gath(p):
            pltpu.make_async_copy(xs_hbm.at[rv[p]], gs, sem_g).wait()
            pltpu.make_async_copy(xr_hbm.at[cv[p]], gr, sem_h).wait()

        def start_out(k, p):
            pltpu.async_copy(tbuf[p], ea2_hbm.at[pl.ds(ebase + k * CH, CH),
                                                 pl.ds(col_off, H)], sem_w)
            pltpu.async_copy(tbuf[p], acc_s.at[rv[p]], sem_s, add=True)
            pltpu.async_copy(tbuf[p], acc_r.at[cv[p]], sem_s, add=True)

        def wait_out(p):
            pltpu.make_async_copy(tbuf[p], ea2_hbm.at[pl.ds(ebase, CH),
                                                      pl.ds(col_off, H)],
                                  sem_w).wait()
            pltpu.make_async_copy(tbuf[p], acc_s.at[rv[p]], sem_s).wait()
            pltpu.make_async_copy(tbuf[p], acc_r.at[cv[p]], sem_s).wait()

        start_idx(0, 0)
        wait_idx(0)
        start_t(0, 0)
        start_gath(0)

        def pair(m, carry):
            for p in (0, 1):
                k = 2 * m + p
                kn = jnp.minimum(k + 1, NCHUNK - 1)
                wait_t(p)
                wait_gath(p)

                def add_body(j, c2):
                    for q in range(4):
                        sl = pl.ds(q * 16, 16)
                        tbuf[p][j, sl] = tbuf[p][j, sl] + gs[j, sl] + gr[j, sl]
                    return c2
                lax.fori_loop(0, CH, add_body, None)

                @pl.when(k > 0)
                def _():
                    wait_out(1 - p)
                start_idx(kn, 1 - p)
                start_t(kn, 1 - p)
                start_out(k, p)
                wait_idx(1 - p)
                start_gath(1 - p)
            return carry
        lax.fori_loop(0, NCHUNK // 2, pair, None)

        wait_t(0)
        wait_gath(0)
        wait_out(1)

        plsc.subcore_barrier()
        pltpu.sync_copy(acc_s.at[pl.ds(rbase, RPT)], s_hbm.at[pl.ds(rbase, RPT)])
        pltpu.sync_copy(acc_r.at[pl.ds(rbase, RPT)], r_hbm.at[pl.ds(rbase, RPT)])

    @pl.when(cid == 0)
    def _():
        half(xsa_hbm, xra_hbm, 0, sa_hbm, ra_hbm)

    @pl.when(cid == 1)
    def _():
        half(xsb_hbm, xrb_hbm, H, sb_hbm, rb_hbm)


def _node_global_body(x_ref, sa, sb, ra, rb, u_ref,
                      wnx, wnsa, wnsb, wnra, wnrb, wnu, bn,
                      wgu, wgn, wgea, wgeb, bg,
                      x2_ref, u2_ref):
    f32 = jnp.float32
    sav = sa[...][:N]
    sbv = sb[...][:N]
    rav = ra[...][:N]
    rbv = rb[...][:N]
    x2 = (jnp.dot(x_ref[...], wnx[...], preferred_element_type=f32)
          + jnp.dot(sav, wnsa[...], preferred_element_type=f32)
          + jnp.dot(sbv, wnsb[...], preferred_element_type=f32)
          + jnp.dot(rav, wnra[...], preferred_element_type=f32)
          + jnp.dot(rbv, wnrb[...], preferred_element_type=f32)
          + (jnp.dot(u_ref[...], wnu[...], preferred_element_type=f32) + bn[...]))
    x2_ref[...] = x2
    node_sum = jnp.sum(x2, axis=0, keepdims=True)
    es_a = jnp.sum(sav, axis=0, keepdims=True)
    es_b = jnp.sum(sbv, axis=0, keepdims=True)
    u2 = (jnp.dot(u_ref[...], wgu[...], preferred_element_type=f32)
          + jnp.dot(node_sum, wgn[...], preferred_element_type=f32)
          + jnp.dot(es_a, wgea[...], preferred_element_type=f32)
          + jnp.dot(es_b, wgeb[...], preferred_element_type=f32)
          + bg[...])
    u2_ref[...] = u2


def kernel(x, edge_index, edge_attr, u, node_batch, edge_batch, num_nodes,
           num_edges, W_edge, b_edge, W_node, b_node, W_glob, b_glob):
    f32 = jnp.float32
    rows = edge_index[0]
    cols = edge_index[1]
    W1 = W_edge[:16]
    Ws = W_edge[16:16 + D]
    Wr = W_edge[16 + D:16 + 2 * D]
    Wu = W_edge[16 + 2 * D:]

    BE = 6400
    t_tab = pl.pallas_call(
        _edge_tables_body,
        grid=(E // BE,),
        in_specs=[pl.BlockSpec((16, BE), lambda i: (0, i)),
                  pl.BlockSpec((16, D), lambda i: (0, 0)),
                  pl.BlockSpec((1, 32), lambda i: (0, 0)),
                  pl.BlockSpec((32, D), lambda i: (0, 0)),
                  pl.BlockSpec((1, D), lambda i: (0, 0))],
        out_specs=pl.BlockSpec((BE, D), lambda i: (i, 0)),
        out_shape=jax.ShapeDtypeStruct((E, D), f32),
    )(edge_attr.T, W1, u, Wu, b_edge.reshape(1, D))

    xsa, xsb, xra, xrb = pl.pallas_call(
        _node_tables_body,
        out_shape=[jax.ShapeDtypeStruct((N, H), f32)] * 4,
    )(x, Ws, Wr)

    mesh = plsc.VectorSubcoreMesh(core_axis_name="c", subcore_axis_name="s")
    sc = pl.kernel(
        _sc_edge_body,
        out_type=[jax.ShapeDtypeStruct((E, D), f32),
                  jax.ShapeDtypeStruct((NPAD, H), f32),
                  jax.ShapeDtypeStruct((NPAD, H), f32),
                  jax.ShapeDtypeStruct((NPAD, H), f32),
                  jax.ShapeDtypeStruct((NPAD, H), f32)],
        mesh=mesh,
        compiler_params=pltpu.CompilerParams(use_tc_tiling_on_sc=False),
        scratch_types=[
            [pltpu.VMEM((CH,), jnp.int32) for _ in range(2)],
            [pltpu.VMEM((CH,), jnp.int32) for _ in range(2)],
            [pltpu.VMEM((CH, H), f32) for _ in range(2)],
            pltpu.VMEM((CH, H), f32),
            pltpu.VMEM((CH, H), f32),
            pltpu.VMEM_SHARED((NPAD, H), f32),
            pltpu.VMEM_SHARED((NPAD, H), f32),
            [pltpu.SemaphoreType.DMA for _ in range(2)],
            [pltpu.SemaphoreType.DMA for _ in range(2)],
            pltpu.SemaphoreType.DMA,
            pltpu.SemaphoreType.DMA,
            pltpu.SemaphoreType.DMA,
            pltpu.SemaphoreType.DMA,
        ],
    )
    ea2, sent_a, sent_b, recv_a, recv_b = sc(rows, cols, t_tab,
                                             xsa, xsb, xra, xrb)

    Wnsa = W_node[D:D + H]
    Wnsb = W_node[D + H:2 * D]
    Wnra = W_node[2 * D:2 * D + H]
    Wnrb = W_node[2 * D + H:3 * D]
    x2, u2 = pl.pallas_call(
        _node_global_body,
        out_shape=[jax.ShapeDtypeStruct((N, D), f32),
                   jax.ShapeDtypeStruct((1, 32), f32)],
    )(x, sent_a, sent_b, recv_a, recv_b, u,
      W_node[:D], Wnsa, Wnsb, Wnra, Wnrb, W_node[3 * D:],
      b_node.reshape(1, D),
      W_glob[:32], W_glob[32:32 + D], W_glob[32 + D:32 + D + H],
      W_glob[32 + D + H:], b_glob.reshape(1, 32))

    return (x2, ea2, u2)

# --- scband reference (transcript-rebuilt; emitter-appended) ---
"""Pipeline reference for scband-meta-layer-30227979829536 (READ-ONLY COPY).

The authoritative reference and input builder live on the scoring server;
editing this copy changes nothing except your own understanding.
"""

import jax, jax.numpy as jnp
import numpy as np

N, E, D_FEAT, D_EDGE, D_U = 10000, 320000, 128, 16, 32

def setup_inputs(seed: int = 0) -> dict:
    key = jax.random.key(seed)
    ks = jax.random.split(key, 12)
    x = jax.random.normal(ks[0], (N, D_FEAT), dtype=jnp.float32)
    edge_index = jax.random.randint(ks[1], (2, E), 0, N, dtype=jnp.int32)
    edge_attr = jax.random.normal(ks[2], (E, D_EDGE), dtype=jnp.float32)
    u = jax.random.normal(ks[3], (1, D_U), dtype=jnp.float32)
    node_batch = jnp.zeros((N,), dtype=jnp.int32)
    edge_batch = jnp.zeros((E,), dtype=jnp.int32)
    # learned params: edge_model Linear(16+128+128+32=304 -> 128),
    # node_model Linear(128+128+128+32=416 -> 128), global_model Linear(32+128+128=288 -> 32)
    W_edge = jax.random.normal(ks[4], (304, 128), dtype=jnp.float32) * 0.05
    b_edge = jnp.zeros((128,), dtype=jnp.float32)
    W_node = jax.random.normal(ks[5], (416, 128), dtype=jnp.float32) * 0.05
    b_node = jnp.zeros((128,), dtype=jnp.float32)
    W_glob = jax.random.normal(ks[6], (288, 32), dtype=jnp.float32) * 0.05
    b_glob = jnp.zeros((32,), dtype=jnp.float32)
    return {"x": x, "edge_index": edge_index, "edge_attr": edge_attr, "u": u,
            "node_batch": node_batch, "edge_batch": edge_batch,
            "num_nodes": N, "num_edges": E,
            "W_edge": W_edge, "b_edge": b_edge, "W_node": W_node, "b_node": b_node,
            "W_glob": W_glob, "b_glob": b_glob}

def reference(x, edge_index, edge_attr, u, node_batch, edge_batch, num_nodes, num_edges,
              W_edge, b_edge, W_node, b_node, W_glob, b_glob):
    row = edge_index[0]
    col = edge_index[1]
    # edge model
    sent_attributes = x[row]
    received_attributes = x[col]
    global_edges = jnp.repeat(u, edge_attr.shape[0], axis=0) * (num_edges * 0 + 1)
    concat_feat = jnp.concatenate([edge_attr, sent_attributes, received_attributes, global_edges], axis=1)
    edge_attr2 = concat_feat @ W_edge + b_edge
    # node model
    sent_agg = jax.ops.segment_sum(edge_attr2, row, num_segments=x.shape[0])
    recv_agg = jax.ops.segment_sum(edge_attr2, col, num_segments=x.shape[0])
    global_nodes = jnp.repeat(u, x.shape[0], axis=0) * (num_nodes * 0 + 1)
    x2 = jnp.concatenate([x, sent_agg, recv_agg, global_nodes], axis=1) @ W_node + b_node
    # global model
    n_graph = u.shape[0]
    node_attributes = jax.ops.segment_sum(x2, node_batch, num_segments=n_graph)
    edge_attributes = jax.ops.segment_sum(edge_attr2, edge_batch, num_segments=n_graph)
    u2 = jnp.concatenate([u, node_attributes, edge_attributes], axis=1) @ W_glob + b_glob
    return (x2, edge_attr2, u2)

if __name__ == "__main__":
    import jax
    _d = setup_inputs()
    print(jax.jit(kernel)(*tuple(_d.values())))

</pallas_src>

<mosaic_0001>
#map = affine_map<(d0, d1) -> (0)>
#map1 = affine_map<(d0, d1) -> (0, 0)>
module attributes {stable_mosaic.version = 14 : i64} {
  func.func @_sc_edge_body(%arg0: i32, %arg1: i32, %arg2: memref<320000xi32, #tpu.memory_space<hbm>>, %arg3: memref<320000xi32, #tpu.memory_space<hbm>>, %arg4: memref<320000x128xf32, #tpu.memory_space<hbm>>, %arg5: memref<10000x64xf32, #tpu.memory_space<hbm>>, %arg6: memref<10000x64xf32, #tpu.memory_space<hbm>>, %arg7: memref<10000x64xf32, #tpu.memory_space<hbm>>, %arg8: memref<10000x64xf32, #tpu.memory_space<hbm>>, %arg9: memref<320000x128xf32, #tpu.memory_space<hbm>>, %arg10: memref<10240x64xf32, #tpu.memory_space<hbm>>, %arg11: memref<10240x64xf32, #tpu.memory_space<hbm>>, %arg12: memref<10240x64xf32, #tpu.memory_space<hbm>>, %arg13: memref<10240x64xf32, #tpu.memory_space<hbm>>, %arg14: memref<80xi32, #tpu.memory_space<vmem>>, %arg15: memref<80xi32, #tpu.memory_space<vmem>>, %arg16: memref<80xi32, #tpu.memory_space<vmem>>, %arg17: memref<80xi32, #tpu.memory_space<vmem>>, %arg18: memref<80x64xf32, #tpu.memory_space<vmem>>, %arg19: memref<80x64xf32, #tpu.memory_space<vmem>>, %arg20: memref<80x64xf32, #tpu.memory_space<vmem>>, %arg21: memref<80x64xf32, #tpu.memory_space<vmem>>, %arg22: memref<10240x64xf32, #tpu.memory_space<vmem_shared>>, %arg23: memref<10240x64xf32, #tpu.memory_space<vmem_shared>>, %arg24: memref<!tpu.dma_semaphore, #tpu.memory_space<semaphore_mem>>, %arg25: memref<!tpu.dma_semaphore, #tpu.memory_space<semaphore_mem>>, %arg26: memref<!tpu.dma_semaphore, #tpu.memory_space<semaphore_mem>>, %arg27: memref<!tpu.dma_semaphore, #tpu.memory_space<semaphore_mem>>, %arg28: memref<!tpu.dma_semaphore, #tpu.memory_space<semaphore_mem>>, %arg29: memref<!tpu.dma_semaphore, #tpu.memory_space<semaphore_mem>>, %arg30: memref<!tpu.dma_semaphore, #tpu.memory_space<semaphore_mem>>, %arg31: memref<!tpu.dma_semaphore, #tpu.memory_space<semaphore_mem>>) attributes {dimension_semantics = [#tpu.dimension_semantics<core_parallel>, #tpu.dimension_semantics<subcore_parallel>], iteration_bounds = array<i64: 2, 16>, scalar_prefetch = 0 : i64, scratch_operands = 18 : i64, tpu.core_type = #tpu.core_type<sc_vector_subcore>, window_params = [{transform_indices = #map}, {transform_indices = #map}, {transform_indices = #map1}, {transform_indices = #map1}, {transform_indices = #map1}, {transform_indices = #map1}, {transform_indices = #map1}, {transform_indices = #map1}, {transform_indices = #map1}, {transform_indices = #map1}, {transform_indices = #map1}, {transform_indices = #map1}]} {
    %broadcast_in_dim3A = arith.constant 0.000000e+00 : f32
    %broadcast_in_dim3A_0 = vector.broadcast %broadcast_in_dim3A : f32 to vector<16xf32>
    %eq3A = arith.constant 0 : i32
    %eq3A_1 = arith.cmpi eq, %arg0, %eq3A : i32
    %convert_element_type3A = arith.extui %eq3A_1 : i1 to i32
    %cond3A = arith.constant 0 : i32
    %cond3A_2 = arith.cmpi ne, %convert_element_type3A, %cond3A : i32
    scf.if %cond3A_2 {
      %scan3A = arith.constant 0 : i32
      %scan3A_8 = arith.constant 80 : i32
      %scan3A_9 = arith.addi %scan3A, %scan3A_8 : i32
      %scan3A_10 = arith.constant 1 : i32
      scf.for %scan3A_94 = %scan3A to %scan3A_9 step %scan3A_10  : i32 {
        %swap3A = arith.index_cast %scan3A_94 : i32 to index
        %swap3A_95 = arith.constant 0 : index
        %swap3A_96 = tpu.vector_load %arg20[%swap3A, %swap3A_95] {strides = array<i32>} : memref<80x64xf32, #tpu.memory_space<vmem>>, vector<1x16xf32>,
        %swap3A_97 = vector.shape_cast %swap3A_96 : vector<1x16xf32> to vector<16xf32>
        %swap3A_98 = vector.shape_cast %broadcast_in_dim3A_0 : vector<16xf32> to vector<1x16xf32>
        tpu.vector_store %arg20[%swap3A, %swap3A_95], %swap3A_98 {strides = array<i32>} : memref<80x64xf32, #tpu.memory_space<vmem>>, vector<1x16xf32>,
        %swap3A_99 = arith.index_cast %scan3A_94 : i32 to index
        %swap3A_100 = arith.constant 16 : index
        %swap3A_101 = tpu.vector_load %arg20[%swap3A_99, %swap3A_100] {strides = array<i32>} : memref<80x64xf32, #tpu.memory_space<vmem>>, vector<1x16xf32>,
        %swap3A_102 = vector.shape_cast %swap3A_101 : vector<1x16xf32> to vector<16xf32>
        %swap3A_103 = vector.shape_cast %broadcast_in_dim3A_0 : vector<16xf32> to vector<1x16xf32>
        tpu.vector_store %arg20[%swap3A_99, %swap3A_100], %swap3A_103 {strides = array<i32>} : memref<80x64xf32, #tpu.memory_space<vmem>>, vector<1x16xf32>,
        %swap3A_104 = arith.index_cast %scan3A_94 : i32 to index
        %swap3A_105 = arith.constant 32 : index
        %swap3A_106 = tpu.vector_load %arg20[%swap3A_104, %swap3A_105] {strides = array<i32>} : memref<80x64xf32, #tpu.memory_space<vmem>>, vector<1x16xf32>,
        %swap3A_107 = vector.shape_cast %swap3A_106 : vector<1x16xf32> to vector<16xf32>
        %swap3A_108 = vector.shape_cast %broadcast_in_dim3A_0 : vector<16xf32> to vector<1x16xf32>
        tpu.vector_store %arg20[%swap3A_104, %swap3A_105], %swap3A_108 {strides = array<i32>} : memref<80x64xf32, #tpu.memory_space<vmem>>, vector<1x16xf32>,
        %swap3A_109 = arith.index_cast %scan3A_94 : i32 to index
        %swap3A_110 = arith.constant 48 : index
        %swap3A_111 = tpu.vector_load %arg20[%swap3A_109, %swap3A_110] {strides = array<i32>} : memref<80x64xf32, #tpu.memory_space<vmem>>, vector<1x16xf32>,
        %swap3A_112 = vector.shape_cast %swap3A_111 : vector<1x16xf32> to vector<16xf32>
        %swap3A_113 = vector.shape_cast %broadcast_in_dim3A_0 : vector<16xf32> to vector<1x16xf32>
        tpu.vector_store %arg20[%swap3A_109, %swap3A_110], %swap3A_113 {strides = array<i32>} : memref<80x64xf32, #tpu.memory_space<vmem>>, vector<1x16xf32>,
      }
      %scan3A_11 = arith.constant 80 : i32
      %mul3A = arith.constant 640 : i32
      %mul3A_12 = arith.muli %arg1, %mul3A : i32
      %add3A = arith.constant 0 : i32
      %add3A_13 = arith.addi %mul3A_12, %add3A : i32
      "tpu.region"() ({
        %run_scoped3A = tpu.sem_alloc : memref<!tpu.dma_semaphore, #tpu.memory_space<semaphore_mem>>
        %dma_start3A_94 = arith.constant 0 : i32
        %dma_start3A_95 = tpu.memref_slice %arg22[%add3A_13, %dma_start3A_94] : memref<10240x64xf32, #tpu.memory_space<vmem_shared>> -> memref<80x64xf32, #tpu.memory_space<vmem_shared>>
        %dma_start3A_96 = arith.constant 0 : i32
        %dma_start3A_97 = tpu.memref_slice %arg22[%add3A_13, %dma_start3A_96] : memref<10240x64xf32, #tpu.memory_space<vmem_shared>> -> memref<80x64xf32, #tpu.memory_space<vmem_shared>>
        tpu.enqueue_dma source(%arg20 : memref<80x64xf32, #tpu.memory_space<vmem>>) target(%dma_start3A_97 : memref<80x64xf32, #tpu.memory_space<vmem_shared>>) target_semaphore(%run_scoped3A : memref<!tpu.dma_semaphore, #tpu.memory_space<semaphore_mem>>)
        %dma_wait3A_98 = arith.constant 0 : i32
        %dma_wait3A_99 = tpu.memref_slice %arg22[%add3A_13, %dma_wait3A_98] : memref<10240x64xf32, #tpu.memory_space<vmem_shared>> -> memref<80x64xf32, #tpu.memory_space<vmem_shared>>
        %dma_wait3A_100 = arith.constant 0 : i32
        %dma_wait3A_101 = tpu.memref_slice %arg22[%add3A_13, %dma_wait3A_100] : memref<10240x64xf32, #tpu.memory_space<vmem_shared>> -> memref<80x64xf32, #tpu.memory_space<vmem_shared>>
        tpu.wait_dma2 semaphore(%run_scoped3A : memref<!tpu.dma_semaphore, #tpu.memory_space<semaphore_mem>>) src(%arg20 : memref<80x64xf32, #tpu.memory_space<vmem>>) dst(%dma_wait3A_101 : memref<80x64xf32, #tpu.memory_space<vmem_shared>>)
        tpu.yield
      }) : () -> ()
      %add3A_14 = arith.constant 0 : i32
      %add3A_15 = arith.addi %mul3A_12, %add3A_14 : i32
      "tpu.region"() ({
        %run_scoped3A = tpu.sem_alloc : memref<!tpu.dma_semaphore, #tpu.memory_space<semaphore_mem>>
        %dma_start3A_94 = arith.constant 0 : i32
        %dma_start3A_95 = tpu.memref_slice %arg23[%add3A_15, %dma_start3A_94] : memref<10240x64xf32, #tpu.memory_space<vmem_shared>> -> memref<80x64xf32, #tpu.memory_space<vmem_shared>>
        %dma_start3A_96 = arith.constant 0 : i32
        %dma_start3A_97 = tpu.memref_slice %arg23[%add3A_15, %dma_start3A_96] : memref<10240x64xf32, #tpu.memory_space<vmem_shared>> -> memref<80x64xf32, #tpu.memory_space<vmem_shared>>
        tpu.enqueue_dma source(%arg20 : memref<80x64xf32, #tpu.memory_space<vmem>>) target(%dma_start3A_97 : memref<80x64xf32, #tpu.memory_space<vmem_shared>>) target_semaphore(%run_scoped3A : memref<!tpu.dma_semaphore, #tpu.memory_space<semaphore_mem>>)
        %dma_wait3A_98 = arith.constant 0 : i32
        %dma_wait3A_99 = tpu.memref_slice %arg23[%add3A_15, %dma_wait3A_98] : memref<10240x64xf32, #tpu.memory_space<vmem_shared>> -> memref<80x64xf32, #tpu.memory_space<vmem_shared>>
        %dma_wait3A_100 = arith.constant 0 : i32
        %dma_wait3A_101 = tpu.memref_slice %arg23[%add3A_15, %dma_wait3A_100] : memref<10240x64xf32, #tpu.memory_space<vmem_shared>> -> memref<80x64xf32, #tpu.memory_space<vmem_shared>>
        tpu.wait_dma2 semaphore(%run_scoped3A : memref<!tpu.dma_semaphore, #tpu.memory_space<semaphore_mem>>) src(%arg20 : memref<80x64xf32, #tpu.memory_space<vmem>>) dst(%dma_wait3A_101 : memref<80x64xf32, #tpu.memory_space<vmem_shared>>)
        tpu.yield
      }) : () -> ()
      %add3A_16 = arith.constant 80 : i32
      %add3A_17 = arith.addi %mul3A_12, %add3A_16 : i32
      "tpu.region"() ({
        %run_scoped3A = tpu.sem_alloc : memref<!tpu.dma_semaphore, #tpu.memory_space<semaphore_mem>>
        %dma_start3A_94 = arith.constant 0 : i32
        %dma_start3A_95 = tpu.memref_slice %arg22[%add3A_17, %dma_start3A_94] : memref<10240x64xf32, #tpu.memory_space<vmem_shared>> -> memref<80x64xf32, #tpu.memory_space<vmem_shared>>
        %dma_start3A_96 = arith.constant 0 : i32
        %dma_start3A_97 = tpu.memref_slice %arg22[%add3A_17, %dma_start3A_96] : memref<10240x64xf32, #tpu.memory_space<vmem_shared>> -> memref<80x64xf32, #tpu.memory_space<vmem_shared>>
        tpu.enqueue_dma source(%arg20 : memref<80x64xf32, #tpu.memory_space<vmem>>) target(%dma_start3A_97 : memref<80x64xf32, #tpu.memory_space<vmem_shared>>) target_semaphore(%run_scoped3A : memref<!tpu.dma_semaphore, #tpu.memory_space<semaphore_mem>>)
        %dma_wait3A_98 = arith.constant 0 : i32
        %dma_wait3A_99 = tpu.memref_slice %arg22[%add3A_17, %dma_wait3A_98] : memref<10240x64xf32, #tpu.memory_space<vmem_shared>> -> memref<80x64xf32, #tpu.memory_space<vmem_shared>>
        %dma_wait3A_100 = arith.constant 0 : i32
        %dma_wait3A_101 = tpu.memref_slice %arg22[%add3A_17, %dma_wait3A_100] : memref<10240x64xf32, #tpu.memory_space<vmem_shared>> -> memref<80x64xf32, #tpu.memory_space<vmem_shared>>
        tpu.wait_dma2 semaphore(%run_scoped3A : memref<!tpu.dma_semaphore, #tpu.memory_space<semaphore_mem>>) src(%arg20 : memref<80x64xf32, #tpu.memory_space<vmem>>) dst(%dma_wait3A_101 : memref<80x64xf32, #tpu.memory_space<vmem_shared>>)
        tpu.yield
      }) : () -> ()
      %add3A_18 = arith.constant 80 : i32
      %add3A_19 = arith.addi %mul3A_12, %add3A_18 : i32
      "tpu.region"() ({
        %run_scoped3A = tpu.sem_alloc : memref<!tpu.dma_semaphore, #tpu.memory_space<semaphore_mem>>
        %dma_start3A_94 = arith.constant 0 : i32
        %dma_start3A_95 = tpu.memref_slice %arg23[%add3A_19, %dma_start3A_94] : memref<10240x64xf32, #tpu.memory_space<vmem_shared>> -> memref<80x64xf32, #tpu.memory_space<vmem_shared>>
        %dma_start3A_96 = arith.constant 0 : i32
        %dma_start3A_97 = tpu.memref_slice %arg23[%add3A_19, %dma_start3A_96] : memref<10240x64xf32, #tpu.memory_space<vmem_shared>> -> memref<80x64xf32, #tpu.memory_space<vmem_shared>>
        tpu.enqueue_dma source(%arg20 : memref<80x64xf32, #tpu.memory_space<vmem>>) target(%dma_start3A_97 : memref<80x64xf32, #tpu.memory_space<vmem_shared>>) target_semaphore(%run_scoped3A : memref<!tpu.dma_semaphore, #tpu.memory_space<semaphore_mem>>)
        %dma_wait3A_98 = arith.constant 0 : i32
        %dma_wait3A_99 = tpu.memref_slice %arg23[%add3A_19, %dma_wait3A_98] : memref<10240x64xf32, #tpu.memory_space<vmem_shared>> -> memref<80x64xf32, #tpu.memory_space<vmem_shared>>
        %dma_wait3A_100 = arith.constant 0 : i32
        %dma_wait3A_101 = tpu.memref_slice %arg23[%add3A_19, %dma_wait3A_100] : memref<10240x64xf32, #tpu.memory_space<vmem_shared>> -> memref<80x64xf32, #tpu.memory_space<vmem_shared>>
        tpu.wait_dma2 semaphore(%run_scoped3A : memref<!tpu.dma_semaphore, #tpu.memory_space<semaphore_mem>>) src(%arg20 : memref<80x64xf32, #tpu.memory_space<vmem>>) dst(%dma_wait3A_101 : memref<80x64xf32, #tpu.memory_space<vmem_shared>>)
        tpu.yield
      }) : () -> ()
      %add3A_20 = arith.constant 160 : i32
      %add3A_21 = arith.addi %mul3A_12, %add3A_20 : i32
      "tpu.region"() ({
        %run_scoped3A = tpu.sem_alloc : memref<!tpu.dma_semaphore, #tpu.memory_space<semaphore_mem>>
        %dma_start3A_94 = arith.constant 0 : i32
        %dma_start3A_95 = tpu.memref_slice %arg22[%add3A_21, %dma_start3A_94] : memref<10240x64xf32, #tpu.memory_space<vmem_shared>> -> memref<80x64xf32, #tpu.memory_space<vmem_shared>>
        %dma_start3A_96 = arith.constant 0 : i32
        %dma_start3A_97 = tpu.memref_slice %arg22[%add3A_21, %dma_start3A_96] : memref<10240x64xf32, #tpu.memory_space<vmem_shared>> -> memref<80x64xf32, #tpu.memory_space<vmem_shared>>
        tpu.enqueue_dma source(%arg20 : memref<80x64xf32, #tpu.memory_space<vmem>>) target(%dma_start3A_97 : memref<80x64xf32, #tpu.memory_space<vmem_shared>>) target_semaphore(%run_scoped3A : memref<!tpu.dma_semaphore, #tpu.memory_space<semaphore_mem>>)
        %dma_wait3A_98 = arith.constant 0 : i32
        %dma_wait3A_99 = tpu.memref_slice %arg22[%add3A_21, %dma_wait3A_98] : memref<10240x64xf32, #tpu.memory_space<vmem_shared>> -> memref<80x64xf32, #tpu.memory_space<vmem_shared>>
        %dma_wait3A_100 = arith.constant 0 : i32
        %dma_wait3A_101 = tpu.memref_slice %arg22[%add3A_21, %dma_wait3A_100] : memref<10240x64xf32, #tpu.memory_space<vmem_shared>> -> memref<80x64xf32, #tpu.memory_space<vmem_shared>>
        tpu.wait_dma2 semaphore(%run_scoped3A : memref<!tpu.dma_semaphore, #tpu.memory_space<semaphore_mem>>) src(%arg20 : memref<80x64xf32, #tpu.memory_space<vmem>>) dst(%dma_wait3A_101 : memref<80x64xf32, #tpu.memory_space<vmem_shared>>)
        tpu.yield
      }) : () -> ()
      %add3A_22 = arith.constant 160 : i32
      %add3A_23 = arith.addi %mul3A_12, %add3A_22 : i32
      "tpu.region"() ({
        %run_scoped3A = tpu.sem_alloc : memref<!tpu.dma_semaphore, #tpu.memory_space<semaphore_mem>>
        %dma_start3A_94 = arith.constant 0 : i32
        %dma_start3A_95 = tpu.memref_slice %arg23[%add3A_23, %dma_start3A_94] : memref<10240x64xf32, #tpu.memory_space<vmem_shared>> -> memref<80x64xf32, #tpu.memory_space<vmem_shared>>
        %dma_start3A_96 = arith.constant 0 : i32
        %dma_start3A_97 = tpu.memref_slice %arg23[%add3A_23, %dma_start3A_96] : memref<10240x64xf32, #tpu.memory_space<vmem_shared>> -> memref<80x64xf32, #tpu.memory_space<vmem_shared>>
        tpu.enqueue_dma source(%arg20 : memref<80x64xf32, #tpu.memory_space<vmem>>) target(%dma_start3A_97 : memref<80x64xf32, #tpu.memory_space<vmem_shared>>) target_semaphore(%run_scoped3A : memref<!tpu.dma_semaphore, #tpu.memory_space<semaphore_mem>>)
        %dma_wait3A_98 = arith.constant 0 : i32
        %dma_wait3A_99 = tpu.memref_slice %arg23[%add3A_23, %dma_wait3A_98] : memref<10240x64xf32, #tpu.memory_space<vmem_shared>> -> memref<80x64xf32, #tpu.memory_space<vmem_shared>>
        %dma_wait3A_100 = arith.constant 0 : i32
        %dma_wait3A_101 = tpu.memref_slice %arg23[%add3A_23, %dma_wait3A_100] : memref<10240x64xf32, #tpu.memory_space<vmem_shared>> -> memref<80x64xf32, #tpu.memory_space<vmem_shared>>
        tpu.wait_dma2 semaphore(%run_scoped3A : memref<!tpu.dma_semaphore, #tpu.memory_space<semaphore_mem>>) src(%arg20 : memref<80x64xf32, #tpu.memory_space<vmem>>) dst(%dma_wait3A_101 : memref<80x64xf32, #tpu.memory_space<vmem_shared>>)
        tpu.yield
      }) : () -> ()
      %add3A_24 = arith.constant 240 : i32
      %add3A_25 = arith.addi %mul3A_12, %add3A_24 : i32
      "tpu.region"() ({
        %run_scoped3A = tpu.sem_alloc : memref<!tpu.dma_semaphore, #tpu.memory_space<semaphore_mem>>
        %dma_start3A_94 = arith.constant 0 : i32
        %dma_start3A_95 = tpu.memref_slice %arg22[%add3A_25, %dma_start3A_94] : memref<10240x64xf32, #tpu.memory_space<vmem_shared>> -> memref<80x64xf32, #tpu.memory_space<vmem_shared>>
        %dma_start3A_96 = arith.constant 0 : i32
        %dma_start3A_97 = tpu.memref_slice %arg22[%add3A_25, %dma_start3A_96] : memref<10240x64xf32, #tpu.memory_space<vmem_shared>> -> memref<80x64xf32, #tpu.memory_space<vmem_shared>>
        tpu.enqueue_dma source(%arg20 : memref<80x64xf32, #tpu.memory_space<vmem>>) target(%dma_start3A_97 : memref<80x64xf32, #tpu.memory_space<vmem_shared>>) target_semaphore(%run_scoped3A : memref<!tpu.dma_semaphore, #tpu.memory_space<semaphore_mem>>)
        %dma_wait3A_98 = arith.constant 0 : i32
        %dma_wait3A_99 = tpu.memref_slice %arg22[%add3A_25, %dma_wait3A_98] : memref<10240x64xf32, #tpu.memory_space<vmem_shared>> -> memref<80x64xf32, #tpu.memory_space<vmem_shared>>
        %dma_wait3A_100 = arith.constant 0 : i32
        %dma_wait3A_101 = tpu.memref_slice %arg22[%add3A_25, %dma_wait3A_100] : memref<10240x64xf32, #tpu.memory_space<vmem_shared>> -> memref<80x64xf32, #tpu.memory_space<vmem_shared>>
        tpu.wait_dma2 semaphore(%run_scoped3A : memref<!tpu.dma_semaphore, #tpu.memory_space<semaphore_mem>>) src(%arg20 : memref<80x64xf32, #tpu.memory_space<vmem>>) dst(%dma_wait3A_101 : memref<80x64xf32, #tpu.memory_space<vmem_shared>>)
        tpu.yield
      }) : () -> ()
      %add3A_26 = arith.constant 240 : i32
      %add3A_27 = arith.addi %mul3A_12, %add3A_26 : i32
      "tpu.region"() ({
        %run_scoped3A = tpu.sem_alloc : memref<!tpu.dma_semaphore, #tpu.memory_space<semaphore_mem>>
        %dma_start3A_94 = arith.constant 0 : i32
        %dma_start3A_95 = tpu.memref_slice %arg23[%add3A_27, %dma_start3A_94] : memref<10240x64xf32, #tpu.memory_space<vmem_shared>> -> memref<80x64xf32, #tpu.memory_space<vmem_shared>>
        %dma_start3A_96 = arith.constant 0 : i32
        %dma_start3A_97 = tpu.memref_slice %arg23[%add3A_27, %dma_start3A_96] : memref<10240x64xf32, #tpu.memory_space<vmem_shared>> -> memref<80x64xf32, #tpu.memory_space<vmem_shared>>
        tpu.enqueue_dma source(%arg20 : memref<80x64xf32, #tpu.memory_space<vmem>>) target(%dma_start3A_97 : memref<80x64xf32, #tpu.memory_space<vmem_shared>>) target_semaphore(%run_scoped3A : memref<!tpu.dma_semaphore, #tpu.memory_space<semaphore_mem>>)
        %dma_wait3A_98 = arith.constant 0 : i32
        %dma_wait3A_99 = tpu.memref_slice %arg23[%add3A_27, %dma_wait3A_98] : memref<10240x64xf32, #tpu.memory_space<vmem_shared>> -> memref<80x64xf32, #tpu.memory_space<vmem_shared>>
        %dma_wait3A_100 = arith.constant 0 : i32
        %dma_wait3A_101 = tpu.memref_slice %arg23[%add3A_27, %dma_wait3A_100] : memref<10240x64xf32, #tpu.memory_space<vmem_shared>> -> memref<80x64xf32, #tpu.memory_space<vmem_shared>>
        tpu.wait_dma2 semaphore(%run_scoped3A : memref<!tpu.dma_semaphore, #tpu.memory_space<semaphore_mem>>) src(%arg20 : memref<80x64xf32, #tpu.memory_space<vmem>>) dst(%dma_wait3A_101 : memref<80x64xf32, #tpu.memory_space<vmem_shared>>)
        tpu.yield
      }) : () -> ()
      %add3A_28 = arith.constant 320 : i32
      %add3A_29 = arith.addi %mul3A_12, %add3A_28 : i32
      "tpu.region"() ({
        %run_scoped3A = tpu.sem_alloc : memref<!tpu.dma_semaphore, #tpu.memory_space<semaphore_mem>>
        %dma_start3A_94 = arith.constant 0 : i32
        %dma_start3A_95 = tpu.memref_slice %arg22[%add3A_29, %dma_start3A_94] : memref<10240x64xf32, #tpu.memory_space<vmem_shared>> -> memref<80x64xf32, #tpu.memory_space<vmem_shared>>
        %dma_start3A_96 = arith.constant 0 : i32
        %dma_start3A_97 = tpu.memref_slice %arg22[%add3A_29, %dma_start3A_96] : memref<10240x64xf32, #tpu.memory_space<vmem_shared>> -> memref<80x64xf32, #tpu.memory_space<vmem_shared>>
        tpu.enqueue_dma source(%arg20 : memref<80x64xf32, #tpu.memory_space<vmem>>) target(%dma_start3A_97 : memref<80x64xf32, #tpu.memory_space<vmem_shared>>) target_semaphore(%run_scoped3A : memref<!tpu.dma_semaphore, #tpu.memory_space<semaphore_mem>>)
        %dma_wait3A_98 = arith.constant 0 : i32
        %dma_wait3A_99 = tpu.memref_slice %arg22[%add3A_29, %dma_wait3A_98] : memref<10240x64xf32, #tpu.memory_space<vmem_shared>> -> memref<80x64xf32, #tpu.memory_space<vmem_shared>>
        %dma_wait3A_100 = arith.constant 0 : i32
        %dma_wait3A_101 = tpu.memref_slice %arg22[%add3A_29, %dma_wait3A_100] : memref<10240x64xf32, #tpu.memory_space<vmem_shared>> -> memref<80x64xf32, #tpu.memory_space<vmem_shared>>
        tpu.wait_dma2 semaphore(%run_scoped3A : memref<!tpu.dma_semaphore, #tpu.memory_space<semaphore_mem>>) src(%arg20 : memref<80x64xf32, #tpu.memory_space<vmem>>) dst(%dma_wait3A_101 : memref<80x64xf32, #tpu.memory_space<vmem_shared>>)
        tpu.yield
      }) : () -> ()
      %add3A_30 = arith.constant 320 : i32
      %add3A_31 = arith.addi %mul3A_12, %add3A_30 : i32
      "tpu.region"() ({
        %run_scoped3A = tpu.sem_alloc : memref<!tpu.dma_semaphore, #tpu.memory_space<semaphore_mem>>
        %dma_start3A_94 = arith.constant 0 : i32
        %dma_start3A_95 = tpu.memref_slice %arg23[%add3A_31, %dma_start3A_94] : memref<10240x64xf32, #tpu.memory_space<vmem_shared>> -> memref<80x64xf32, #tpu.memory_space<vmem_shared>>
        %dma_start3A_96 = arith.constant 0 : i32
        %dma_start3A_97 = tpu.memref_slice %arg23[%add3A_31, %dma_start3A_96] : memref<10240x64xf32, #tpu.memory_space<vmem_shared>> -> memref<80x64xf32, #tpu.memory_space<vmem_shared>>
        tpu.enqueue_dma source(%arg20 : memref<80x64xf32, #tpu.memory_space<vmem>>) target(%dma_start3A_97 : memref<80x64xf32, #tpu.memory_space<vmem_shared>>) target_semaphore(%run_scoped3A : memref<!tpu.dma_semaphore, #tpu.memory_space<semaphore_mem>>)
        %dma_wait3A_98 = arith.constant 0 : i32
        %dma_wait3A_99 = tpu.memref_slice %arg23[%add3A_31, %dma_wait3A_98] : memref<10240x64xf32, #tpu.memory_space<vmem_shared>> -> memref<80x64xf32, #tpu.memory_space<vmem_shared>>
        %dma_wait3A_100 = arith.constant 0 : i32
        %dma_wait3A_101 = tpu.memref_slice %arg23[%add3A_31, %dma_wait3A_100] : memref<10240x64xf32, #tpu.memory_space<vmem_shared>> -> memref<80x64xf32, #tpu.memory_space<vmem_shared>>
        tpu.wait_dma2 semaphore(%run_scoped3A : memref<!tpu.dma_semaphore, #tpu.memory_space<semaphore_mem>>) src(%arg20 : memref<80x64xf32, #tpu.memory_space<vmem>>) dst(%dma_wait3A_101 : memref<80x64xf32, #tpu.memory_space<vmem_shared>>)
        tpu.yield
      }) : () -> ()
      %add3A_32 = arith.constant 400 : i32
      %add3A_33 = arith.addi %mul3A_12, %add3A_32 : i32
      "tpu.region"() ({
        %run_scoped3A = tpu.sem_alloc : memref<!tpu.dma_semaphore, #tpu.memory_space<semaphore_mem>>
        %dma_start3A_94 = arith.constant 0 : i32
        %dma_start3A_95 = tpu.memref_slice %arg22[%add3A_33, %dma_start3A_94] : memref<10240x64xf32, #tpu.memory_space<vmem_shared>> -> memref<80x64xf32, #tpu.memory_space<vmem_shared>>
        %dma_start3A_96 = arith.constant 0 : i32
        %dma_start3A_97 = tpu.memref_slice %arg22[%add3A_33, %dma_start3A_96] : memref<10240x64xf32, #tpu.memory_space<vmem_shared>> -> memref<80x64xf32, #tpu.memory_space<vmem_shared>>
        tpu.enqueue_dma source(%arg20 : memref<80x64xf32, #tpu.memory_space<vmem>>) target(%dma_start3A_97 : memref<80x64xf32, #tpu.memory_space<vmem_shared>>) target_semaphore(%run_scoped3A : memref<!tpu.dma_semaphore, #tpu.memory_space<semaphore_mem>>)
        %dma_wait3A_98 = arith.constant 0 : i32
        %dma_wait3A_99 = tpu.memref_slice %arg22[%add3A_33, %dma_wait3A_98] : memref<10240x64xf32, #tpu.memory_space<vmem_shared>> -> memref<80x64xf32, #tpu.memory_space<vmem_shared>>
        %dma_wait3A_100 = arith.constant 0 : i32
        %dma_wait3A_101 = tpu.memref_slice %arg22[%add3A_33, %dma_wait3A_100] : memref<10240x64xf32, #tpu.memory_space<vmem_shared>> -> memref<80x64xf32, #tpu.memory_space<vmem_shared>>
        tpu.wait_dma2 semaphore(%run_scoped3A : memref<!tpu.dma_semaphore, #tpu.memory_space<semaphore_mem>>) src(%arg20 : memref<80x64xf32, #tpu.memory_space<vmem>>) dst(%dma_wait3A_101 : memref<80x64xf32, #tpu.memory_space<vmem_shared>>)
        tpu.yield
      }) : () -> ()
      %add3A_34 = arith.constant 400 : i32
      %add3A_35 = arith.addi %mul3A_12, %add3A_34 : i32
      "tpu.region"() ({
        %run_scoped3A = tpu.sem_alloc : memref<!tpu.dma_semaphore, #tpu.memory_space<semaphore_mem>>
        %dma_start3A_94 = arith.constant 0 : i32
        %dma_start3A_95 = tpu.memref_slice %arg23[%add3A_35, %dma_start3A_94] : memref<10240x64xf32, #tpu.memory_space<vmem_shared>> -> memref<80x64xf32, #tpu.memory_space<vmem_shared>>
        %dma_start3A_96 = arith.constant 0 : i32
        %dma_start3A_97 = tpu.memref_slice %arg23[%add3A_35, %dma_start3A_96] : memref<10240x64xf32, #tpu.memory_space<vmem_shared>> -> memref<80x64xf32, #tpu.memory_space<vmem_shared>>
        tpu.enqueue_dma source(%arg20 : memref<80x64xf32, #tpu.memory_space<vmem>>) target(%dma_start3A_97 : memref<80x64xf32, #tpu.memory_space<vmem_shared>>) target_semaphore(%run_scoped3A : memref<!tpu.dma_semaphore, #tpu.memory_space<semaphore_mem>>)
        %dma_wait3A_98 = arith.constant 0 : i32
        %dma_wait3A_99 = tpu.memref_slice %arg23[%add3A_35, %dma_wait3A_98] : memref<10240x64xf32, #tpu.memory_space<vmem_shared>> -> memref<80x64xf32, #tpu.memory_space<vmem_shared>>
        %dma_wait3A_100 = arith.constant 0 : i32
        %dma_wait3A_101 = tpu.memref_slice %arg23[%add3A_35, %dma_wait3A_100] : memref<10240x64xf32, #tpu.memory_space<vmem_shared>> -> memref<80x64xf32, #tpu.memory_space<vmem_shared>>
        tpu.wait_dma2 semaphore(%run_scoped3A : memref<!tpu.dma_semaphore, #tpu.memory_space<semaphore_mem>>) src(%arg20 : memref<80x64xf32, #tpu.memory_space<vmem>>) dst(%dma_wait3A_101 : memref<80x64xf32, #tpu.memory_space<vmem_shared>>)
        tpu.yield
      }) : () -> ()
      %add3A_36 = arith.constant 480 : i32
      %add3A_37 = arith.addi %mul3A_12, %add3A_36 : i32
      "tpu.region"() ({
        %run_scoped3A = tpu.sem_alloc : memref<!tpu.dma_semaphore, #tpu.memory_space<semaphore_mem>>
        %dma_start3A_94 = arith.constant 0 : i32
        %dma_start3A_95 = tpu.memref_slice %arg22[%add3A_37, %dma_start3A_94] : memref<10240x64xf32, #tpu.memory_space<vmem_shared>> -> memref<80x64xf32, #tpu.memory_space<vmem_shared>>
        %dma_start3A_96 = arith.constant 0 : i32
        %dma_start3A_97 = tpu.memref_slice %arg22[%add3A_37, %dma_start3A_96] : memref<10240x64xf32, #tpu.memory_space<vmem_shared>> -> memref<80x64xf32, #tpu.memory_space<vmem_shared>>
        tpu.enqueue_dma source(%arg20 : memref<80x64xf32, #tpu.memory_space<vmem>>) target(%dma_start3A_97 : memref<80x64xf32, #tpu.memory_space<vmem_shared>>) target_semaphore(%run_scoped3A : memref<!tpu.dma_semaphore, #tpu.memory_space<semaphore_mem>>)
        %dma_wait3A_98 = arith.constant 0 : i32
        %dma_wait3A_99 = tpu.memref_slice %arg22[%add3A_37, %dma_wait3A_98] : memref<10240x64xf32, #tpu.memory_space<vmem_shared>> -> memref<80x64xf32, #tpu.memory_space<vmem_shared>>
        %dma_wait3A_100 = arith.constant 0 : i32
        %dma_wait3A_101 = tpu.memref_slice %arg22[%add3A_37, %dma_wait3A_100] : memref<10240x64xf32, #tpu.memory_space<vmem_shared>> -> memref<80x64xf32, #tpu.memory_space<vmem_shared>>
        tpu.wait_dma2 semaphore(%run_scoped3A : memref<!tpu.dma_semaphore, #tpu.memory_space<semaphore_mem>>) src(%arg20 : memref<80x64xf32, #tpu.memory_space<vmem>>) dst(%dma_wait3A_101 : memref<80x64xf32, #tpu.memory_space<vmem_shared>>)
        tpu.yield
      }) : () -> ()
      %add3A_38 = arith.constant 480 : i32
      %add3A_39 = arith.addi %mul3A_12, %add3A_38 : i32
      "tpu.region"() ({
        %run_scoped3A = tpu.sem_alloc : memref<!tpu.dma_semaphore, #tpu.memory_space<semaphore_mem>>
        %dma_start3A_94 = arith.constant 0 : i32
        %dma_start3A_95 = tpu.memref_slice %arg23[%add3A_39, %dma_start3A_94] : memref<10240x64xf32, #tpu.memory_space<vmem_shared>> -> memref<80x64xf32, #tpu.memory_space<vmem_shared>>
        %dma_start3A_96 = arith.constant 0 : i32
        %dma_start3A_97 = tpu.memref_slice %arg23[%add3A_39, %dma_start3A_96] : memref<10240x64xf32, #tpu.memory_space<vmem_shared>> -> memref<80x64xf32, #tpu.memory_space<vmem_shared>>
        tpu.enqueue_dma source(%arg20 : memref<80x64xf32, #tpu.memory_space<vmem>>) target(%dma_start3A_97 : memref<80x64xf32, #tpu.memory_space<vmem_shared>>) target_semaphore(%run_scoped3A : memref<!tpu.dma_semaphore, #tpu.memory_space<semaphore_mem>>)
        %dma_wait3A_98 = arith.constant 0 : i32
        %dma_wait3A_99 = tpu.memref_slice %arg23[%add3A_39, %dma_wait3A_98] : memref<10240x64xf32, #tpu.memory_space<vmem_shared>> -> memref<80x64xf32, #tpu.memory_space<vmem_shared>>
        %dma_wait3A_100 = arith.constant 0 : i32
        %dma_wait3A_101 = tpu.memref_slice %arg23[%add3A_39, %dma_wait3A_100] : memref<10240x64xf32, #tpu.memory_space<vmem_shared>> -> memref<80x64xf32, #tpu.memory_space<vmem_shared>>
        tpu.wait_dma2 semaphore(%run_scoped3A : memref<!tpu.dma_semaphore, #tpu.memory_space<semaphore_mem>>) src(%arg20 : memref<80x64xf32, #tpu.memory_space<vmem>>) dst(%dma_wait3A_101 : memref<80x64xf32, #tpu.memory_space<vmem_shared>>)
        tpu.yield
      }) : () -> ()
      %add3A_40 = arith.constant 560 : i32
      %add3A_41 = arith.addi %mul3A_12, %add3A_40 : i32
      "tpu.region"() ({
        %run_scoped3A = tpu.sem_alloc : memref<!tpu.dma_semaphore, #tpu.memory_space<semaphore_mem>>
        %dma_start3A_94 = arith.constant 0 : i32
        %dma_start3A_95 = tpu.memref_slice %arg22[%add3A_41, %dma_start3A_94] : memref<10240x64xf32, #tpu.memory_space<vmem_shared>> -> memref<80x64xf32, #tpu.memory_space<vmem_shared>>
        %dma_start3A_96 = arith.constant 0 : i32
        %dma_start3A_97 = tpu.memref_slice %arg22[%add3A_41, %dma_start3A_96] : memref<10240x64xf32, #tpu.memory_space<vmem_shared>> -> memref<80x64xf32, #tpu.memory_space<vmem_shared>>
        tpu.enqueue_dma source(%arg20 : memref<80x64xf32, #tpu.memory_space<vmem>>) target(%dma_start3A_97 : memref<80x64xf32, #tpu.memory_space<vmem_shared>>) target_semaphore(%run_scoped3A : memref<!tpu.dma_semaphore, #tpu.memory_space<semaphore_mem>>)
        %dma_wait3A_98 = arith.constant 0 : i32
        %dma_wait3A_99 = tpu.memref_slice %arg22[%add3A_41, %dma_wait3A_98] : memref<10240x64xf32, #tpu.memory_space<vmem_shared>> -> memref<80x64xf32, #tpu.memory_space<vmem_shared>>
        %dma_wait3A_100 = arith.constant 0 : i32
        %dma_wait3A_101 = tpu.memref_slice %arg22[%add3A_41, %dma_wait3A_100] : memref<10240x64xf32, #tpu.memory_space<vmem_shared>> -> memref<80x64xf32, #tpu.memory_space<vmem_shared>>
        tpu.wait_dma2 semaphore(%run_scoped3A : memref<!tpu.dma_semaphore, #tpu.memory_space<semaphore_mem>>) src(%arg20 : memref<80x64xf32, #tpu.memory_space<vmem>>) dst(%dma_wait3A_101 : memref<80x64xf32, #tpu.memory_space<vmem_shared>>)
        tpu.yield
      }) : () -> ()
      %add3A_42 = arith.constant 560 : i32
      %add3A_43 = arith.addi %mul3A_12, %add3A_42 : i32
      "tpu.region"() ({
        %run_scoped3A = tpu.sem_alloc : memref<!tpu.dma_semaphore, #tpu.memory_space<semaphore_mem>>
        %dma_start3A_94 = arith.constant 0 : i32
        %dma_start3A_95 = tpu.memref_slice %arg23[%add3A_43, %dma_start3A_94] : memref<10240x64xf32, #tpu.memory_space<vmem_shared>> -> memref<80x64xf32, #tpu.memory_space<vmem_shared>>
        %dma_start3A_96 = arith.constant 0 : i32
        %dma_start3A_97 = tpu.memref_slice %arg23[%add3A_43, %dma_start3A_96] : memref<10240x64xf32, #tpu.memory_space<vmem_shared>> -> memref<80x64xf32, #tpu.memory_space<vmem_shared>>
        tpu.enqueue_dma source(%arg20 : memref<80x64xf32, #tpu.memory_space<vmem>>) target(%dma_start3A_97 : memref<80x64xf32, #tpu.memory_space<vmem_shared>>) target_semaphore(%run_scoped3A : memref<!tpu.dma_semaphore, #tpu.memory_space<semaphore_mem>>)
        %dma_wait3A_98 = arith.constant 0 : i32
        %dma_wait3A_99 = tpu.memref_slice %arg23[%add3A_43, %dma_wait3A_98] : memref<10240x64xf32, #tpu.memory_space<vmem_shared>> -> memref<80x64xf32, #tpu.memory_space<vmem_shared>>
        %dma_wait3A_100 = arith.constant 0 : i32
        %dma_wait3A_101 = tpu.memref_slice %arg23[%add3A_43, %dma_wait3A_100] : memref<10240x64xf32, #tpu.memory_space<vmem_shared>> -> memref<80x64xf32, #tpu.memory_space<vmem_shared>>
        tpu.wait_dma2 semaphore(%run_scoped3A : memref<!tpu.dma_semaphore, #tpu.memory_space<semaphore_mem>>) src(%arg20 : memref<80x64xf32, #tpu.memory_space<vmem>>) dst(%dma_wait3A_101 : memref<80x64xf32, #tpu.memory_space<vmem_shared>>)
        tpu.yield
      }) : () -> ()
      %barrier3A = arith.constant 0 : index
      tpu.barrier barrier_id(%barrier3A)
      %mul3A_44 = arith.constant 20000 : i32
      %mul3A_45 = arith.muli %arg1, %mul3A_44 : i32
      %add3A_46 = arith.constant 0 : i32
      %add3A_47 = arith.addi %mul3A_45, %add3A_46 : i32
      %dma_start3A = tpu.memref_slice %arg2[%add3A_47] : memref<320000xi32, #tpu.memory_space<hbm>> -> memref<80xi32, #tpu.memory_space<hbm>>
      %dma_start3A_48 = tpu.memref_slice %arg2[%add3A_47] : memref<320000xi32, #tpu.memory_space<hbm>> -> memref<80xi32, #tpu.memory_space<hbm>>
      tpu.enqueue_dma source(%dma_start3A_48 : memref<80xi32, #tpu.memory_space<hbm>>) target(%arg14 : memref<80xi32, #tpu.memory_space<vmem>>) target_semaphore(%arg24 : memref<!tpu.dma_semaphore, #tpu.memory_space<semaphore_mem>>)
      %add3A_49 = arith.constant 0 : i32
      %add3A_50 = arith.addi %mul3A_45, %add3A_49 : i32
      %dma_start3A_51 = tpu.memref_slice %arg3[%add3A_50] : memref<320000xi32, #tpu.memory_space<hbm>> -> memref<80xi32, #tpu.memory_space<hbm>>
      %dma_start3A_52 = tpu.memref_slice %arg3[%add3A_50] : memref<320000xi32, #tpu.memory_space<hbm>> -> memref<80xi32, #tpu.memory_space<hbm>>
      tpu.enqueue_dma source(%dma_start3A_52 : memref<80xi32, #tpu.memory_space<hbm>>) target(%arg16 : memref<80xi32, #tpu.memory_space<vmem>>) target_semaphore(%arg24 : memref<!tpu.dma_semaphore, #tpu.memory_space<semaphore_mem>>)
      %dma_wait3A = tpu.memref_slice %arg2[%mul3A_45] : memref<320000xi32, #tpu.memory_space<hbm>> -> memref<80xi32, #tpu.memory_space<hbm>>
      %dma_wait3A_53 = tpu.memref_slice %arg2[%mul3A_45] : memref<320000xi32, #tpu.memory_space<hbm>> -> memref<80xi32, #tpu.memory_space<hbm>>
      tpu.wait_dma2 semaphore(%arg24 : memref<!tpu.dma_semaphore, #tpu.memory_space<semaphore_mem>>) src(%dma_wait3A_53 : memref<80xi32, #tpu.memory_space<hbm>>) dst(%arg14 : memref<80xi32, #tpu.memory_space<vmem>>)
      %dma_wait3A_54 = tpu.memref_slice %arg3[%mul3A_45] : memref<320000xi32, #tpu.memory_space<hbm>> -> memref<80xi32, #tpu.memory_space<hbm>>
      %dma_wait3A_55 = tpu.memref_slice %arg3[%mul3A_45] : memref<320000xi32, #tpu.memory_space<hbm>> -> memref<80xi32, #tpu.memory_space<hbm>>
      tpu.wait_dma2 semaphore(%arg24 : memref<!tpu.dma_semaphore, #tpu.memory_space<semaphore_mem>>) src(%dma_wait3A_55 : memref<80xi32, #tpu.memory_space<hbm>>) dst(%arg16 : memref<80xi32, #tpu.memory_space<vmem>>)
      %add3A_56 = arith.constant 0 : i32
      %add3A_57 = arith.addi %mul3A_45, %add3A_56 : i32
      %dma_start3A_58 = arith.constant 0 : i32
      %dma_start3A_59 = tpu.memref_slice %arg4[%add3A_57, %dma_start3A_58] : memref<320000x128xf32, #tpu.memory_space<hbm>> -> memref<80x64xf32, #tpu.memory_space<hbm>>
      %dma_start3A_60 = arith.constant 0 : i32
      %dma_start3A_61 = tpu.memref_slice %arg4[%add3A_57, %dma_start3A_60] : memref<320000x128xf32, #tpu.memory_space<hbm>> -> memref<80x64xf32, #tpu.memory_space<hbm>>
      tpu.enqueue_dma source(%dma_start3A_61 : memref<80x64xf32, #tpu.memory_space<hbm>>) target(%arg18 : memref<80x64xf32, #tpu.memory_space<vmem>>) target_semaphore(%arg26 : memref<!tpu.dma_semaphore, #tpu.memory_space<semaphore_mem>>)
      %dma_start3A_62 = arith.constant 0 : i32
      %dma_start3A_63 = arith.constant 0 : i32
      %dma_start3A_64 = tpu.memref_slice %arg5[%dma_start3A_62, %dma_start3A_63] : memref<10000x64xf32, #tpu.memory_space<hbm>> -> memref<10000x64xf32, #tpu.memory_space<hbm>>
      tpu.enqueue_indirect_dma source(%dma_start3A_64 : memref<10000x64xf32, #tpu.memory_space<hbm>>) target(%arg20 : memref<80x64xf32, #tpu.memory_space<vmem>>) offsets(%arg14 : memref<80xi32, #tpu.memory_space<vmem>>) semaphore(%arg28 : memref<!tpu.dma_semaphore, #tpu.memory_space<semaphore_mem>>)
      %dma_start3A_65 = arith.constant 0 : i32
      %dma_start3A_66 = arith.constant 0 : i32
      %dma_start3A_67 = tpu.memref_slice %arg7[%dma_start3A_65, %dma_start3A_66] : memref<10000x64xf32, #tpu.memory_space<hbm>> -> memref<10000x64xf32, #tpu.memory_space<hbm>>
      tpu.enqueue_indirect_dma source(%dma_start3A_67 : memref<10000x64xf32, #tpu.memory_space<hbm>>) target(%arg21 : memref<80x64xf32, #tpu.memory_space<vmem>>) offsets(%arg16 : memref<80xi32, #tpu.memory_space<vmem>>) semaphore(%arg29 : memref<!tpu.dma_semaphore, #tpu.memory_space<semaphore_mem>>)
      %scan3A_68 = arith.constant 0 : i32
      %scan3A_69 = arith.constant 125 : i32
      %scan3A_70 = arith.addi %scan3A_68, %scan3A_69 : i32
      %scan3A_71 = arith.constant 1 : i32
      scf.for %scan3A_94 = %scan3A_68 to %scan3A_70 step %scan3A_71  : i32 {
        %mul3A_95 = arith.constant 2 : i32
        %mul3A_96 = arith.muli %mul3A_95, %scan3A_94 : i32
        %add3A_97 = arith.constant 0 : i32
        %add3A_98 = arith.addi %mul3A_96, %add3A_97 : i32
        %add3A_99 = arith.constant 1 : i32
        %add3A_100 = arith.addi %add3A_98, %add3A_99 : i32
        %min3A = arith.constant 249 : i32
        %min3A_101 = arith.minsi %add3A_100, %min3A : i32
        %dma_wait3A_102 = arith.constant 0 : i32
        %dma_wait3A_103 = tpu.memref_slice %arg4[%mul3A_45, %dma_wait3A_102] : memref<320000x128xf32, #tpu.memory_space<hbm>> -> memref<80x64xf32, #tpu.memory_space<hbm>>
        %dma_wait3A_104 = arith.constant 0 : i32
        %dma_wait3A_105 = tpu.memref_slice %arg4[%mul3A_45, %dma_wait3A_104] : memref<320000x128xf32, #tpu.memory_space<hbm>> -> memref<80x64xf32, #tpu.memory_space<hbm>>
        tpu.wait_dma2 semaphore(%arg26 : memref<!tpu.dma_semaphore, #tpu.memory_space<semaphore_mem>>) src(%dma_wait3A_105 : memref<80x64xf32, #tpu.memory_space<hbm>>) dst(%arg18 : memref<80x64xf32, #tpu.memory_space<vmem>>)
        %dma_wait3A_106 = arith.constant 0 : i32
        %dma_wait3A_107 = arith.constant 0 : i32
        %dma_wait3A_108 = tpu.memref_slice %arg5[%dma_wait3A_106, %dma_wait3A_107] : memref<10000x64xf32, #tpu.memory_space<hbm>> -> memref<10000x64xf32, #tpu.memory_space<hbm>>
        tpu.wait_indirect_dma semaphore(%arg28 : memref<!tpu.dma_semaphore, #tpu.memory_space<semaphore_mem>>) src(%dma_wait3A_108 : memref<10000x64xf32, #tpu.memory_space<hbm>>) dst(%arg20 : memref<80x64xf32, #tpu.memory_space<vmem>>)
        %dma_wait3A_109 = arith.constant 0 : i32
        %dma_wait3A_110 = arith.constant 0 : i32
        %dma_wait3A_111 = tpu.memref_slice %arg7[%dma_wait3A_109, %dma_wait3A_110] : memref<10000x64xf32, #tpu.memory_space<hbm>> -> memref<10000x64xf32, #tpu.memory_space<hbm>>
        tpu.wait_indirect_dma semaphore(%arg29 : memref<!tpu.dma_semaphore, #tpu.memory_space<semaphore_mem>>) src(%dma_wait3A_111 : memref<10000x64xf32, #tpu.memory_space<hbm>>) dst(%arg21 : memref<80x64xf32, #tpu.memory_space<vmem>>)
        %scan3A_112 = arith.constant 0 : i32
        %scan3A_113 = arith.constant 80 : i32
        %scan3A_114 = arith.addi %scan3A_112, %scan3A_113 : i32
        %scan3A_115 = arith.constant 1 : i32
        scf.for %scan3A_229 = %scan3A_112 to %scan3A_114 step %scan3A_115  : i32 {
          %get3A = arith.index_cast %scan3A_229 : i32 to index
          %get3A_230 = arith.constant 0 : index
          %get3A_231 = tpu.vector_load %arg18[%get3A, %get3A_230] {strides = array<i32>} : memref<80x64xf32, #tpu.memory_space<vmem>>, vector<1x16xf32>,
          %get3A_232 = vector.shape_cast %get3A_231 : vector<1x16xf32> to vector<16xf32>
          %get3A_233 = arith.index_cast %scan3A_229 : i32 to index
          %get3A_234 = arith.constant 0 : index
          %get3A_235 = tpu.vector_load %arg20[%get3A_233, %get3A_234] {strides = array<i32>} : memref<80x64xf32, #tpu.memory_space<vmem>>, vector<1x16xf32>,
          %get3A_236 = vector.shape_cast %get3A_235 : vector<1x16xf32> to vector<16xf32>
          %add3A_237 = arith.addf %get3A_232, %get3A_236 : vector<16xf32>
          %get3A_238 = arith.index_cast %scan3A_229 : i32 to index
          %get3A_239 = arith.constant 0 : index
          %get3A_240 = tpu.vector_load %arg21[%get3A_238, %get3A_239] {strides = array<i32>} : memref<80x64xf32, #tpu.memory_space<vmem>>, vector<1x16xf32>,
          %get3A_241 = vector.shape_cast %get3A_240 : vector<1x16xf32> to vector<16xf32>
          %add3A_242 = arith.addf %add3A_237, %get3A_241 : vector<16xf32>
          %swap3A = arith.index_cast %scan3A_229 : i32 to index
          %swap3A_243 = arith.constant 0 : index
          %swap3A_244 = tpu.vector_load %arg18[%swap3A, %swap3A_243] {strides = array<i32>} : memref<80x64xf32, #tpu.memory_space<vmem>>, vector<1x16xf32>,
          %swap3A_245 = vector.shape_cast %swap3A_244 : vector<1x16xf32> to vector<16xf32>
          %swap3A_246 = vector.shape_cast %add3A_242 : vector<16xf32> to vector<1x16xf32>
          tpu.vector_store %arg18[%swap3A, %swap3A_243], %swap3A_246 {strides = array<i32>} : memref<80x64xf32, #tpu.memory_space<vmem>>, vector<1x16xf32>,
          %get3A_247 = arith.index_cast %scan3A_229 : i32 to index
          %get3A_248 = arith.constant 16 : index
          %get3A_249 = tpu.vector_load %arg18[%get3A_247, %get3A_248] {strides = array<i32>} : memref<80x64xf32, #tpu.memory_space<vmem>>, vector<1x16xf32>,
          %get3A_250 = vector.shape_cast %get3A_249 : vector<1x16xf32> to vector<16xf32>
          %get3A_251 = arith.index_cast %scan3A_229 : i32 to index
          %get3A_252 = arith.constant 16 : index
          %get3A_253 = tpu.vector_load %arg20[%get3A_251, %get3A_252] {strides = array<i32>} : memref<80x64xf32, #tpu.memory_space<vmem>>, vector<1x16xf32>,
          %get3A_254 = vector.shape_cast %get3A_253 : vector<1x16xf32> to vector<16xf32>
          %add3A_255 = arith.addf %get3A_250, %get3A_254 : vector<16xf32>
          %get3A_256 = arith.index_cast %scan3A_229 : i32 to index
          %get3A_257 = arith.constant 16 : index
          %get3A_258 = tpu.vector_load %arg21[%get3A_256, %get3A_257] {strides = array<i32>} : memref<80x64xf32, #tpu.memory_space<vmem>>, vector<1x16xf32>,
          %get3A_259 = vector.shape_cast %get3A_258 : vector<1x16xf32> to vector<16xf32>
          %add3A_260 = arith.addf %add3A_255, %get3A_259 : vector<16xf32>
          %swap3A_261 = arith.index_cast %scan3A_229 : i32 to index
          %swap3A_262 = arith.constant 16 : index
          %swap3A_263 = tpu.vector_load %arg18[%swap3A_261, %swap3A_262] {strides = array<i32>} : memref<80x64xf32, #tpu.memory_space<vmem>>, vector<1x16xf32>,
          %swap3A_264 = vector.shape_cast %swap3A_263 : vector<1x16xf32> to vector<16xf32>
          %swap3A_265 = vector.shape_cast %add3A_260 : vector<16xf32> to vector<1x16xf32>
          tpu.vector_store %arg18[%swap3A_261, %swap3A_262], %swap3A_265 {strides = array<i32>} : memref<80x64xf32, #tpu.memory_space<vmem>>, vector<1x16xf32>,
          %get3A_266 = arith.index_cast %scan3A_229 : i32 to index
          %get3A_267 = arith.constant 32 : index
          %get3A_268 = tpu.vector_load %arg18[%get3A_266, %get3A_267] {strides = array<i32>} : memref<80x64xf32, #tpu.memory_space<vmem>>, vector<1x16xf32>,
          %get3A_269 = vector.shape_cast %get3A_268 : vector<1x16xf32> to vector<16xf32>
          %get3A_270 = arith.index_cast %scan3A_229 : i32 to index
          %get3A_271 = arith.constant 32 : index
          %get3A_272 = tpu.vector_load %arg20[%get3A_270, %get3A_271] {strides = array<i32>} : memref<80x64xf32, #tpu.memory_space<vmem>>, vector<1x16xf32>,
          %get3A_273 = vector.shape_cast %get3A_272 : vector<1x16xf32> to vector<16xf32>
          %add3A_274 = arith.addf %get3A_269, %get3A_273 : vector<16xf32>
          %get3A_275 = arith.index_cast %scan3A_229 : i32 to index
          %get3A_276 = arith.constant 32 : index
          %get3A_277 = tpu.vector_load %arg21[%get3A_275, %get3A_276] {strides = array<i32>} : memref<80x64xf32, #tpu.memory_space<vmem>>, vector<1x16xf32>,
          %get3A_278 = vector.shape_cast %get3A_277 : vector<1x16xf32> to vector<16xf32>
          %add3A_279 = arith.addf %add3A_274, %get3A_278 : vector<16xf32>
          %swap3A_280 = arith.index_cast %scan3A_229 : i32 to index
          %swap3A_281 = arith.constant 32 : index
          %swap3A_282 = tpu.vector_load %arg18[%swap3A_280, %swap3A_281] {strides = array<i32>} : memref<80x64xf32, #tpu.memory_space<vmem>>, vector<1x16xf32>,
          %swap3A_283 = vector.shape_cast %swap3A_282 : vector<1x16xf32> to vector<16xf32>
          %swap3A_284 = vector.shape_cast %add3A_279 : vector<16xf32> to vector<1x16xf32>
          tpu.vector_store %arg18[%swap3A_280, %swap3A_281], %swap3A_284 {strides = array<i32>} : memref<80x64xf32, #tpu.memory_space<vmem>>, vector<1x16xf32>,
          %get3A_285 = arith.index_cast %scan3A_229 : i32 to index
          %get3A_286 = arith.constant 48 : index
          %get3A_287 = tpu.vector_load %arg18[%get3A_285, %get3A_286] {strides = array<i32>} : memref<80x64xf32, #tpu.memory_space<vmem>>, vector<1x16xf32>,
          %get3A_288 = vector.shape_cast %get3A_287 : vector<1x16xf32> to vector<16xf32>
          %get3A_289 = arith.index_cast %scan3A_229 : i32 to index
          %get3A_290 = arith.constant 48 : index
          %get3A_291 = tpu.vector_load %arg20[%get3A_289, %get3A_290] {strides = array<i32>} : memref<80x64xf32, #tpu.memory_space<vmem>>, vector<1x16xf32>,
          %get3A_292 = vector.shape_cast %get3A_291 : vector<1x16xf32> to vector<16xf32>
          %add3A_293 = arith.addf %get3A_288, %get3A_292 : vector<16xf32>
          %get3A_294 = arith.index_cast %scan3A_229 : i32 to index
          %get3A_295 = arith.constant 48 : index
          %get3A_296 = tpu.vector_load %arg21[%get3A_294, %get3A_295] {strides = array<i32>} : memref<80x64xf32, #tpu.memory_space<vmem>>, vector<1x16xf32>,
          %get3A_297 = vector.shape_cast %get3A_296 : vector<1x16xf32> to vector<16xf32>
          %add3A_298 = arith.addf %add3A_293, %get3A_297 : vector<16xf32>
          %swap3A_299 = arith.index_cast %scan3A_229 : i32 to index
          %swap3A_300 = arith.constant 48 : index
          %swap3A_301 = tpu.vector_load %arg18[%swap3A_299, %swap3A_300] {strides = array<i32>} : memref<80x64xf32, #tpu.memory_space<vmem>>, vector<1x16xf32>,
          %swap3A_302 = vector.shape_cast %swap3A_301 : vector<1x16xf32> to vector<16xf32>
          %swap3A_303 = vector.shape_cast %add3A_298 : vector<16xf32> to vector<1x16xf32>
          tpu.vector_store %arg18[%swap3A_299, %swap3A_300], %swap3A_303 {strides = array<i32>} : memref<80x64xf32, #tpu.memory_space<vmem>>, vector<1x16xf32>,
        }
        %scan3A_116 = arith.constant 80 : i32
        %gt3A = arith.constant 0 : i32
        %gt3A_117 = arith.cmpi sgt, %add3A_98, %gt3A : i32
        %convert_element_type3A_118 = arith.extui %gt3A_117 : i1 to i32
        %cond3A_119 = arith.constant 0 : i32
        %cond3A_120 = arith.cmpi ne, %convert_element_type3A_118, %cond3A_119 : i32
        scf.if %cond3A_120 {
          %dma_wait3A_229 = arith.constant 0 : i32
          %dma_wait3A_230 = tpu.memref_slice %arg9[%mul3A_45, %dma_wait3A_229] : memref<320000x128xf32, #tpu.memory_space<hbm>> -> memref<80x64xf32, #tpu.memory_space<hbm>>
          %dma_wait3A_231 = arith.constant 0 : i32
          %dma_wait3A_232 = tpu.memref_slice %arg9[%mul3A_45, %dma_wait3A_231] : memref<320000x128xf32, #tpu.memory_space<hbm>> -> memref<80x64xf32, #tpu.memory_space<hbm>>
          tpu.wait_dma2 semaphore(%arg30 : memref<!tpu.dma_semaphore, #tpu.memory_space<semaphore_mem>>) src(%arg19 : memref<80x64xf32, #tpu.memory_space<vmem>>) dst(%dma_wait3A_232 : memref<80x64xf32, #tpu.memory_space<hbm>>)
          %dma_wait3A_233 = arith.constant 0 : i32
          %dma_wait3A_234 = arith.constant 0 : i32
          %dma_wait3A_235 = tpu.memref_slice %arg22[%dma_wait3A_233, %dma_wait3A_234] : memref<10240x64xf32, #tpu.memory_space<vmem_shared>> -> memref<10240x64xf32, #tpu.memory_space<vmem_shared>>
          tpu.wait_indirect_dma semaphore(%arg31 : memref<!tpu.dma_semaphore, #tpu.memory_space<semaphore_mem>>) src(%arg19 : memref<80x64xf32, #tpu.memory_space<vmem>>) dst(%dma_wait3A_235 : memref<10240x64xf32, #tpu.memory_space<vmem_shared>>)
          %dma_wait3A_236 = arith.constant 0 : i32
          %dma_wait3A_237 = arith.constant 0 : i32
          %dma_wait3A_238 = tpu.memref_slice %arg23[%dma_wait3A_236, %dma_wait3A_237] : memref<10240x64xf32, #tpu.memory_space<vmem_shared>> -> memref<10240x64xf32, #tpu.memory_space<vmem_shared>>
          tpu.wait_indirect_dma semaphore(%arg31 : memref<!tpu.dma_semaphore, #tpu.memory_space<semaphore_mem>>) src(%arg19 : memref<80x64xf32, #tpu.memory_space<vmem>>) dst(%dma_wait3A_238 : memref<10240x64xf32, #tpu.memory_space<vmem_shared>>)
        } else {
        }
        %mul3A_121 = arith.constant 80 : i32
        %mul3A_122 = arith.muli %min3A_101, %mul3A_121 : i32
        %add3A_123 = arith.addi %mul3A_45, %mul3A_122 : i32
        %dma_start3A_124 = tpu.memref_slice %arg2[%add3A_123] : memref<320000xi32, #tpu.memory_space<hbm>> -> memref<80xi32, #tpu.memory_space<hbm>>
        %dma_start3A_125 = tpu.memref_slice %arg2[%add3A_123] : memref<320000xi32, #tpu.memory_space<hbm>> -> memref<80xi32, #tpu.memory_space<hbm>>
        tpu.enqueue_dma source(%dma_start3A_125 : memref<80xi32, #tpu.memory_space<hbm>>) target(%arg15 : memref<80xi32, #tpu.memory_space<vmem>>) target_semaphore(%arg25 : memref<!tpu.dma_semaphore, #tpu.memory_space<semaphore_mem>>)
        %mul3A_126 = arith.constant 80 : i32
        %mul3A_127 = arith.muli %min3A_101, %mul3A_126 : i32
        %add3A_128 = arith.addi %mul3A_45, %mul3A_127 : i32
        %dma_start3A_129 = tpu.memref_slice %arg3[%add3A_128] : memref<320000xi32, #tpu.memory_space<hbm>> -> memref<80xi32, #tpu.memory_space<hbm>>
        %dma_start3A_130 = tpu.memref_slice %arg3[%add3A_128] : memref<320000xi32, #tpu.memory_space<hbm>> -> memref<80xi32, #tpu.memory_space<hbm>>
        tpu.enqueue_dma source(%dma_start3A_130 : memref<80xi32, #tpu.memory_space<hbm>>) target(%arg17 : memref<80xi32, #tpu.memory_space<vmem>>) target_semaphore(%arg25 : memref<!tpu.dma_semaphore, #tpu.memory_space<semaphore_mem>>)
        %mul3A_131 = arith.constant 80 : i32
        %mul3A_132 = arith.muli %min3A_101, %mul3A_131 : i32
        %add3A_133 = arith.addi %mul3A_45, %mul3A_132 : i32
        %dma_start3A_134 = arith.constant 0 : i32
        %dma_start3A_135 = tpu.memref_slice %arg4[%add3A_133, %dma_start3A_134] : memref<320000x128xf32, #tpu.memory_space<hbm>> -> memref<80x64xf32, #tpu.memory_space<hbm>>
        %dma_start3A_136 = arith.constant 0 : i32
        %dma_start3A_137 = tpu.memref_slice %arg4[%add3A_133, %dma_start3A_136] : memref<320000x128xf32, #tpu.memory_space<hbm>> -> memref<80x64xf32, #tpu.memory_space<hbm>>
        tpu.enqueue_dma source(%dma_start3A_137 : memref<80x64xf32, #tpu.memory_space<hbm>>) target(%arg19 : memref<80x64xf32, #tpu.memory_space<vmem>>) target_semaphore(%arg27 : memref<!tpu.dma_semaphore, #tpu.memory_space<semaphore_mem>>)
        %mul3A_138 = arith.constant 80 : i32
        %mul3A_139 = arith.muli %add3A_98, %mul3A_138 : i32
        %add3A_140 = arith.addi %mul3A_45, %mul3A_139 : i32
        %dma_start3A_141 = arith.constant 0 : i32
        %dma_start3A_142 = tpu.memref_slice %arg9[%add3A_140, %dma_start3A_141] : memref<320000x128xf32, #tpu.memory_space<hbm>> -> memref<80x64xf32, #tpu.memory_space<hbm>>
        %dma_start3A_143 = arith.constant 0 : i32
        %dma_start3A_144 = tpu.memref_slice %arg9[%add3A_140, %dma_start3A_143] : memref<320000x128xf32, #tpu.memory_space<hbm>> -> memref<80x64xf32, #tpu.memory_space<hbm>>
        tpu.enqueue_dma source(%arg18 : memref<80x64xf32, #tpu.memory_space<vmem>>) target(%dma_start3A_144 : memref<80x64xf32, #tpu.memory_space<hbm>>) target_semaphore(%arg30 : memref<!tpu.dma_semaphore, #tpu.memory_space<semaphore_mem>>)
        %dma_start3A_145 = arith.constant 0 : i32
        %dma_start3A_146 = arith.constant 0 : i32
        %dma_start3A_147 = tpu.memref_slice %arg22[%dma_start3A_145, %dma_start3A_146] : memref<10240x64xf32, #tpu.memory_space<vmem_shared>> -> memref<10240x64xf32, #tpu.memory_space<vmem_shared>>
        tpu.enqueue_indirect_dma source(%arg18 : memref<80x64xf32, #tpu.memory_space<vmem>>) target(%dma_start3A_147 : memref<10240x64xf32, #tpu.memory_space<vmem_shared>>) offsets(%arg14 : memref<80xi32, #tpu.memory_space<vmem>>) semaphore(%arg31 : memref<!tpu.dma_semaphore, #tpu.memory_space<semaphore_mem>>) {add = true}
        %dma_start3A_148 = arith.constant 0 : i32
        %dma_start3A_149 = arith.constant 0 : i32
        %dma_start3A_150 = tpu.memref_slice %arg23[%dma_start3A_148, %dma_start3A_149] : memref<10240x64xf32, #tpu.memory_space<vmem_shared>> -> memref<10240x64xf32, #tpu.memory_space<vmem_shared>>
        tpu.enqueue_indirect_dma source(%arg18 : memref<80x64xf32, #tpu.memory_space<vmem>>) target(%dma_start3A_150 : memref<10240x64xf32, #tpu.memory_space<vmem_shared>>) offsets(%arg16 : memref<80xi32, #tpu.memory_space<vmem>>) semaphore(%arg31 : memref<!tpu.dma_semaphore, #tpu.memory_space<semaphore_mem>>) {add = true}
        %dma_wait3A_151 = tpu.memref_slice %arg2[%mul3A_45] : memref<320000xi32, #tpu.memory_space<hbm>> -> memref<80xi32, #tpu.memory_space<hbm>>
        %dma_wait3A_152 = tpu.memref_slice %arg2[%mul3A_45] : memref<320000xi32, #tpu.memory_space<hbm>> -> memref<80xi32, #tpu.memory_space<hbm>>
        tpu.wait_dma2 semaphore(%arg25 : memref<!tpu.dma_semaphore, #tpu.memory_space<semaphore_mem>>) src(%dma_wait3A_152 : memref<80xi32, #tpu.memory_space<hbm>>) dst(%arg15 : memref<80xi32, #tpu.memory_space<vmem>>)
        %dma_wait3A_153 = tpu.memref_slice %arg3[%mul3A_45] : memref<320000xi32, #tpu.memory_space<hbm>> -> memref<80xi32, #tpu.memory_space<hbm>>
        %dma_wait3A_154 = tpu.memref_slice %arg3[%mul3A_45] : memref<320000xi32, #tpu.memory_space<hbm>> -> memref<80xi32, #tpu.memory_space<hbm>>
        tpu.wait_dma2 semaphore(%arg25 : memref<!tpu.dma_semaphore, #tpu.memory_space<semaphore_mem>>) src(%dma_wait3A_154 : memref<80xi32, #tpu.memory_space<hbm>>) dst(%arg17 : memref<80xi32, #tpu.memory_space<vmem>>)
        %dma_start3A_155 = arith.constant 0 : i32
        %dma_start3A_156 = arith.constant 0 : i32
        %dma_start3A_157 = tpu.memref_slice %arg5[%dma_start3A_155, %dma_start3A_156] : memref<10000x64xf32, #tpu.memory_space<hbm>> -> memref<10000x64xf32, #tpu.memory_space<hbm>>
        tpu.enqueue_indirect_dma source(%dma_start3A_157 : memref<10000x64xf32, #tpu.memory_space<hbm>>) target(%arg20 : memref<80x64xf32, #tpu.memory_space<vmem>>) offsets(%arg15 : memref<80xi32, #tpu.memory_space<vmem>>) semaphore(%arg28 : memref<!tpu.dma_semaphore, #tpu.memory_space<semaphore_mem>>)
        %dma_start3A_158 = arith.constant 0 : i32
        %dma_start3A_159 = arith.constant 0 : i32
        %dma_start3A_160 = tpu.memref_slice %arg7[%dma_start3A_158, %dma_start3A_159] : memref<10000x64xf32, #tpu.memory_space<hbm>> -> memref<10000x64xf32, #tpu.memory_space<hbm>>
        tpu.enqueue_indirect_dma source(%dma_start3A_160 : memref<10000x64xf32, #tpu.memory_space<hbm>>) target(%arg21 : memref<80x64xf32, #tpu.memory_space<vmem>>) offsets(%arg17 : memref<80xi32, #tpu.memory_space<vmem>>) semaphore(%arg29 : memref<!tpu.dma_semaphore, #tpu.memory_space<semaphore_mem>>)
        %mul3A_161 = arith.constant 2 : i32
        %mul3A_162 = arith.muli %mul3A_161, %scan3A_94 : i32
        %add3A_163 = arith.constant 1 : i32
        %add3A_164 = arith.addi %mul3A_162, %add3A_163 : i32
        %add3A_165 = arith.constant 1 : i32
        %add3A_166 = arith.addi %add3A_164, %add3A_165 : i32
        %min3A_167 = arith.constant 249 : i32
        %min3A_168 = arith.minsi %add3A_166, %min3A_167 : i32
        %dma_wait3A_169 = arith.constant 0 : i32
        %dma_wait3A_170 = tpu.memref_slice %arg4[%mul3A_45, %dma_wait3A_169] : memref<320000x128xf32, #tpu.memory_space<hbm>> -> memref<80x64xf32, #tpu.memory_space<hbm>>
        %dma_wait3A_171 = arith.constant 0 : i32
        %dma_wait3A_172 = tpu.memref_slice %arg4[%mul3A_45, %dma_wait3A_171] : memref<320000x128xf32, #tpu.memory_space<hbm>> -> memref<80x64xf32, #tpu.memory_space<hbm>>
        tpu.wait_dma2 semaphore(%arg27 : memref<!tpu.dma_semaphore, #tpu.memory_space<semaphore_mem>>) src(%dma_wait3A_172 : memref<80x64xf32, #tpu.memory_space<hbm>>) dst(%arg19 : memref<80x64xf32, #tpu.memory_space<vmem>>)
        %dma_wait3A_173 = arith.constant 0 : i32
        %dma_wait3A_174 = arith.constant 0 : i32
        %dma_wait3A_175 = tpu.memref_slice %arg5[%dma_wait3A_173, %dma_wait3A_174] : memref<10000x64xf32, #tpu.memory_space<hbm>> -> memref<10000x64xf32, #tpu.memory_space<hbm>>
        tpu.wait_indirect_dma semaphore(%arg28 : memref<!tpu.dma_semaphore, #tpu.memory_space<semaphore_mem>>) src(%dma_wait3A_175 : memref<10000x64xf32, #tpu.memory_space<hbm>>) dst(%arg20 : memref<80x64xf32, #tpu.memory_space<vmem>>)
        %dma_wait3A_176 = arith.constant 0 : i32
        %dma_wait3A_177 = arith.constant 0 : i32
        %dma_wait3A_178 = tpu.memref_slice %arg7[%dma_wait3A_176, %dma_wait3A_177] : memref<10000x64xf32, #tpu.memory_space<hbm>> -> memref<10000x64xf32, #tpu.memory_space<hbm>>
        tpu.wait_indirect_dma semaphore(%arg29 : memref<!tpu.dma_semaphore, #tpu.memory_space<semaphore_mem>>) src(%dma_wait3A_178 : memref<10000x64xf32, #tpu.memory_space<hbm>>) dst(%arg21 : memref<80x64xf32, #tpu.memory_space<vmem>>)
        %scan3A_179 = arith.constant 0 : i32
        %scan3A_180 = arith.constant 80 : i32
        %scan3A_181 = arith.addi %scan3A_179, %scan3A_180 : i32
        %scan3A_182 = arith.constant 1 : i32
        scf.for %scan3A_229 = %scan3A_179 to %scan3A_181 step %scan3A_182  : i32 {
          %get3A = arith.index_cast %scan3A_229 : i32 to index
          %get3A_230 = arith.constant 0 : index
          %get3A_231 = tpu.vector_load %arg19[%get3A, %get3A_230] {strides = array<i32>} : memref<80x64xf32, #tpu.memory_space<vmem>>, vector<1x16xf32>,
          %get3A_232 = vector.shape_cast %get3A_231 : vector<1x16xf32> to vector<16xf32>
          %get3A_233 = arith.index_cast %scan3A_229 : i32 to index
          %get3A_234 = arith.constant 0 : index
          %get3A_235 = tpu.vector_load %arg20[%get3A_233, %get3A_234] {strides = array<i32>} : memref<80x64xf32, #tpu.memory_space<vmem>>, vector<1x16xf32>,
          %get3A_236 = vector.shape_cast %get3A_235 : vector<1x16xf32> to vector<16xf32>
          %add3A_237 = arith.addf %get3A_232, %get3A_236 : vector<16xf32>
          %get3A_238 = arith.index_cast %scan3A_229 : i32 to index
          %get3A_239 = arith.constant 0 : index
          %get3A_240 = tpu.vector_load %arg21[%get3A_238, %get3A_239] {strides = array<i32>} : memref<80x64xf32, #tpu.memory_space<vmem>>, vector<1x16xf32>,
          %get3A_241 = vector.shape_cast %get3A_240 : vector<1x16xf32> to vector<16xf32>
          %add3A_242 = arith.addf %add3A_237, %get3A_241 : vector<16xf32>
          %swap3A = arith.index_cast %scan3A_229 : i32 to index
          %swap3A_243 = arith.constant 0 : index
          %swap3A_244 = tpu.vector_load %arg19[%swap3A, %swap3A_243] {strides = array<i32>} : memref<80x64xf32, #tpu.memory_space<vmem>>, vector<1x16xf32>,
          %swap3A_245 = vector.shape_cast %swap3A_244 : vector<1x16xf32> to vector<16xf32>
          %swap3A_246 = vector.shape_cast %add3A_242 : vector<16xf32> to vector<1x16xf32>
          tpu.vector_store %arg19[%swap3A, %swap3A_243], %swap3A_246 {strides = array<i32>} : memref<80x64xf32, #tpu.memory_space<vmem>>, vector<1x16xf32>,
          %get3A_247 = arith.index_cast %scan3A_229 : i32 to index
          %get3A_248 = arith.constant 16 : index
          %get3A_249 = tpu.vector_load %arg19[%get3A_247, %get3A_248] {strides = array<i32>} : memref<80x64xf32, #tpu.memory_space<vmem>>, vector<1x16xf32>,
          %get3A_250 = vector.shape_cast %get3A_249 : vector<1x16xf32> to vector<16xf32>
          %get3A_251 = arith.index_cast %scan3A_229 : i32 to index
          %get3A_252 = arith.constant 16 : index
          %get3A_253 = tpu.vector_load %arg20[%get3A_251, %get3A_252] {strides = array<i32>} : memref<80x64xf32, #tpu.memory_space<vmem>>, vector<1x16xf32>,
          %get3A_254 = vector.shape_cast %get3A_253 : vector<1x16xf32> to vector<16xf32>
          %add3A_255 = arith.addf %get3A_250, %get3A_254 : vector<16xf32>
          %get3A_256 = arith.index_cast %scan3A_229 : i32 to index
          %get3A_257 = arith.constant 16 : index
          %get3A_258 = tpu.vector_load %arg21[%get3A_256, %get3A_257] {strides = array<i32>} : memref<80x64xf32, #tpu.memory_space<vmem>>, vector<1x16xf32>,
          %get3A_259 = vector.shape_cast %get3A_258 : vector<1x16xf32> to vector<16xf32>
          %add3A_260 = arith.addf %add3A_255, %get3A_259 : vector<16xf32>
          %swap3A_261 = arith.index_cast %scan3A_229 : i32 to index
          %swap3A_262 = arith.constant 16 : index
          %swap3A_263 = tpu.vector_load %arg19[%swap3A_261, %swap3A_262] {strides = array<i32>} : memref<80x64xf32, #tpu.memory_space<vmem>>, vector<1x16xf32>,
          %swap3A_264 = vector.shape_cast %swap3A_263 : vector<1x16xf32> to vector<16xf32>
          %swap3A_265 = vector.shape_cast %add3A_260 : vector<16xf32> to vector<1x16xf32>
          tpu.vector_store %arg19[%swap3A_261, %swap3A_262], %swap3A_265 {strides = array<i32>} : memref<80x64xf32, #tpu.memory_space<vmem>>, vector<1x16xf32>,
          %get3A_266 = arith.index_cast %scan3A_229 : i32 to index
          %get3A_267 = arith.constant 32 : index
          %get3A_268 = tpu.vector_load %arg19[%get3A_266, %get3A_267] {strides = array<i32>} : memref<80x64xf32, #tpu.memory_space<vmem>>, vector<1x16xf32>,
          %get3A_269 = vector.shape_cast %get3A_268 : vector<1x16xf32> to vector<16xf32>
          %get3A_270 = arith.index_cast %scan3A_229 : i32 to index
          %get3A_271 = arith.constant 32 : index
          %get3A_272 = tpu.vector_load %arg20[%get3A_270, %get3A_271] {strides = array<i32>} : memref<80x64xf32, #tpu.memory_space<vmem>>, vector<1x16xf32>,
          %get3A_273 = vector.shape_cast %get3A_272 : vector<1x16xf32> to vector<16xf32>
          %add3A_274 = arith.addf %get3A_269, %get3A_273 : vector<16xf32>
          %get3A_275 = arith.index_cast %scan3A_229 : i32 to index
          %get3A_276 = arith.constant 32 : index
          %get3A_277 = tpu.vector_load %arg21[%get3A_275, %get3A_276] {strides = array<i32>} : memref<80x64xf32, #tpu.memory_space<vmem>>, vector<1x16xf32>,
          %get3A_278 = vector.shape_cast %get3A_277 : vector<1x16xf32> to vector<16xf32>
          %add3A_279 = arith.addf %add3A_274, %get3A_278 : vector<16xf32>
          %swap3A_280 = arith.index_cast %scan3A_229 : i32 to index
          %swap3A_281 = arith.constant 32 : index
          %swap3A_282 = tpu.vector_load %arg19[%swap3A_280, %swap3A_281] {strides = array<i32>} : memref<80x64xf32, #tpu.memory_space<vmem>>, vector<1x16xf32>,
          %swap3A_283 = vector.shape_cast %swap3A_282 : vector<1x16xf32> to vector<16xf32>
          %swap3A_284 = vector.shape_cast %add3A_279 : vector<16xf32> to vector<1x16xf32>
          tpu.vector_store %arg19[%swap3A_280, %swap3A_281], %swap3A_284 {strides = array<i32>} : memref<80x64xf32, #tpu.memory_space<vmem>>, vector<1x16xf32>,
          %get3A_285 = arith.index_cast %scan3A_229 : i32 to index
          %get3A_286 = arith.constant 48 : index
          %get3A_287 = tpu.vector_load %arg19[%get3A_285, %get3A_286] {strides = array<i32>} : memref<80x64xf32, #tpu.memory_space<vmem>>, vector<1x16xf32>,
          %get3A_288 = vector.shape_cast %get3A_287 : vector<1x16xf32> to vector<16xf32>
          %get3A_289 = arith.index_cast %scan3A_229 : i32 to index
          %get3A_290 = arith.constant 48 : index
          %get3A_291 = tpu.vector_load %arg20[%get3A_289, %get3A_290] {strides = array<i32>} : memref<80x64xf32, #tpu.memory_space<vmem>>, vector<1x16xf32>,
          %get3A_292 = vector.shape_cast %get3A_291 : vector<1x16xf32> to vector<16xf32>
          %add3A_293 = arith.addf %get3A_288, %get3A_292 : vector<16xf32>
          %get3A_294 = arith.index_cast %scan3A_229 : i32 to index
          %get3A_295 = arith.constant 48 : index
          %get3A_296 = tpu.vector_load %arg21[%get3A_294, %get3A_295] {strides = array<i32>} : memref<80x64xf32, #tpu.memory_space<vmem>>, vector<1x16xf32>,
          %get3A_297 = vector.shape_cast %get3A_296 : vector<1x16xf32> to vector<16xf32>
          %add3A_298 = arith.addf %add3A_293, %get3A_297 : vector<16xf32>
          %swap3A_299 = arith.index_cast %scan3A_229 : i32 to index
          %swap3A_300 = arith.constant 48 : index
          %swap3A_301 = tpu.vector_load %arg19[%swap3A_299, %swap3A_300] {strides = array<i32>} : memref<80x64xf32, #tpu.memory_space<vmem>>, vector<1x16xf32>,
          %swap3A_302 = vector.shape_cast %swap3A_301 : vector<1x16xf32> to vector<16xf32>
          %swap3A_303 = vector.shape_cast %add3A_298 : vector<16xf32> to vector<1x16xf32>
          tpu.vector_store %arg19[%swap3A_299, %swap3A_300], %swap3A_303 {strides = array<i32>} : memref<80x64xf32, #tpu.memory_space<vmem>>, vector<1x16xf32>,
        }
        %scan3A_183 = arith.constant 80 : i32
        %gt3A_184 = arith.constant 0 : i32
        %gt3A_185 = arith.cmpi sgt, %add3A_164, %gt3A_184 : i32
        %convert_element_type3A_186 = arith.extui %gt3A_185 : i1 to i32
        %cond3A_187 = arith.constant 0 : i32
        %cond3A_188 = arith.cmpi ne, %convert_element_type3A_186, %cond3A_187 : i32
        scf.if %cond3A_188 {
          %dma_wait3A_229 = arith.constant 0 : i32
          %dma_wait3A_230 = tpu.memref_slice %arg9[%mul3A_45, %dma_wait3A_229] : memref<320000x128xf32, #tpu.memory_space<hbm>> -> memref<80x64xf32, #tpu.memory_space<hbm>>
          %dma_wait3A_231 = arith.constant 0 : i32
          %dma_wait3A_232 = tpu.memref_slice %arg9[%mul3A_45, %dma_wait3A_231] : memref<320000x128xf32, #tpu.memory_space<hbm>> -> memref<80x64xf32, #tpu.memory_space<hbm>>
          tpu.wait_dma2 semaphore(%arg30 : memref<!tpu.dma_semaphore, #tpu.memory_space<semaphore_mem>>) src(%arg18 : memref<80x64xf32, #tpu.memory_space<vmem>>) dst(%dma_wait3A_232 : memref<80x64xf32, #tpu.memory_space<hbm>>)
          %dma_wait3A_233 = arith.constant 0 : i32
          %dma_wait3A_234 = arith.constant 0 : i32
          %dma_wait3A_235 = tpu.memref_slice %arg22[%dma_wait3A_233, %dma_wait3A_234] : memref<10240x64xf32, #tpu.memory_space<vmem_shared>> -> memref<10240x64xf32, #tpu.memory_space<vmem_shared>>
          tpu.wait_indirect_dma semaphore(%arg31 : memref<!tpu.dma_semaphore, #tpu.memory_space<semaphore_mem>>) src(%arg18 : memref<80x64xf32, #tpu.memory_space<vmem>>) dst(%dma_wait3A_235 : memref<10240x64xf32, #tpu.memory_space<vmem_shared>>)
          %dma_wait3A_236 = arith.constant 0 : i32
          %dma_wait3A_237 = arith.constant 0 : i32
          %dma_wait3A_238 = tpu.memref_slice %arg23[%dma_wait3A_236, %dma_wait3A_237] : memref<10240x64xf32, #tpu.memory_space<vmem_shared>> -> memref<10240x64xf32, #tpu.memory_space<vmem_shared>>
          tpu.wait_indirect_dma semaphore(%arg31 : memref<!tpu.dma_semaphore, #tpu.memory_space<semaphore_mem>>) src(%arg18 : memref<80x64xf32, #tpu.memory_space<vmem>>) dst(%dma_wait3A_238 : memref<10240x64xf32, #tpu.memory_space<vmem_shared>>)
        } else {
        }
        %mul3A_189 = arith.constant 80 : i32
        %mul3A_190 = arith.muli %min3A_168, %mul3A_189 : i32
        %add3A_191 = arith.addi %mul3A_45, %mul3A_190 : i32
        %dma_start3A_192 = tpu.memref_slice %arg2[%add3A_191] : memref<320000xi32, #tpu.memory_space<hbm>> -> memref<80xi32, #tpu.memory_space<hbm>>
        %dma_start3A_193 = tpu.memref_slice %arg2[%add3A_191] : memref<320000xi32, #tpu.memory_space<hbm>> -> memref<80xi32, #tpu.memory_space<hbm>>
        tpu.enqueue_dma source(%dma_start3A_193 : memref<80xi32, #tpu.memory_space<hbm>>) target(%arg14 : memref<80xi32, #tpu.memory_space<vmem>>) target_semaphore(%arg24 : memref<!tpu.dma_semaphore, #tpu.memory_space<semaphore_mem>>)
        %mul3A_194 = arith.constant 80 : i32
        %mul3A_195 = arith.muli %min3A_168, %mul3A_194 : i32
        %add3A_196 = arith.addi %mul3A_45, %mul3A_195 : i32
        %dma_start3A_197 = tpu.memref_slice %arg3[%add3A_196] : memref<320000xi32, #tpu.memory_space<hbm>> -> memref<80xi32, #tpu.memory_space<hbm>>
        %dma_start3A_198 = tpu.memref_slice %arg3[%add3A_196] : memref<320000xi32, #tpu.memory_space<hbm>> -> memref<80xi32, #tpu.memory_space<hbm>>
        tpu.enqueue_dma source(%dma_start3A_198 : memref<80xi32, #tpu.memory_space<hbm>>) target(%arg16 : memref<80xi32, #tpu.memory_space<vmem>>) target_semaphore(%arg24 : memref<!tpu.dma_semaphore, #tpu.memory_space<semaphore_mem>>)
        %mul3A_199 = arith.constant 80 : i32
        %mul3A_200 = arith.muli %min3A_168, %mul3A_199 : i32
        %add3A_201 = arith.addi %mul3A_45, %mul3A_200 : i32
        %dma_start3A_202 = arith.constant 0 : i32
        %dma_start3A_203 = tpu.memref_slice %arg4[%add3A_201, %dma_start3A_202] : memref<320000x128xf32, #tpu.memory_space<hbm>> -> memref<80x64xf32, #tpu.memory_space<hbm>>
        %dma_start3A_204 = arith.constant 0 : i32
        %dma_start3A_205 = tpu.memref_slice %arg4[%add3A_201, %dma_start3A_204] : memref<320000x128xf32, #tpu.memory_space<hbm>> -> memref<80x64xf32, #tpu.memory_space<hbm>>
        tpu.enqueue_dma source(%dma_start3A_205 : memref<80x64xf32, #tpu.memory_space<hbm>>) target(%arg18 : memref<80x64xf32, #tpu.memory_space<vmem>>) target_semaphore(%arg26 : memref<!tpu.dma_semaphore, #tpu.memory_space<semaphore_mem>>)
        %mul3A_206 = arith.constant 80 : i32
        %mul3A_207 = arith.muli %add3A_164, %mul3A_206 : i32
        %add3A_208 = arith.addi %mul3A_45, %mul3A_207 : i32
        %dma_start3A_209 = arith.constant 0 : i32
        %dma_start3A_210 = tpu.memref_slice %arg9[%add3A_208, %dma_start3A_209] : memref<320000x128xf32, #tpu.memory_space<hbm>> -> memref<80x64xf32, #tpu.memory_space<hbm>>
        %dma_start3A_211 = arith.constant 0 : i32
        %dma_start3A_212 = tpu.memref_slice %arg9[%add3A_208, %dma_start3A_211] : memref<320000x128xf32, #tpu.memory_space<hbm>> -> memref<80x64xf32, #tpu.memory_space<hbm>>
        tpu.enqueue_dma source(%arg19 : memref<80x64xf32, #tpu.memory_space<vmem>>) target(%dma_start3A_212 : memref<80x64xf32, #tpu.memory_space<hbm>>) target_semaphore(%arg30 : memref<!tpu.dma_semaphore, #tpu.memory_space<semaphore_mem>>)
        %dma_start3A_213 = arith.constant 0 : i32
        %dma_start3A_214 = arith.constant 0 : i32
        %dma_start3A_215 = tpu.memref_slice %arg22[%dma_start3A_213, %dma_start3A_214] : memref<10240x64xf32, #tpu.memory_space<vmem_shared>> -> memref<10240x64xf32, #tpu.memory_space<vmem_shared>>
        tpu.enqueue_indirect_dma source(%arg19 : memref<80x64xf32, #tpu.memory_space<vmem>>) target(%dma_start3A_215 : memref<10240x64xf32, #tpu.memory_space<vmem_shared>>) offsets(%arg15 : memref<80xi32, #tpu.memory_space<vmem>>) semaphore(%arg31 : memref<!tpu.dma_semaphore, #tpu.memory_space<semaphore_mem>>) {add = true}
        %dma_start3A_216 = arith.constant 0 : i32
        %dma_start3A_217 = arith.constant 0 : i32
        %dma_start3A_218 = tpu.memref_slice %arg23[%dma_start3A_216, %dma_start3A_217] : memref<10240x64xf32, #tpu.memory_space<vmem_shared>> -> memref<10240x64xf32, #tpu.memory_space<vmem_shared>>
        tpu.enqueue_indirect_dma source(%arg19 : memref<80x64xf32, #tpu.memory_space<vmem>>) target(%dma_start3A_218 : memref<10240x64xf32, #tpu.memory_space<vmem_shared>>) offsets(%arg17 : memref<80xi32, #tpu.memory_space<vmem>>) semaphore(%arg31 : memref<!tpu.dma_semaphore, #tpu.memory_space<semaphore_mem>>) {add = true}
        %dma_wait3A_219 = tpu.memref_slice %arg2[%mul3A_45] : memref<320000xi32, #tpu.memory_space<hbm>> -> memref<80xi32, #tpu.memory_space<hbm>>
        %dma_wait3A_220 = tpu.memref_slice %arg2[%mul3A_45] : memref<320000xi32, #tpu.memory_space<hbm>> -> memref<80xi32, #tpu.memory_space<hbm>>
        tpu.wait_dma2 semaphore(%arg24 : memref<!tpu.dma_semaphore, #tpu.memory_space<semaphore_mem>>) src(%dma_wait3A_220 : memref<80xi32, #tpu.memory_space<hbm>>) dst(%arg14 : memref<80xi32, #tpu.memory_space<vmem>>)
        %dma_wait3A_221 = tpu.memref_slice %arg3[%mul3A_45] : memref<320000xi32, #tpu.memory_space<hbm>> -> memref<80xi32, #tpu.memory_space<hbm>>
        %dma_wait3A_222 = tpu.memref_slice %arg3[%mul3A_45] : memref<320000xi32, #tpu.memory_space<hbm>> -> memref<80xi32, #tpu.memory_space<hbm>>
        tpu.wait_dma2 semaphore(%arg24 : memref<!tpu.dma_semaphore, #tpu.memory_space<semaphore_mem>>) src(%dma_wait3A_222 : memref<80xi32, #tpu.memory_space<hbm>>) dst(%arg16 : memref<80xi32, #tpu.memory_space<vmem>>)
        %dma_start3A_223 = arith.constant 0 : i32
        %dma_start3A_224 = arith.constant 0 : i32
        %dma_start3A_225 = tpu.memref_slice %arg5[%dma_start3A_223, %dma_start3A_224] : memref<10000x64xf32, #tpu.memory_space<hbm>> -> memref<10000x64xf32, #tpu.memory_space<hbm>>
        tpu.enqueue_indirect_dma source(%dma_start3A_225 : memref<10000x64xf32, #tpu.memory_space<hbm>>) target(%arg20 : memref<80x64xf32, #tpu.memory_space<vmem>>) offsets(%arg14 : memref<80xi32, #tpu.memory_space<vmem>>) semaphore(%arg28 : memref<!tpu.dma_semaphore, #tpu.memory_space<semaphore_mem>>)
        %dma_start3A_226 = arith.constant 0 : i32
        %dma_start3A_227 = arith.constant 0 : i32
        %dma_start3A_228 = tpu.memref_slice %arg7[%dma_start3A_226, %dma_start3A_227] : memref<10000x64xf32, #tpu.memory_space<hbm>> -> memref<10000x64xf32, #tpu.memory_space<hbm>>
        tpu.enqueue_indirect_dma source(%dma_start3A_228 : memref<10000x64xf32, #tpu.memory_space<hbm>>) target(%arg21 : memref<80x64xf32, #tpu.memory_space<vmem>>) offsets(%arg16 : memref<80xi32, #tpu.memory_space<vmem>>) semaphore(%arg29 : memref<!tpu.dma_semaphore, #tpu.memory_space<semaphore_mem>>)
      }
      %scan3A_72 = arith.constant 125 : i32
      %dma_wait3A_73 = arith.constant 0 : i32
      %dma_wait3A_74 = tpu.memref_slice %arg4[%mul3A_45, %dma_wait3A_73] : memref<320000x128xf32, #tpu.memory_space<hbm>> -> memref<80x64xf32, #tpu.memory_space<hbm>>
      %dma_wait3A_75 = arith.constant 0 : i32
      %dma_wait3A_76 = tpu.memref_slice %arg4[%mul3A_45, %dma_wait3A_75] : memref<320000x128xf32, #tpu.memory_space<hbm>> -> memref<80x64xf32, #tpu.memory_space<hbm>>
      tpu.wait_dma2 semaphore(%arg26 : memref<!tpu.dma_semaphore, #tpu.memory_space<semaphore_mem>>) src(%dma_wait3A_76 : memref<80x64xf32, #tpu.memory_space<hbm>>) dst(%arg18 : memref<80x64xf32, #tpu.memory_space<vmem>>)
      %dma_wait3A_77 = arith.constant 0 : i32
      %dma_wait3A_78 = arith.constant 0 : i32
      %dma_wait3A_79 = tpu.memref_slice %arg5[%dma_wait3A_77, %dma_wait3A_78] : memref<10000x64xf32, #tpu.memory_space<hbm>> -> memref<10000x64xf32, #tpu.memory_space<hbm>>
      tpu.wait_indirect_dma semaphore(%arg28 : memref<!tpu.dma_semaphore, #tpu.memory_space<semaphore_mem>>) src(%dma_wait3A_79 : memref<10000x64xf32, #tpu.memory_space<hbm>>) dst(%arg20 : memref<80x64xf32, #tpu.memory_space<vmem>>)
      %dma_wait3A_80 = arith.constant 0 : i32
      %dma_wait3A_81 = arith.constant 0 : i32
      %dma_wait3A_82 = tpu.memref_slice %arg7[%dma_wait3A_80, %dma_wait3A_81] : memref<10000x64xf32, #tpu.memory_space<hbm>> -> memref<10000x64xf32, #tpu.memory_space<hbm>>
      tpu.wait_indirect_dma semaphore(%arg29 : memref<!tpu.dma_semaphore, #tpu.memory_space<semaphore_mem>>) src(%dma_wait3A_82 : memref<10000x64xf32, #tpu.memory_space<hbm>>) dst(%arg21 : memref<80x64xf32, #tpu.memory_space<vmem>>)
      %dma_wait3A_83 = arith.constant 0 : i32
      %dma_wait3A_84 = tpu.memref_slice %arg9[%mul3A_45, %dma_wait3A_83] : memref<320000x128xf32, #tpu.memory_space<hbm>> -> memref<80x64xf32, #tpu.memory_space<hbm>>
      %dma_wait3A_85 = arith.constant 0 : i32
      %dma_wait3A_86 = tpu.memref_slice %arg9[%mul3A_45, %dma_wait3A_85] : memref<320000x128xf32, #tpu.memory_space<hbm>> -> memref<80x64xf32, #tpu.memory_space<hbm>>
      tpu.wait_dma2 semaphore(%arg30 : memref<!tpu.dma_semaphore, #tpu.memory_space<semaphore_mem>>) src(%arg19 : memref<80x64xf32, #tpu.memory_space<vmem>>) dst(%dma_wait3A_86 : memref<80x64xf32, #tpu.memory_space<hbm>>)
      %dma_wait3A_87 = arith.constant 0 : i32
      %dma_wait3A_88 = arith.constant 0 : i32
      %dma_wait3A_89 = tpu.memref_slice %arg22[%dma_wait3A_87, %dma_wait3A_88] : memref<10240x64xf32, #tpu.memory_space<vmem_shared>> -> memref<10240x64xf32, #tpu.memory_space<vmem_shared>>
      tpu.wait_indirect_dma semaphore(%arg31 : memref<!tpu.dma_semaphore, #tpu.memory_space<semaphore_mem>>) src(%arg19 : memref<80x64xf32, #tpu.memory_space<vmem>>) dst(%dma_wait3A_89 : memref<10240x64xf32, #tpu.memory_space<vmem_shared>>)
      %dma_wait3A_90 = arith.constant 0 : i32
      %dma_wait3A_91 = arith.constant 0 : i32
      %dma_wait3A_92 = tpu.memref_slice %arg23[%dma_wait3A_90, %dma_wait3A_91] : memref<10240x64xf32, #tpu.memory_space<vmem_shared>> -> memref<10240x64xf32, #tpu.memory_space<vmem_shared>>
      tpu.wait_indirect_dma semaphore(%arg31 : memref<!tpu.dma_semaphore, #tpu.memory_space<semaphore_mem>>) src(%arg19 : memref<80x64xf32, #tpu.memory_space<vmem>>) dst(%dma_wait3A_92 : memref<10240x64xf32, #tpu.memory_space<vmem_shared>>)
      %barrier3A_93 = arith.constant 0 : index
      tpu.barrier barrier_id(%barrier3A_93)
      "tpu.region"() ({
        %run_scoped3A = tpu.sem_alloc : memref<!tpu.dma_semaphore, #tpu.memory_space<semaphore_mem>>
        %dma_start3A_94 = arith.constant 0 : i32
        %dma_start3A_95 = tpu.memref_slice %arg10[%mul3A_12, %dma_start3A_94] : memref<10240x64xf32, #tpu.memory_space<hbm>> -> memref<640x64xf32, #tpu.memory_space<hbm>>
        %dma_start3A_96 = arith.constant 0 : i32
        %dma_start3A_97 = tpu.memref_slice %arg22[%mul3A_12, %dma_start3A_96] : memref<10240x64xf32, #tpu.memory_space<vmem_shared>> -> memref<640x64xf32, #tpu.memory_space<vmem_shared>>
        tpu.enqueue_dma source(%dma_start3A_97 : memref<640x64xf32, #tpu.memory_space<vmem_shared>>) target(%dma_start3A_95 : memref<640x64xf32, #tpu.memory_space<hbm>>) target_semaphore(%run_scoped3A : memref<!tpu.dma_semaphore, #tpu.memory_space<semaphore_mem>>)
        %dma_wait3A_98 = arith.constant 0 : i32
        %dma_wait3A_99 = tpu.memref_slice %arg10[%mul3A_12, %dma_wait3A_98] : memref<10240x64xf32, #tpu.memory_space<hbm>> -> memref<640x64xf32, #tpu.memory_space<hbm>>
        %dma_wait3A_100 = arith.constant 0 : i32
        %dma_wait3A_101 = tpu.memref_slice %arg22[%mul3A_12, %dma_wait3A_100] : memref<10240x64xf32, #tpu.memory_space<vmem_shared>> -> memref<640x64xf32, #tpu.memory_space<vmem_shared>>
        tpu.wait_dma2 semaphore(%run_scoped3A : memref<!tpu.dma_semaphore, #tpu.memory_space<semaphore_mem>>) src(%dma_wait3A_101 : memref<640x64xf32, #tpu.memory_space<vmem_shared>>) dst(%dma_wait3A_99 : memref<640x64xf32, #tpu.memory_space<hbm>>)
        tpu.yield
      }) : () -> ()
      "tpu.region"() ({
        %run_scoped3A = tpu.sem_alloc : memref<!tpu.dma_semaphore, #tpu.memory_space<semaphore_mem>>
        %dma_start3A_94 = arith.constant 0 : i32
        %dma_start3A_95 = tpu.memref_slice %arg12[%mul3A_12, %dma_start3A_94] : memref<10240x64xf32, #tpu.memory_space<hbm>> -> memref<640x64xf32, #tpu.memory_space<hbm>>
        %dma_start3A_96 = arith.constant 0 : i32
        %dma_start3A_97 = tpu.memref_slice %arg23[%mul3A_12, %dma_start3A_96] : memref<10240x64xf32, #tpu.memory_space<vmem_shared>> -> memref<640x64xf32, #tpu.memory_space<vmem_shared>>
        tpu.enqueue_dma source(%dma_start3A_97 : memref<640x64xf32, #tpu.memory_space<vmem_shared>>) target(%dma_start3A_95 : memref<640x64xf32, #tpu.memory_space<hbm>>) target_semaphore(%run_scoped3A : memref<!tpu.dma_semaphore, #tpu.memory_space<semaphore_mem>>)
        %dma_wait3A_98 = arith.constant 0 : i32
        %dma_wait3A_99 = tpu.memref_slice %arg12[%mul3A_12, %dma_wait3A_98] : memref<10240x64xf32, #tpu.memory_space<hbm>> -> memref<640x64xf32, #tpu.memory_space<hbm>>
        %dma_wait3A_100 = arith.constant 0 : i32
        %dma_wait3A_101 = tpu.memref_slice %arg23[%mul3A_12, %dma_wait3A_100] : memref<10240x64xf32, #tpu.memory_space<vmem_shared>> -> memref<640x64xf32, #tpu.memory_space<vmem_shared>>
        tpu.wait_dma2 semaphore(%run_scoped3A : memref<!tpu.dma_semaphore, #tpu.memory_space<semaphore_mem>>) src(%dma_wait3A_101 : memref<640x64xf32, #tpu.memory_space<vmem_shared>>) dst(%dma_wait3A_99 : memref<640x64xf32, #tpu.memory_space<hbm>>)
        tpu.yield
      }) : () -> ()
    } else {
    }
    %eq3A_3 = arith.constant 1 : i32
    %eq3A_4 = arith.cmpi eq, %arg0, %eq3A_3 : i32
    %convert_element_type3A_5 = arith.extui %eq3A_4 : i1 to i32
    %cond3A_6 = arith.constant 0 : i32
    %cond3A_7 = arith.cmpi ne, %convert_element_type3A_5, %cond3A_6 : i32
    scf.if %cond3A_7 {
      %scan3A = arith.constant 0 : i32
      %scan3A_8 = arith.constant 80 : i32
      %scan3A_9 = arith.addi %scan3A, %scan3A_8 : i32
      %scan3A_10 = arith.constant 1 : i32
      scf.for %scan3A_94 = %scan3A to %scan3A_9 step %scan3A_10  : i32 {
        %swap3A = arith.index_cast %scan3A_94 : i32 to index
        %swap3A_95 = arith.constant 0 : index
        %swap3A_96 = tpu.vector_load %arg20[%swap3A, %swap3A_95] {strides = array<i32>} : memref<80x64xf32, #tpu.memory_space<vmem>>, vector<1x16xf32>,
        %swap3A_97 = vector.shape_cast %swap3A_96 : vector<1x16xf32> to vector<16xf32>
        %swap3A_98 = vector.shape_cast %broadcast_in_dim3A_0 : vector<16xf32> to vector<1x16xf32>
        tpu.vector_store %arg20[%swap3A, %swap3A_95], %swap3A_98 {strides = array<i32>} : memref<80x64xf32, #tpu.memory_space<vmem>>, vector<1x16xf32>,
        %swap3A_99 = arith.index_cast %scan3A_94 : i32 to index
        %swap3A_100 = arith.constant 16 : index
        %swap3A_101 = tpu.vector_load %arg20[%swap3A_99, %swap3A_100] {strides = array<i32>} : memref<80x64xf32, #tpu.memory_space<vmem>>, vector<1x16xf32>,
        %swap3A_102 = vector.shape_cast %swap3A_101 : vector<1x16xf32> to vector<16xf32>
        %swap3A_103 = vector.shape_cast %broadcast_in_dim3A_0 : vector<16xf32> to vector<1x16xf32>
        tpu.vector_store %arg20[%swap3A_99, %swap3A_100], %swap3A_103 {strides = array<i32>} : memref<80x64xf32, #tpu.memory_space<vmem>>, vector<1x16xf32>,
        %swap3A_104 = arith.index_cast %scan3A_94 : i32 to index
        %swap3A_105 = arith.constant 32 : index
        %swap3A_106 = tpu.vector_load %arg20[%swap3A_104, %swap3A_105] {strides = array<i32>} : memref<80x64xf32, #tpu.memory_space<vmem>>, vector<1x16xf32>,
        %swap3A_107 = vector.shape_cast %swap3A_106 : vector<1x16xf32> to vector<16xf32>
        %swap3A_108 = vector.shape_cast %broadcast_in_dim3A_0 : vector<16xf32> to vector<1x16xf32>
        tpu.vector_store %arg20[%swap3A_104, %swap3A_105], %swap3A_108 {strides = array<i32>} : memref<80x64xf32, #tpu.memory_space<vmem>>, vector<1x16xf32>,
        %swap3A_109 = arith.index_cast %scan3A_94 : i32 to index
        %swap3A_110 = arith.constant 48 : index
        %swap3A_111 = tpu.vector_load %arg20[%swap3A_109, %swap3A_110] {strides = array<i32>} : memref<80x64xf32, #tpu.memory_space<vmem>>, vector<1x16xf32>,
        %swap3A_112 = vector.shape_cast %swap3A_111 : vector<1x16xf32> to vector<16xf32>
        %swap3A_113 = vector.shape_cast %broadcast_in_dim3A_0 : vector<16xf32> to vector<1x16xf32>
        tpu.vector_store %arg20[%swap3A_109, %swap3A_110], %swap3A_113 {strides = array<i32>} : memref<80x64xf32, #tpu.memory_space<vmem>>, vector<1x16xf32>,
      }
      %scan3A_11 = arith.constant 80 : i32
      %mul3A = arith.constant 640 : i32
      %mul3A_12 = arith.muli %arg1, %mul3A : i32
      %add3A = arith.constant 0 : i32
      %add3A_13 = arith.addi %mul3A_12, %add3A : i32
      "tpu.region"() ({
        %run_scoped3A = tpu.sem_alloc : memref<!tpu.dma_semaphore, #tpu.memory_space<semaphore_mem>>
        %dma_start3A_94 = arith.constant 0 : i32
        %dma_start3A_95 = tpu.memref_slice %arg22[%add3A_13, %dma_start3A_94] : memref<10240x64xf32, #tpu.memory_space<vmem_shared>> -> memref<80x64xf32, #tpu.memory_space<vmem_shared>>
        %dma_start3A_96 = arith.constant 0 : i32
        %dma_start3A_97 = tpu.memref_slice %arg22[%add3A_13, %dma_start3A_96] : memref<10240x64xf32, #tpu.memory_space<vmem_shared>> -> memref<80x64xf32, #tpu.memory_space<vmem_shared>>
        tpu.enqueue_dma source(%arg20 : memref<80x64xf32, #tpu.memory_space<vmem>>) target(%dma_start3A_97 : memref<80x64xf32, #tpu.memory_space<vmem_shared>>) target_semaphore(%run_scoped3A : memref<!tpu.dma_semaphore, #tpu.memory_space<semaphore_mem>>)
        %dma_wait3A_98 = arith.constant 0 : i32
        %dma_wait3A_99 = tpu.memref_slice %arg22[%add3A_13, %dma_wait3A_98] : memref<10240x64xf32, #tpu.memory_space<vmem_shared>> -> memref<80x64xf32, #tpu.memory_space<vmem_shared>>
        %dma_wait3A_100 = arith.constant 0 : i32
        %dma_wait3A_101 = tpu.memref_slice %arg22[%add3A_13, %dma_wait3A_100] : memref<10240x64xf32, #tpu.memory_space<vmem_shared>> -> memref<80x64xf32, #tpu.memory_space<vmem_shared>>
        tpu.wait_dma2 semaphore(%run_scoped3A : memref<!tpu.dma_semaphore, #tpu.memory_space<semaphore_mem>>) src(%arg20 : memref<80x64xf32, #tpu.memory_space<vmem>>) dst(%dma_wait3A_101 : memref<80x64xf32, #tpu.memory_space<vmem_shared>>)
        tpu.yield
      }) : () -> ()
      %add3A_14 = arith.constant 0 : i32
      %add3A_15 = arith.addi %mul3A_12, %add3A_14 : i32
      "tpu.region"() ({
        %run_scoped3A = tpu.sem_alloc : memref<!tpu.dma_semaphore, #tpu.memory_space<semaphore_mem>>
        %dma_start3A_94 = arith.constant 0 : i32
        %dma_start3A_95 = tpu.memref_slice %arg23[%add3A_15, %dma_start3A_94] : memref<10240x64xf32, #tpu.memory_space<vmem_shared>> -> memref<80x64xf32, #tpu.memory_space<vmem_shared>>
        %dma_start3A_96 = arith.constant 0 : i32
        %dma_start3A_97 = tpu.memref_slice %arg23[%add3A_15, %dma_start3A_96] : memref<10240x64xf32, #tpu.memory_space<vmem_shared>> -> memref<80x64xf32, #tpu.memory_space<vmem_shared>>
        tpu.enqueue_dma source(%arg20 : memref<80x64xf32, #tpu.memory_space<vmem>>) target(%dma_start3A_97 : memref<80x64xf32, #tpu.memory_space<vmem_shared>>) target_semaphore(%run_scoped3A : memref<!tpu.dma_semaphore, #tpu.memory_space<semaphore_mem>>)
        %dma_wait3A_98 = arith.constant 0 : i32
        %dma_wait3A_99 = tpu.memref_slice %arg23[%add3A_15, %dma_wait3A_98] : memref<10240x64xf32, #tpu.memory_space<vmem_shared>> -> memref<80x64xf32, #tpu.memory_space<vmem_shared>>
        %dma_wait3A_100 = arith.constant 0 : i32
        %dma_wait3A_101 = tpu.memref_slice %arg23[%add3A_15, %dma_wait3A_100] : memref<10240x64xf32, #tpu.memory_space<vmem_shared>> -> memref<80x64xf32, #tpu.memory_space<vmem_shared>>
        tpu.wait_dma2 semaphore(%run_scoped3A : memref<!tpu.dma_semaphore, #tpu.memory_space<semaphore_mem>>) src(%arg20 : memref<80x64xf32, #tpu.memory_space<vmem>>) dst(%dma_wait3A_101 : memref<80x64xf32, #tpu.memory_space<vmem_shared>>)
        tpu.yield
      }) : () -> ()
      %add3A_16 = arith.constant 80 : i32
      %add3A_17 = arith.addi %mul3A_12, %add3A_16 : i32
      "tpu.region"() ({
        %run_scoped3A = tpu.sem_alloc : memref<!tpu.dma_semaphore, #tpu.memory_space<semaphore_mem>>
        %dma_start3A_94 = arith.constant 0 : i32
        %dma_start3A_95 = tpu.memref_slice %arg22[%add3A_17, %dma_start3A_94] : memref<10240x64xf32, #tpu.memory_space<vmem_shared>> -> memref<80x64xf32, #tpu.memory_space<vmem_shared>>
        %dma_start3A_96 = arith.constant 0 : i32
        %dma_start3A_97 = tpu.memref_slice %arg22[%add3A_17, %dma_start3A_96] : memref<10240x64xf32, #tpu.memory_space<vmem_shared>> -> memref<80x64xf32, #tpu.memory_space<vmem_shared>>
        tpu.enqueue_dma source(%arg20 : memref<80x64xf32, #tpu.memory_space<vmem>>) target(%dma_start3A_97 : memref<80x64xf32, #tpu.memory_space<vmem_shared>>) target_semaphore(%run_scoped3A : memref<!tpu.dma_semaphore, #tpu.memory_space<semaphore_mem>>)
        %dma_wait3A_98 = arith.constant 0 : i32
        %dma_wait3A_99 = tpu.memref_slice %arg22[%add3A_17, %dma_wait3A_98] : memref<10240x64xf32, #tpu.memory_space<vmem_shared>> -> memref<80x64xf32, #tpu.memory_space<vmem_shared>>
        %dma_wait3A_100 = arith.constant 0 : i32
        %dma_wait3A_101 = tpu.memref_slice %arg22[%add3A_17, %dma_wait3A_100] : memref<10240x64xf32, #tpu.memory_space<vmem_shared>> -> memref<80x64xf32, #tpu.memory_space<vmem_shared>>
        tpu.wait_dma2 semaphore(%run_scoped3A : memref<!tpu.dma_semaphore, #tpu.memory_space<semaphore_mem>>) src(%arg20 : memref<80x64xf32, #tpu.memory_space<vmem>>) dst(%dma_wait3A_101 : memref<80x64xf32, #tpu.memory_space<vmem_shared>>)
        tpu.yield
      }) : () -> ()
      %add3A_18 = arith.constant 80 : i32
      %add3A_19 = arith.addi %mul3A_12, %add3A_18 : i32
      "tpu.region"() ({
        %run_scoped3A = tpu.sem_alloc : memref<!tpu.dma_semaphore, #tpu.memory_space<semaphore_mem>>
        %dma_start3A_94 = arith.constant 0 : i32
        %dma_start3A_95 = tpu.memref_slice %arg23[%add3A_19, %dma_start3A_94] : memref<10240x64xf32, #tpu.memory_space<vmem_shared>> -> memref<80x64xf32, #tpu.memory_space<vmem_shared>>
        %dma_start3A_96 = arith.constant 0 : i32
        %dma_start3A_97 = tpu.memref_slice %arg23[%add3A_19, %dma_start3A_96] : memref<10240x64xf32, #tpu.memory_space<vmem_shared>> -> memref<80x64xf32, #tpu.memory_space<vmem_shared>>
        tpu.enqueue_dma source(%arg20 : memref<80x64xf32, #tpu.memory_space<vmem>>) target(%dma_start3A_97 : memref<80x64xf32, #tpu.memory_space<vmem_shared>>) target_semaphore(%run_scoped3A : memref<!tpu.dma_semaphore, #tpu.memory_space<semaphore_mem>>)
        %dma_wait3A_98 = arith.constant 0 : i32
        %dma_wait3A_99 = tpu.memref_slice %arg23[%add3A_19, %dma_wait3A_98] : memref<10240x64xf32, #tpu.memory_space<vmem_shared>> -> memref<80x64xf32, #tpu.memory_space<vmem_shared>>
        %dma_wait3A_100 = arith.constant 0 : i32
        %dma_wait3A_101 = tpu.memref_slice %arg23[%add3A_19, %dma_wait3A_100] : memref<10240x64xf32, #tpu.memory_space<vmem_shared>> -> memref<80x64xf32, #tpu.memory_space<vmem_shared>>
        tpu.wait_dma2 semaphore(%run_scoped3A : memref<!tpu.dma_semaphore, #tpu.memory_space<semaphore_mem>>) src(%arg20 : memref<80x64xf32, #tpu.memory_space<vmem>>) dst(%dma_wait3A_101 : memref<80x64xf32, #tpu.memory_space<vmem_shared>>)
        tpu.yield
      }) : () -> ()
      %add3A_20 = arith.constant 160 : i32
      %add3A_21 = arith.addi %mul3A_12, %add3A_20 : i32
      "tpu.region"() ({
        %run_scoped3A = tpu.sem_alloc : memref<!tpu.dma_semaphore, #tpu.memory_space<semaphore_mem>>
        %dma_start3A_94 = arith.constant 0 : i32
        %dma_start3A_95 = tpu.memref_slice %arg22[%add3A_21, %dma_start3A_94] : memref<10240x64xf32, #tpu.memory_space<vmem_shared>> -> memref<80x64xf32, #tpu.memory_space<vmem_shared>>
        %dma_start3A_96 = arith.constant 0 : i32
        %dma_start3A_97 = tpu.memref_slice %arg22[%add3A_21, %dma_start3A_96] : memref<10240x64xf32, #tpu.memory_space<vmem_shared>> -> memref<80x64xf32, #tpu.memory_space<vmem_shared>>
        tpu.enqueue_dma source(%arg20 : memref<80x64xf32, #tpu.memory_space<vmem>>) target(%dma_start3A_97 : memref<80x64xf32, #tpu.memory_space<vmem_shared>>) target_semaphore(%run_scoped3A : memref<!tpu.dma_semaphore, #tpu.memory_space<semaphore_mem>>)
        %dma_wait3A_98 = arith.constant 0 : i32
        %dma_wait3A_99 = tpu.memref_slice %arg22[%add3A_21, %dma_wait3A_98] : memref<10240x64xf32, #tpu.memory_space<vmem_shared>> -> memref<80x64xf32, #tpu.memory_space<vmem_shared>>
        %dma_wait3A_100 = arith.constant 0 : i32
        %dma_wait3A_101 = tpu.memref_slice %arg22[%add3A_21, %dma_wait3A_100] : memref<10240x64xf32, #tpu.memory_space<vmem_shared>> -> memref<80x64xf32, #tpu.memory_space<vmem_shared>>
        tpu.wait_dma2 semaphore(%run_scoped3A : memref<!tpu.dma_semaphore, #tpu.memory_space<semaphore_mem>>) src(%arg20 : memref<80x64xf32, #tpu.memory_space<vmem>>) dst(%dma_wait3A_101 : memref<80x64xf32, #tpu.memory_space<vmem_shared>>)
        tpu.yield
      }) : () -> ()
      %add3A_22 = arith.constant 160 : i32
      %add3A_23 = arith.addi %mul3A_12, %add3A_22 : i32
      "tpu.region"() ({
        %run_scoped3A = tpu.sem_alloc : memref<!tpu.dma_semaphore, #tpu.memory_space<semaphore_mem>>
        %dma_start3A_94 = arith.constant 0 : i32
        %dma_start3A_95 = tpu.memref_slice %arg23[%add3A_23, %dma_start3A_94] : memref<10240x64xf32, #tpu.memory_space<vmem_shared>> -> memref<80x64xf32, #tpu.memory_space<vmem_shared>>
        %dma_start3A_96 = arith.constant 0 : i32
        %dma_start3A_97 = tpu.memref_slice %arg23[%add3A_23, %dma_start3A_96] : memref<10240x64xf32, #tpu.memory_space<vmem_shared>> -> memref<80x64xf32, #tpu.memory_space<vmem_shared>>
        tpu.enqueue_dma source(%arg20 : memref<80x64xf32, #tpu.memory_space<vmem>>) target(%dma_start3A_97 : memref<80x64xf32, #tpu.memory_space<vmem_shared>>) target_semaphore(%run_scoped3A : memref<!tpu.dma_semaphore, #tpu.memory_space<semaphore_mem>>)
        %dma_wait3A_98 = arith.constant 0 : i32
        %dma_wait3A_99 = tpu.memref_slice %arg23[%add3A_23, %dma_wait3A_98] : memref<10240x64xf32, #tpu.memory_space<vmem_shared>> -> memref<80x64xf32, #tpu.memory_space<vmem_shared>>
        %dma_wait3A_100 = arith.constant 0 : i32
        %dma_wait3A_101 = tpu.memref_slice %arg23[%add3A_23, %dma_wait3A_100] : memref<10240x64xf32, #tpu.memory_space<vmem_shared>> -> memref<80x64xf32, #tpu.memory_space<vmem_shared>>
        tpu.wait_dma2 semaphore(%run_scoped3A : memref<!tpu.dma_semaphore, #tpu.memory_space<semaphore_mem>>) src(%arg20 : memref<80x64xf32, #tpu.memory_space<vmem>>) dst(%dma_wait3A_101 : memref<80x64xf32, #tpu.memory_space<vmem_shared>>)
        tpu.yield
      }) : () -> ()
      %add3A_24 = arith.constant 240 : i32
      %add3A_25 = arith.addi %mul3A_12, %add3A_24 : i32
      "tpu.region"() ({
        %run_scoped3A = tpu.sem_alloc : memref<!tpu.dma_semaphore, #tpu.memory_space<semaphore_mem>>
        %dma_start3A_94 = arith.constant 0 : i32
        %dma_start3A_95 = tpu.memref_slice %arg22[%add3A_25, %dma_start3A_94] : memref<10240x64xf32, #tpu.memory_space<vmem_shared>> -> memref<80x64xf32, #tpu.memory_space<vmem_shared>>
        %dma_start3A_96 = arith.constant 0 : i32
        %dma_start3A_97 = tpu.memref_slice %arg22[%add3A_25, %dma_start3A_96] : memref<10240x64xf32, #tpu.memory_space<vmem_shared>> -> memref<80x64xf32, #tpu.memory_space<vmem_shared>>
        tpu.enqueue_dma source(%arg20 : memref<80x64xf32, #tpu.memory_space<vmem>>) target(%dma_start3A_97 : memref<80x64xf32, #tpu.memory_space<vmem_shared>>) target_semaphore(%run_scoped3A : memref<!tpu.dma_semaphore, #tpu.memory_space<semaphore_mem>>)
        %dma_wait3A_98 = arith.constant 0 : i32
        %dma_wait3A_99 = tpu.memref_slice %arg22[%add3A_25, %dma_wait3A_98] : memref<10240x64xf32, #tpu.memory_space<vmem_shared>> -> memref<80x64xf32, #tpu.memory_space<vmem_shared>>
        %dma_wait3A_100 = arith.constant 0 : i32
        %dma_wait3A_101 = tpu.memref_slice %arg22[%add3A_25, %dma_wait3A_100] : memref<10240x64xf32, #tpu.memory_space<vmem_shared>> -> memref<80x64xf32, #tpu.memory_space<vmem_shared>>
        tpu.wait_dma2 semaphore(%run_scoped3A : memref<!tpu.dma_semaphore, #tpu.memory_space<semaphore_mem>>) src(%arg20 : memref<80x64xf32, #tpu.memory_space<vmem>>) dst(%dma_wait3A_101 : memref<80x64xf32, #tpu.memory_space<vmem_shared>>)
        tpu.yield
      }) : () -> ()
      %add3A_26 = arith.constant 240 : i32
      %add3A_27 = arith.addi %mul3A_12, %add3A_26 : i32
      "tpu.region"() ({
        %run_scoped3A = tpu.sem_alloc : memref<!tpu.dma_semaphore, #tpu.memory_space<semaphore_mem>>
        %dma_start3A_94 = arith.constant 0 : i32
        %dma_start3A_95 = tpu.memref_slice %arg23[%add3A_27, %dma_start3A_94] : memref<10240x64xf32, #tpu.memory_space<vmem_shared>> -> memref<80x64xf32, #tpu.memory_space<vmem_shared>>
        %dma_start3A_96 = arith.constant 0 : i32
        %dma_start3A_97 = tpu.memref_slice %arg23[%add3A_27, %dma_start3A_96] : memref<10240x64xf32, #tpu.memory_space<vmem_shared>> -> memref<80x64xf32, #tpu.memory_space<vmem_shared>>
        tpu.enqueue_dma source(%arg20 : memref<80x64xf32, #tpu.memory_space<vmem>>) target(%dma_start3A_97 : memref<80x64xf32, #tpu.memory_space<vmem_shared>>) target_semaphore(%run_scoped3A : memref<!tpu.dma_semaphore, #tpu.memory_space<semaphore_mem>>)
        %dma_wait3A_98 = arith.constant 0 : i32
        %dma_wait3A_99 = tpu.memref_slice %arg23[%add3A_27, %dma_wait3A_98] : memref<10240x64xf32, #tpu.memory_space<vmem_shared>> -> memref<80x64xf32, #tpu.memory_space<vmem_shared>>
        %dma_wait3A_100 = arith.constant 0 : i32
        %dma_wait3A_101 = tpu.memref_slice %arg23[%add3A_27, %dma_wait3A_100] : memref<10240x64xf32, #tpu.memory_space<vmem_shared>> -> memref<80x64xf32, #tpu.memory_space<vmem_shared>>
        tpu.wait_dma2 semaphore(%run_scoped3A : memref<!tpu.dma_semaphore, #tpu.memory_space<semaphore_mem>>) src(%arg20 : memref<80x64xf32, #tpu.memory_space<vmem>>) dst(%dma_wait3A_101 : memref<80x64xf32, #tpu.memory_space<vmem_shared>>)
        tpu.yield
      }) : () -> ()
      %add3A_28 = arith.constant 320 : i32
      %add3A_29 = arith.addi %mul3A_12, %add3A_28 : i32
      "tpu.region"() ({
        %run_scoped3A = tpu.sem_alloc : memref<!tpu.dma_semaphore, #tpu.memory_space<semaphore_mem>>
        %dma_start3A_94 = arith.constant 0 : i32
        %dma_start3A_95 = tpu.memref_slice %arg22[%add3A_29, %dma_start3A_94] : memref<10240x64xf32, #tpu.memory_space<vmem_shared>> -> memref<80x64xf32, #tpu.memory_space<vmem_shared>>
        %dma_start3A_96 = arith.constant 0 : i32
        %dma_start3A_97 = tpu.memref_slice %arg22[%add3A_29, %dma_start3A_96] : memref<10240x64xf32, #tpu.memory_space<vmem_shared>> -> memref<80x64xf32, #tpu.memory_space<vmem_shared>>
        tpu.enqueue_dma source(%arg20 : memref<80x64xf32, #tpu.memory_space<vmem>>) target(%dma_start3A_97 : memref<80x64xf32, #tpu.memory_space<vmem_shared>>) target_semaphore(%run_scoped3A : memref<!tpu.dma_semaphore, #tpu.memory_space<semaphore_mem>>)
        %dma_wait3A_98 = arith.constant 0 : i32
        %dma_wait3A_99 = tpu.memref_slice %arg22[%add3A_29, %dma_wait3A_98] : memref<10240x64xf32, #tpu.memory_space<vmem_shared>> -> memref<80x64xf32, #tpu.memory_space<vmem_shared>>
        %dma_wait3A_100 = arith.constant 0 : i32
        %dma_wait3A_101 = tpu.memref_slice %arg22[%add3A_29, %dma_wait3A_100] : memref<10240x64xf32, #tpu.memory_space<vmem_shared>> -> memref<80x64xf32, #tpu.memory_space<vmem_shared>>
        tpu.wait_dma2 semaphore(%run_scoped3A : memref<!tpu.dma_semaphore, #tpu.memory_space<semaphore_mem>>) src(%arg20 : memref<80x64xf32, #tpu.memory_space<vmem>>) dst(%dma_wait3A_101 : memref<80x64xf32, #tpu.memory_space<vmem_shared>>)
        tpu.yield
      }) : () -> ()
      %add3A_30 = arith.constant 320 : i32
      %add3A_31 = arith.addi %mul3A_12, %add3A_30 : i32
      "tpu.region"() ({
        %run_scoped3A = tpu.sem_alloc : memref<!tpu.dma_semaphore, #tpu.memory_space<semaphore_mem>>
        %dma_start3A_94 = arith.constant 0 : i32
        %dma_start3A_95 = tpu.memref_slice %arg23[%add3A_31, %dma_start3A_94] : memref<10240x64xf32, #tpu.memory_space<vmem_shared>> -> memref<80x64xf32, #tpu.memory_space<vmem_shared>>
        %dma_start3A_96 = arith.constant 0 : i32
        %dma_start3A_97 = tpu.memref_slice %arg23[%add3A_31, %dma_start3A_96] : memref<10240x64xf32, #tpu.memory_space<vmem_shared>> -> memref<80x64xf32, #tpu.memory_space<vmem_shared>>
        tpu.enqueue_dma source(%arg20 : memref<80x64xf32, #tpu.memory_space<vmem>>) target(%dma_start3A_97 : memref<80x64xf32, #tpu.memory_space<vmem_shared>>) target_semaphore(%run_scoped3A : memref<!tpu.dma_semaphore, #tpu.memory_space<semaphore_mem>>)
        %dma_wait3A_98 = arith.constant 0 : i32
        %dma_wait3A_99 = tpu.memref_slice %arg23[%add3A_31, %dma_wait3A_98] : memref<10240x64xf32, #tpu.memory_space<vmem_shared>> -> memref<80x64xf32, #tpu.memory_space<vmem_shared>>
        %dma_wait3A_100 = arith.constant 0 : i32
        %dma_wait3A_101 = tpu.memref_slice %arg23[%add3A_31, %dma_wait3A_100] : memref<10240x64xf32, #tpu.memory_space<vmem_shared>> -> memref<80x64xf32, #tpu.memory_space<vmem_shared>>
        tpu.wait_dma2 semaphore(%run_scoped3A : memref<!tpu.dma_semaphore, #tpu.memory_space<semaphore_mem>>) src(%arg20 : memref<80x64xf32, #tpu.memory_space<vmem>>) dst(%dma_wait3A_101 : memref<80x64xf32, #tpu.memory_space<vmem_shared>>)
        tpu.yield
      }) : () -> ()
      %add3A_32 = arith.constant 400 : i32
      %add3A_33 = arith.addi %mul3A_12, %add3A_32 : i32
      "tpu.region"() ({
        %run_scoped3A = tpu.sem_alloc : memref<!tpu.dma_semaphore, #tpu.memory_space<semaphore_mem>>
        %dma_start3A_94 = arith.constant 0 : i32
        %dma_start3A_95 = tpu.memref_slice %arg22[%add3A_33, %dma_start3A_94] : memref<10240x64xf32, #tpu.memory_space<vmem_shared>> -> memref<80x64xf32, #tpu.memory_space<vmem_shared>>
        %dma_start3A_96 = arith.constant 0 : i32
        %dma_start3A_97 = tpu.memref_slice %arg22[%add3A_33, %dma_start3A_96] : memref<10240x64xf32, #tpu.memory_space<vmem_shared>> -> memref<80x64xf32, #tpu.memory_space<vmem_shared>>
        tpu.enqueue_dma source(%arg20 : memref<80x64xf32, #tpu.memory_space<vmem>>) target(%dma_start3A_97 : memref<80x64xf32, #tpu.memory_space<vmem_shared>>) target_semaphore(%run_scoped3A : memref<!tpu.dma_semaphore, #tpu.memory_space<semaphore_mem>>)
        %dma_wait3A_98 = arith.constant 0 : i32
        %dma_wait3A_99 = tpu.memref_slice %arg22[%add3A_33, %dma_wait3A_98] : memref<10240x64xf32, #tpu.memory_space<vmem_shared>> -> memref<80x64xf32, #tpu.memory_space<vmem_shared>>
        %dma_wait3A_100 = arith.constant 0 : i32
        %dma_wait3A_101 = tpu.memref_slice %arg22[%add3A_33, %dma_wait3A_100] : memref<10240x64xf32, #tpu.memory_space<vmem_shared>> -> memref<80x64xf32, #tpu.memory_space<vmem_shared>>
        tpu.wait_dma2 semaphore(%run_scoped3A : memref<!tpu.dma_semaphore, #tpu.memory_space<semaphore_mem>>) src(%arg20 : memref<80x64xf32, #tpu.memory_space<vmem>>) dst(%dma_wait3A_101 : memref<80x64xf32, #tpu.memory_space<vmem_shared>>)
        tpu.yield
      }) : () -> ()
      %add3A_34 = arith.constant 400 : i32
      %add3A_35 = arith.addi %mul3A_12, %add3A_34 : i32
      "tpu.region"() ({
        %run_scoped3A = tpu.sem_alloc : memref<!tpu.dma_semaphore, #tpu.memory_space<semaphore_mem>>
        %dma_start3A_94 = arith.constant 0 : i32
        %dma_start3A_95 = tpu.memref_slice %arg23[%add3A_35, %dma_start3A_94] : memref<10240x64xf32, #tpu.memory_space<vmem_shared>> -> memref<80x64xf32, #tpu.memory_space<vmem_shared>>
        %dma_start3A_96 = arith.constant 0 : i32
        %dma_start3A_97 = tpu.memref_slice %arg23[%add3A_35, %dma_start3A_96] : memref<10240x64xf32, #tpu.memory_space<vmem_shared>> -> memref<80x64xf32, #tpu.memory_space<vmem_shared>>
        tpu.enqueue_dma source(%arg20 : memref<80x64xf32, #tpu.memory_space<vmem>>) target(%dma_start3A_97 : memref<80x64xf32, #tpu.memory_space<vmem_shared>>) target_semaphore(%run_scoped3A : memref<!tpu.dma_semaphore, #tpu.memory_space<semaphore_mem>>)
        %dma_wait3A_98 = arith.constant 0 : i32
        %dma_wait3A_99 = tpu.memref_slice %arg23[%add3A_35, %dma_wait3A_98] : memref<10240x64xf32, #tpu.memory_space<vmem_shared>> -> memref<80x64xf32, #tpu.memory_space<vmem_shared>>
        %dma_wait3A_100 = arith.constant 0 : i32
        %dma_wait3A_101 = tpu.memref_slice %arg23[%add3A_35, %dma_wait3A_100] : memref<10240x64xf32, #tpu.memory_space<vmem_shared>> -> memref<80x64xf32, #tpu.memory_space<vmem_shared>>
        tpu.wait_dma2 semaphore(%run_scoped3A : memref<!tpu.dma_semaphore, #tpu.memory_space<semaphore_mem>>) src(%arg20 : memref<80x64xf32, #tpu.memory_space<vmem>>) dst(%dma_wait3A_101 : memref<80x64xf32, #tpu.memory_space<vmem_shared>>)
        tpu.yield
      }) : () -> ()
      %add3A_36 = arith.constant 480 : i32
      %add3A_37 = arith.addi %mul3A_12, %add3A_36 : i32
      "tpu.region"() ({
        %run_scoped3A = tpu.sem_alloc : memref<!tpu.dma_semaphore, #tpu.memory_space<semaphore_mem>>
        %dma_start3A_94 = arith.constant 0 : i32
        %dma_start3A_95 = tpu.memref_slice %arg22[%add3A_37, %dma_start3A_94] : memref<10240x64xf32, #tpu.memory_space<vmem_shared>> -> memref<80x64xf32, #tpu.memory_space<vmem_shared>>
        %dma_start3A_96 = arith.constant 0 : i32
        %dma_start3A_97 = tpu.memref_slice %arg22[%add3A_37, %dma_start3A_96] : memref<10240x64xf32, #tpu.memory_space<vmem_shared>> -> memref<80x64xf32, #tpu.memory_space<vmem_shared>>
        tpu.enqueue_dma source(%arg20 : memref<80x64xf32, #tpu.memory_space<vmem>>) target(%dma_start3A_97 : memref<80x64xf32, #tpu.memory_space<vmem_shared>>) target_semaphore(%run_scoped3A : memref<!tpu.dma_semaphore, #tpu.memory_space<semaphore_mem>>)
        %dma_wait3A_98 = arith.constant 0 : i32
        %dma_wait3A_99 = tpu.memref_slice %arg22[%add3A_37, %dma_wait3A_98] : memref<10240x64xf32, #tpu.memory_space<vmem_shared>> -> memref<80x64xf32, #tpu.memory_space<vmem_shared>>
        %dma_wait3A_100 = arith.constant 0 : i32
        %dma_wait3A_101 = tpu.memref_slice %arg22[%add3A_37, %dma_wait3A_100] : memref<10240x64xf32, #tpu.memory_space<vmem_shared>> -> memref<80x64xf32, #tpu.memory_space<vmem_shared>>
        tpu.wait_dma2 semaphore(%run_scoped3A : memref<!tpu.dma_semaphore, #tpu.memory_space<semaphore_mem>>) src(%arg20 : memref<80x64xf32, #tpu.memory_space<vmem>>) dst(%dma_wait3A_101 : memref<80x64xf32, #tpu.memory_space<vmem_shared>>)
        tpu.yield
      }) : () -> ()
      %add3A_38 = arith.constant 480 : i32
      %add3A_39 = arith.addi %mul3A_12, %add3A_38 : i32
      "tpu.region"() ({
        %run_scoped3A = tpu.sem_alloc : memref<!tpu.dma_semaphore, #tpu.memory_space<semaphore_mem>>
        %dma_start3A_94 = arith.constant 0 : i32
        %dma_start3A_95 = tpu.memref_slice %arg23[%add3A_39, %dma_start3A_94] : memref<10240x64xf32, #tpu.memory_space<vmem_shared>> -> memref<80x64xf32, #tpu.memory_space<vmem_shared>>
        %dma_start3A_96 = arith.constant 0 : i32
        %dma_start3A_97 = tpu.memref_slice %arg23[%add3A_39, %dma_start3A_96] : memref<10240x64xf32, #tpu.memory_space<vmem_shared>> -> memref<80x64xf32, #tpu.memory_space<vmem_shared>>
        tpu.enqueue_dma source(%arg20 : memref<80x64xf32, #tpu.memory_space<vmem>>) target(%dma_start3A_97 : memref<80x64xf32, #tpu.memory_space<vmem_shared>>) target_semaphore(%run_scoped3A : memref<!tpu.dma_semaphore, #tpu.memory_space<semaphore_mem>>)
        %dma_wait3A_98 = arith.constant 0 : i32
        %dma_wait3A_99 = tpu.memref_slice %arg23[%add3A_39, %dma_wait3A_98] : memref<10240x64xf32, #tpu.memory_space<vmem_shared>> -> memref<80x64xf32, #tpu.memory_space<vmem_shared>>
        %dma_wait3A_100 = arith.constant 0 : i32
        %dma_wait3A_101 = tpu.memref_slice %arg23[%add3A_39, %dma_wait3A_100] : memref<10240x64xf32, #tpu.memory_space<vmem_shared>> -> memref<80x64xf32, #tpu.memory_space<vmem_shared>>
        tpu.wait_dma2 semaphore(%run_scoped3A : memref<!tpu.dma_semaphore, #tpu.memory_space<semaphore_mem>>) src(%arg20 : memref<80x64xf32, #tpu.memory_space<vmem>>) dst(%dma_wait3A_101 : memref<80x64xf32, #tpu.memory_space<vmem_shared>>)
        tpu.yield
      }) : () -> ()
      %add3A_40 = arith.constant 560 : i32
      %add3A_41 = arith.addi %mul3A_12, %add3A_40 : i32
      "tpu.region"() ({
        %run_scoped3A = tpu.sem_alloc : memref<!tpu.dma_semaphore, #tpu.memory_space<semaphore_mem>>
        %dma_start3A_94 = arith.constant 0 : i32
        %dma_start3A_95 = tpu.memref_slice %arg22[%add3A_41, %dma_start3A_94] : memref<10240x64xf32, #tpu.memory_space<vmem_shared>> -> memref<80x64xf32, #tpu.memory_space<vmem_shared>>
        %dma_start3A_96 = arith.constant 0 : i32
        %dma_start3A_97 = tpu.memref_slice %arg22[%add3A_41, %dma_start3A_96] : memref<10240x64xf32, #tpu.memory_space<vmem_shared>> -> memref<80x64xf32, #tpu.memory_space<vmem_shared>>
        tpu.enqueue_dma source(%arg20 : memref<80x64xf32, #tpu.memory_space<vmem>>) target(%dma_start3A_97 : memref<80x64xf32, #tpu.memory_space<vmem_shared>>) target_semaphore(%run_scoped3A : memref<!tpu.dma_semaphore, #tpu.memory_space<semaphore_mem>>)
        %dma_wait3A_98 = arith.constant 0 : i32
        %dma_wait3A_99 = tpu.memref_slice %arg22[%add3A_41, %dma_wait3A_98] : memref<10240x64xf32, #tpu.memory_space<vmem_shared>> -> memref<80x64xf32, #tpu.memory_space<vmem_shared>>
        %dma_wait3A_100 = arith.constant 0 : i32
        %dma_wait3A_101 = tpu.memref_slice %arg22[%add3A_41, %dma_wait3A_100] : memref<10240x64xf32, #tpu.memory_space<vmem_shared>> -> memref<80x64xf32, #tpu.memory_space<vmem_shared>>
        tpu.wait_dma2 semaphore(%run_scoped3A : memref<!tpu.dma_semaphore, #tpu.memory_space<semaphore_mem>>) src(%arg20 : memref<80x64xf32, #tpu.memory_space<vmem>>) dst(%dma_wait3A_101 : memref<80x64xf32, #tpu.memory_space<vmem_shared>>)
        tpu.yield
      }) : () -> ()
      %add3A_42 = arith.constant 560 : i32
      %add3A_43 = arith.addi %mul3A_12, %add3A_42 : i32
      "tpu.region"() ({
        %run_scoped3A = tpu.sem_alloc : memref<!tpu.dma_semaphore, #tpu.memory_space<semaphore_mem>>
        %dma_start3A_94 = arith.constant 0 : i32
        %dma_start3A_95 = tpu.memref_slice %arg23[%add3A_43, %dma_start3A_94] : memref<10240x64xf32, #tpu.memory_space<vmem_shared>> -> memref<80x64xf32, #tpu.memory_space<vmem_shared>>
        %dma_start3A_96 = arith.constant 0 : i32
        %dma_start3A_97 = tpu.memref_slice %arg23[%add3A_43, %dma_start3A_96] : memref<10240x64xf32, #tpu.memory_space<vmem_shared>> -> memref<80x64xf32, #tpu.memory_space<vmem_shared>>
        tpu.enqueue_dma source(%arg20 : memref<80x64xf32, #tpu.memory_space<vmem>>) target(%dma_start3A_97 : memref<80x64xf32, #tpu.memory_space<vmem_shared>>) target_semaphore(%run_scoped3A : memref<!tpu.dma_semaphore, #tpu.memory_space<semaphore_mem>>)
        %dma_wait3A_98 = arith.constant 0 : i32
        %dma_wait3A_99 = tpu.memref_slice %arg23[%add3A_43, %dma_wait3A_98] : memref<10240x64xf32, #tpu.memory_space<vmem_shared>> -> memref<80x64xf32, #tpu.memory_space<vmem_shared>>
        %dma_wait3A_100 = arith.constant 0 : i32
        %dma_wait3A_101 = tpu.memref_slice %arg23[%add3A_43, %dma_wait3A_100] : memref<10240x64xf32, #tpu.memory_space<vmem_shared>> -> memref<80x64xf32, #tpu.memory_space<vmem_shared>>
        tpu.wait_dma2 semaphore(%run_scoped3A : memref<!tpu.dma_semaphore, #tpu.memory_space<semaphore_mem>>) src(%arg20 : memref<80x64xf32, #tpu.memory_space<vmem>>) dst(%dma_wait3A_101 : memref<80x64xf32, #tpu.memory_space<vmem_shared>>)
        tpu.yield
      }) : () -> ()
      %barrier3A = arith.constant 0 : index
      tpu.barrier barrier_id(%barrier3A)
      %mul3A_44 = arith.constant 20000 : i32
      %mul3A_45 = arith.muli %arg1, %mul3A_44 : i32
      %add3A_46 = arith.constant 0 : i32
      %add3A_47 = arith.addi %mul3A_45, %add3A_46 : i32
      %dma_start3A = tpu.memref_slice %arg2[%add3A_47] : memref<320000xi32, #tpu.memory_space<hbm>> -> memref<80xi32, #tpu.memory_space<hbm>>
      %dma_start3A_48 = tpu.memref_slice %arg2[%add3A_47] : memref<320000xi32, #tpu.memory_space<hbm>> -> memref<80xi32, #tpu.memory_space<hbm>>
      tpu.enqueue_dma source(%dma_start3A_48 : memref<80xi32, #tpu.memory_space<hbm>>) target(%arg14 : memref<80xi32, #tpu.memory_space<vmem>>) target_semaphore(%arg24 : memref<!tpu.dma_semaphore, #tpu.memory_space<semaphore_mem>>)
      %add3A_49 = arith.constant 0 : i32
      %add3A_50 = arith.addi %mul3A_45, %add3A_49 : i32
      %dma_start3A_51 = tpu.memref_slice %arg3[%add3A_50] : memref<320000xi32, #tpu.memory_space<hbm>> -> memref<80xi32, #tpu.memory_space<hbm>>
      %dma_start3A_52 = tpu.memref_slice %arg3[%add3A_50] : memref<320000xi32, #tpu.memory_space<hbm>> -> memref<80xi32, #tpu.memory_space<hbm>>
      tpu.enqueue_dma source(%dma_start3A_52 : memref<80xi32, #tpu.memory_space<hbm>>) target(%arg16 : memref<80xi32, #tpu.memory_space<vmem>>) target_semaphore(%arg24 : memref<!tpu.dma_semaphore, #tpu.memory_space<semaphore_mem>>)
      %dma_wait3A = tpu.memref_slice %arg2[%mul3A_45] : memref<320000xi32, #tpu.memory_space<hbm>> -> memref<80xi32, #tpu.memory_space<hbm>>
      %dma_wait3A_53 = tpu.memref_slice %arg2[%mul3A_45] : memref<320000xi32, #tpu.memory_space<hbm>> -> memref<80xi32, #tpu.memory_space<hbm>>
      tpu.wait_dma2 semaphore(%arg24 : memref<!tpu.dma_semaphore, #tpu.memory_space<semaphore_mem>>) src(%dma_wait3A_53 : memref<80xi32, #tpu.memory_space<hbm>>) dst(%arg14 : memref<80xi32, #tpu.memory_space<vmem>>)
      %dma_wait3A_54 = tpu.memref_slice %arg3[%mul3A_45] : memref<320000xi32, #tpu.memory_space<hbm>> -> memref<80xi32, #tpu.memory_space<hbm>>
      %dma_wait3A_55 = tpu.memref_slice %arg3[%mul3A_45] : memref<320000xi32, #tpu.memory_space<hbm>> -> memref<80xi32, #tpu.memory_space<hbm>>
      tpu.wait_dma2 semaphore(%arg24 : memref<!tpu.dma_semaphore, #tpu.memory_space<semaphore_mem>>) src(%dma_wait3A_55 : memref<80xi32, #tpu.memory_space<hbm>>) dst(%arg16 : memref<80xi32, #tpu.memory_space<vmem>>)
      %add3A_56 = arith.constant 0 : i32
      %add3A_57 = arith.addi %mul3A_45, %add3A_56 : i32
      %dma_start3A_58 = arith.constant 64 : i32
      %dma_start3A_59 = tpu.memref_slice %arg4[%add3A_57, %dma_start3A_58] : memref<320000x128xf32, #tpu.memory_space<hbm>> -> memref<80x64xf32, #tpu.memory_space<hbm>>
      %dma_start3A_60 = arith.constant 64 : i32
      %dma_start3A_61 = tpu.memref_slice %arg4[%add3A_57, %dma_start3A_60] : memref<320000x128xf32, #tpu.memory_space<hbm>> -> memref<80x64xf32, #tpu.memory_space<hbm>>
      tpu.enqueue_dma source(%dma_start3A_61 : memref<80x64xf32, #tpu.memory_space<hbm>>) target(%arg18 : memref<80x64xf32, #tpu.memory_space<vmem>>) target_semaphore(%arg26 : memref<!tpu.dma_semaphore, #tpu.memory_space<semaphore_mem>>)
      %dma_start3A_62 = arith.constant 0 : i32
      %dma_start3A_63 = arith.constant 0 : i32
      %dma_start3A_64 = tpu.memref_slice %arg6[%dma_start3A_62, %dma_start3A_63] : memref<10000x64xf32, #tpu.memory_space<hbm>> -> memref<10000x64xf32, #tpu.memory_space<hbm>>
      tpu.enqueue_indirect_dma source(%dma_start3A_64 : memref<10000x64xf32, #tpu.memory_space<hbm>>) target(%arg20 : memref<80x64xf32, #tpu.memory_space<vmem>>) offsets(%arg14 : memref<80xi32, #tpu.memory_space<vmem>>) semaphore(%arg28 : memref<!tpu.dma_semaphore, #tpu.memory_space<semaphore_mem>>)
      %dma_start3A_65 = arith.constant 0 : i32
      %dma_start3A_66 = arith.constant 0 : i32
      %dma_start3A_67 = tpu.memref_slice %arg8[%dma_start3A_65, %dma_start3A_66] : memref<10000x64xf32, #tpu.memory_space<hbm>> -> memref<10000x64xf32, #tpu.memory_space<hbm>>
      tpu.enqueue_indirect_dma source(%dma_start3A_67 : memref<10000x64xf32, #tpu.memory_space<hbm>>) target(%arg21 : memref<80x64xf32, #tpu.memory_space<vmem>>) offsets(%arg16 : memref<80xi32, #tpu.memory_space<vmem>>) semaphore(%arg29 : memref<!tpu.dma_semaphore, #tpu.memory_space<semaphore_mem>>)
      %scan3A_68 = arith.constant 0 : i32
      %scan3A_69 = arith.constant 125 : i32
      %scan3A_70 = arith.addi %scan3A_68, %scan3A_69 : i32
      %scan3A_71 = arith.constant 1 : i32
      scf.for %scan3A_94 = %scan3A_68 to %scan3A_70 step %scan3A_71  : i32 {
        %mul3A_95 = arith.constant 2 : i32
        %mul3A_96 = arith.muli %mul3A_95, %scan3A_94 : i32
        %add3A_97 = arith.constant 0 : i32
        %add3A_98 = arith.addi %mul3A_96, %add3A_97 : i32
        %add3A_99 = arith.constant 1 : i32
        %add3A_100 = arith.addi %add3A_98, %add3A_99 : i32
        %min3A = arith.constant 249 : i32
        %min3A_101 = arith.minsi %add3A_100, %min3A : i32
        %dma_wait3A_102 = arith.constant 64 : i32
        %dma_wait3A_103 = tpu.memref_slice %arg4[%mul3A_45, %dma_wait3A_102] : memref<320000x128xf32, #tpu.memory_space<hbm>> -> memref<80x64xf32, #tpu.memory_space<hbm>>
        %dma_wait3A_104 = arith.constant 64 : i32
        %dma_wait3A_105 = tpu.memref_slice %arg4[%mul3A_45, %dma_wait3A_104] : memref<320000x128xf32, #tpu.memory_space<hbm>> -> memref<80x64xf32, #tpu.memory_space<hbm>>
        tpu.wait_dma2 semaphore(%arg26 : memref<!tpu.dma_semaphore, #tpu.memory_space<semaphore_mem>>) src(%dma_wait3A_105 : memref<80x64xf32, #tpu.memory_space<hbm>>) dst(%arg18 : memref<80x64xf32, #tpu.memory_space<vmem>>)
        %dma_wait3A_106 = arith.constant 0 : i32
        %dma_wait3A_107 = arith.constant 0 : i32
        %dma_wait3A_108 = tpu.memref_slice %arg6[%dma_wait3A_106, %dma_wait3A_107] : memref<10000x64xf32, #tpu.memory_space<hbm>> -> memref<10000x64xf32, #tpu.memory_space<hbm>>
        tpu.wait_indirect_dma semaphore(%arg28 : memref<!tpu.dma_semaphore, #tpu.memory_space<semaphore_mem>>) src(%dma_wait3A_108 : memref<10000x64xf32, #tpu.memory_space<hbm>>) dst(%arg20 : memref<80x64xf32, #tpu.memory_space<vmem>>)
        %dma_wait3A_109 = arith.constant 0 : i32
        %dma_wait3A_110 = arith.constant 0 : i32
        %dma_wait3A_111 = tpu.memref_slice %arg8[%dma_wait3A_109, %dma_wait3A_110] : memref<10000x64xf32, #tpu.memory_space<hbm>> -> memref<10000x64xf32, #tpu.memory_space<hbm>>
        tpu.wait_indirect_dma semaphore(%arg29 : memref<!tpu.dma_semaphore, #tpu.memory_space<semaphore_mem>>) src(%dma_wait3A_111 : memref<10000x64xf32, #tpu.memory_space<hbm>>) dst(%arg21 : memref<80x64xf32, #tpu.memory_space<vmem>>)
        %scan3A_112 = arith.constant 0 : i32
        %scan3A_113 = arith.constant 80 : i32
        %scan3A_114 = arith.addi %scan3A_112, %scan3A_113 : i32
        %scan3A_115 = arith.constant 1 : i32
        scf.for %scan3A_229 = %scan3A_112 to %scan3A_114 step %scan3A_115  : i32 {
          %get3A = arith.index_cast %scan3A_229 : i32 to index
          %get3A_230 = arith.constant 0 : index
          %get3A_231 = tpu.vector_load %arg18[%get3A, %get3A_230] {strides = array<i32>} : memref<80x64xf32, #tpu.memory_space<vmem>>, vector<1x16xf32>,
          %get3A_232 = vector.shape_cast %get3A_231 : vector<1x16xf32> to vector<16xf32>
          %get3A_233 = arith.index_cast %scan3A_229 : i32 to index
          %get3A_234 = arith.constant 0 : index
          %get3A_235 = tpu.vector_load %arg20[%get3A_233, %get3A_234] {strides = array<i32>} : memref<80x64xf32, #tpu.memory_space<vmem>>, vector<1x16xf32>,
          %get3A_236 = vector.shape_cast %get3A_235 : vector<1x16xf32> to vector<16xf32>
          %add3A_237 = arith.addf %get3A_232, %get3A_236 : vector<16xf32>
          %get3A_238 = arith.index_cast %scan3A_229 : i32 to index
          %get3A_239 = arith.constant 0 : index
          %get3A_240 = tpu.vector_load %arg21[%get3A_238, %get3A_239] {strides = array<i32>} : memref<80x64xf32, #tpu.memory_space<vmem>>, vector<1x16xf32>,
          %get3A_241 = vector.shape_cast %get3A_240 : vector<1x16xf32> to vector<16xf32>
          %add3A_242 = arith.addf %add3A_237, %get3A_241 : vector<16xf32>
          %swap3A = arith.index_cast %scan3A_229 : i32 to index
          %swap3A_243 = arith.constant 0 : index
          %swap3A_244 = tpu.vector_load %arg18[%swap3A, %swap3A_243] {strides = array<i32>} : memref<80x64xf32, #tpu.memory_space<vmem>>, vector<1x16xf32>,
          %swap3A_245 = vector.shape_cast %swap3A_244 : vector<1x16xf32> to vector<16xf32>
          %swap3A_246 = vector.shape_cast %add3A_242 : vector<16xf32> to vector<1x16xf32>
          tpu.vector_store %arg18[%swap3A, %swap3A_243], %swap3A_246 {strides = array<i32>} : memref<80x64xf32, #tpu.memory_space<vmem>>, vector<1x16xf32>,
          %get3A_247 = arith.index_cast %scan3A_229 : i32 to index
          %get3A_248 = arith.constant 16 : index
          %get3A_249 = tpu.vector_load %arg18[%get3A_247, %get3A_248] {strides = array<i32>} : memref<80x64xf32, #tpu.memory_space<vmem>>, vector<1x16xf32>,
          %get3A_250 = vector.shape_cast %get3A_249 : vector<1x16xf32> to vector<16xf32>
          %get3A_251 = arith.index_cast %scan3A_229 : i32 to index
          %get3A_252 = arith.constant 16 : index
          %get3A_253 = tpu.vector_load %arg20[%get3A_251, %get3A_252] {strides = array<i32>} : memref<80x64xf32, #tpu.memory_space<vmem>>, vector<1x16xf32>,
          %get3A_254 = vector.shape_cast %get3A_253 : vector<1x16xf32> to vector<16xf32>
          %add3A_255 = arith.addf %get3A_250, %get3A_254 : vector<16xf32>
          %get3A_256 = arith.index_cast %scan3A_229 : i32 to index
          %get3A_257 = arith.constant 16 : index
          %get3A_258 = tpu.vector_load %arg21[%get3A_256, %get3A_257] {strides = array<i32>} : memref<80x64xf32, #tpu.memory_space<vmem>>, vector<1x16xf32>,
          %get3A_259 = vector.shape_cast %get3A_258 : vector<1x16xf32> to vector<16xf32>
          %add3A_260 = arith.addf %add3A_255, %get3A_259 : vector<16xf32>
          %swap3A_261 = arith.index_cast %scan3A_229 : i32 to index
          %swap3A_262 = arith.constant 16 : index
          %swap3A_263 = tpu.vector_load %arg18[%swap3A_261, %swap3A_262] {strides = array<i32>} : memref<80x64xf32, #tpu.memory_space<vmem>>, vector<1x16xf32>,
          %swap3A_264 = vector.shape_cast %swap3A_263 : vector<1x16xf32> to vector<16xf32>
          %swap3A_265 = vector.shape_cast %add3A_260 : vector<16xf32> to vector<1x16xf32>
          tpu.vector_store %arg18[%swap3A_261, %swap3A_262], %swap3A_265 {strides = array<i32>} : memref<80x64xf32, #tpu.memory_space<vmem>>, vector<1x16xf32>,
          %get3A_266 = arith.index_cast %scan3A_229 : i32 to index
          %get3A_267 = arith.constant 32 : index
          %get3A_268 = tpu.vector_load %arg18[%get3A_266, %get3A_267] {strides = array<i32>} : memref<80x64xf32, #tpu.memory_space<vmem>>, vector<1x16xf32>,
          %get3A_269 = vector.shape_cast %get3A_268 : vector<1x16xf32> to vector<16xf32>
          %get3A_270 = arith.index_cast %scan3A_229 : i32 to index
          %get3A_271 = arith.constant 32 : index
          %get3A_272 = tpu.vector_load %arg20[%get3A_270, %get3A_271] {strides = array<i32>} : memref<80x64xf32, #tpu.memory_space<vmem>>, vector<1x16xf32>,
          %get3A_273 = vector.shape_cast %get3A_272 : vector<1x16xf32> to vector<16xf32>
          %add3A_274 = arith.addf %get3A_269, %get3A_273 : vector<16xf32>
          %get3A_275 = arith.index_cast %scan3A_229 : i32 to index
          %get3A_276 = arith.constant 32 : index
          %get3A_277 = tpu.vector_load %arg21[%get3A_275, %get3A_276] {strides = array<i32>} : memref<80x64xf32, #tpu.memory_space<vmem>>, vector<1x16xf32>,
          %get3A_278 = vector.shape_cast %get3A_277 : vector<1x16xf32> to vector<16xf32>
          %add3A_279 = arith.addf %add3A_274, %get3A_278 : vector<16xf32>
          %swap3A_280 = arith.index_cast %scan3A_229 : i32 to index
          %swap3A_281 = arith.constant 32 : index
          %swap3A_282 = tpu.vector_load %arg18[%swap3A_280, %swap3A_281] {strides = array<i32>} : memref<80x64xf32, #tpu.memory_space<vmem>>, vector<1x16xf32>,
          %swap3A_283 = vector.shape_cast %swap3A_282 : vector<1x16xf32> to vector<16xf32>
          %swap3A_284 = vector.shape_cast %add3A_279 : vector<16xf32> to vector<1x16xf32>
          tpu.vector_store %arg18[%swap3A_280, %swap3A_281], %swap3A_284 {strides = array<i32>} : memref<80x64xf32, #tpu.memory_space<vmem>>, vector<1x16xf32>,
          %get3A_285 = arith.index_cast %scan3A_229 : i32 to index
          %get3A_286 = arith.constant 48 : index
          %get3A_287 = tpu.vector_load %arg18[%get3A_285, %get3A_286] {strides = array<i32>} : memref<80x64xf32, #tpu.memory_space<vmem>>, vector<1x16xf32>,
          %get3A_288 = vector.shape_cast %get3A_287 : vector<1x16xf32> to vector<16xf32>
          %get3A_289 = arith.index_cast %scan3A_229 : i32 to index
          %get3A_290 = arith.constant 48 : index
          %get3A_291 = tpu.vector_load %arg20[%get3A_289, %get3A_290] {strides = array<i32>} : memref<80x64xf32, #tpu.memory_space<vmem>>, vector<1x16xf32>,
          %get3A_292 = vector.shape_cast %get3A_291 : vector<1x16xf32> to vector<16xf32>
          %add3A_293 = arith.addf %get3A_288, %get3A_292 : vector<16xf32>
          %get3A_294 = arith.index_cast %scan3A_229 : i32 to index
          %get3A_295 = arith.constant 48 : index
          %get3A_296 = tpu.vector_load %arg21[%get3A_294, %get3A_295] {strides = array<i32>} : memref<80x64xf32, #tpu.memory_space<vmem>>, vector<1x16xf32>,
          %get3A_297 = vector.shape_cast %get3A_296 : vector<1x16xf32> to vector<16xf32>
          %add3A_298 = arith.addf %add3A_293, %get3A_297 : vector<16xf32>
          %swap3A_299 = arith.index_cast %scan3A_229 : i32 to index
          %swap3A_300 = arith.constant 48 : index
          %swap3A_301 = tpu.vector_load %arg18[%swap3A_299, %swap3A_300] {strides = array<i32>} : memref<80x64xf32, #tpu.memory_space<vmem>>, vector<1x16xf32>,
          %swap3A_302 = vector.shape_cast %swap3A_301 : vector<1x16xf32> to vector<16xf32>
          %swap3A_303 = vector.shape_cast %add3A_298 : vector<16xf32> to vector<1x16xf32>
          tpu.vector_store %arg18[%swap3A_299, %swap3A_300], %swap3A_303 {strides = array<i32>} : memref<80x64xf32, #tpu.memory_space<vmem>>, vector<1x16xf32>,
        }
        %scan3A_116 = arith.constant 80 : i32
        %gt3A = arith.constant 0 : i32
        %gt3A_117 = arith.cmpi sgt, %add3A_98, %gt3A : i32
        %convert_element_type3A_118 = arith.extui %gt3A_117 : i1 to i32
        %cond3A_119 = arith.constant 0 : i32
        %cond3A_120 = arith.cmpi ne, %convert_element_type3A_118, %cond3A_119 : i32
        scf.if %cond3A_120 {
          %dma_wait3A_229 = arith.constant 64 : i32
          %dma_wait3A_230 = tpu.memref_slice %arg9[%mul3A_45, %dma_wait3A_229] : memref<320000x128xf32, #tpu.memory_space<hbm>> -> memref<80x64xf32, #tpu.memory_space<hbm>>
          %dma_wait3A_231 = arith.constant 64 : i32
          %dma_wait3A_232 = tpu.memref_slice %arg9[%mul3A_45, %dma_wait3A_231] : memref<320000x128xf32, #tpu.memory_space<hbm>> -> memref<80x64xf32, #tpu.memory_space<hbm>>
          tpu.wait_dma2 semaphore(%arg30 : memref<!tpu.dma_semaphore, #tpu.memory_space<semaphore_mem>>) src(%arg19 : memref<80x64xf32, #tpu.memory_space<vmem>>) dst(%dma_wait3A_232 : memref<80x64xf32, #tpu.memory_space<hbm>>)
          %dma_wait3A_233 = arith.constant 0 : i32
          %dma_wait3A_234 = arith.constant 0 : i32
          %dma_wait3A_235 = tpu.memref_slice %arg22[%dma_wait3A_233, %dma_wait3A_234] : memref<10240x64xf32, #tpu.memory_space<vmem_shared>> -> memref<10240x64xf32, #tpu.memory_space<vmem_shared>>
          tpu.wait_indirect_dma semaphore(%arg31 : memref<!tpu.dma_semaphore, #tpu.memory_space<semaphore_mem>>) src(%arg19 : memref<80x64xf32, #tpu.memory_space<vmem>>) dst(%dma_wait3A_235 : memref<10240x64xf32, #tpu.memory_space<vmem_shared>>)
          %dma_wait3A_236 = arith.constant 0 : i32
          %dma_wait3A_237 = arith.constant 0 : i32
          %dma_wait3A_238 = tpu.memref_slice %arg23[%dma_wait3A_236, %dma_wait3A_237] : memref<10240x64xf32, #tpu.memory_space<vmem_shared>> -> memref<10240x64xf32, #tpu.memory_space<vmem_shared>>
          tpu.wait_indirect_dma semaphore(%arg31 : memref<!tpu.dma_semaphore, #tpu.memory_space<semaphore_mem>>) src(%arg19 : memref<80x64xf32, #tpu.memory_space<vmem>>) dst(%dma_wait3A_238 : memref<10240x64xf32, #tpu.memory_space<vmem_shared>>)
        } else {
        }
        %mul3A_121 = arith.constant 80 : i32
        %mul3A_122 = arith.muli %min3A_101, %mul3A_121 : i32
        %add3A_123 = arith.addi %mul3A_45, %mul3A_122 : i32
        %dma_start3A_124 = tpu.memref_slice %arg2[%add3A_123] : memref<320000xi32, #tpu.memory_space<hbm>> -> memref<80xi32, #tpu.memory_space<hbm>>
        %dma_start3A_125 = tpu.memref_slice %arg2[%add3A_123] : memref<320000xi32, #tpu.memory_space<hbm>> -> memref<80xi32, #tpu.memory_space<hbm>>
        tpu.enqueue_dma source(%dma_start3A_125 : memref<80xi32, #tpu.memory_space<hbm>>) target(%arg15 : memref<80xi32, #tpu.memory_space<vmem>>) target_semaphore(%arg25 : memref<!tpu.dma_semaphore, #tpu.memory_space<semaphore_mem>>)
        %mul3A_126 = arith.constant 80 : i32
        %mul3A_127 = arith.muli %min3A_101, %mul3A_126 : i32
        %add3A_128 = arith.addi %mul3A_45, %mul3A_127 : i32
        %dma_start3A_129 = tpu.memref_slice %arg3[%add3A_128] : memref<320000xi32, #tpu.memory_space<hbm>> -> memref<80xi32, #tpu.memory_space<hbm>>
        %dma_start3A_130 = tpu.memref_slice %arg3[%add3A_128] : memref<320000xi32, #tpu.memory_space<hbm>> -> memref<80xi32, #tpu.memory_space<hbm>>
        tpu.enqueue_dma source(%dma_start3A_130 : memref<80xi32, #tpu.memory_space<hbm>>) target(%arg17 : memref<80xi32, #tpu.memory_space<vmem>>) target_semaphore(%arg25 : memref<!tpu.dma_semaphore, #tpu.memory_space<semaphore_mem>>)
        %mul3A_131 = arith.constant 80 : i32
        %mul3A_132 = arith.muli %min3A_101, %mul3A_131 : i32
        %add3A_133 = arith.addi %mul3A_45, %mul3A_132 : i32
        %dma_start3A_134 = arith.constant 64 : i32
        %dma_start3A_135 = tpu.memref_slice %arg4[%add3A_133, %dma_start3A_134] : memref<320000x128xf32, #tpu.memory_space<hbm>> -> memref<80x64xf32, #tpu.memory_space<hbm>>
        %dma_start3A_136 = arith.constant 64 : i32
        %dma_start3A_137 = tpu.memref_slice %arg4[%add3A_133, %dma_start3A_136] : memref<320000x128xf32, #tpu.memory_space<hbm>> -> memref<80x64xf32, #tpu.memory_space<hbm>>
        tpu.enqueue_dma source(%dma_start3A_137 : memref<80x64xf32, #tpu.memory_space<hbm>>) target(%arg19 : memref<80x64xf32, #tpu.memory_space<vmem>>) target_semaphore(%arg27 : memref<!tpu.dma_semaphore, #tpu.memory_space<semaphore_mem>>)
        %mul3A_138 = arith.constant 80 : i32
        %mul3A_139 = arith.muli %add3A_98, %mul3A_138 : i32
        %add3A_140 = arith.addi %mul3A_45, %mul3A_139 : i32
        %dma_start3A_141 = arith.constant 64 : i32
        %dma_start3A_142 = tpu.memref_slice %arg9[%add3A_140, %dma_start3A_141] : memref<320000x128xf32, #tpu.memory_space<hbm>> -> memref<80x64xf32, #tpu.memory_space<hbm>>
        %dma_start3A_143 = arith.constant 64 : i32
        %dma_start3A_144 = tpu.memref_slice %arg9[%add3A_140, %dma_start3A_143] : memref<320000x128xf32, #tpu.memory_space<hbm>> -> memref<80x64xf32, #tpu.memory_space<hbm>>
        tpu.enqueue_dma source(%arg18 : memref<80x64xf32, #tpu.memory_space<vmem>>) target(%dma_start3A_144 : memref<80x64xf32, #tpu.memory_space<hbm>>) target_semaphore(%arg30 : memref<!tpu.dma_semaphore, #tpu.memory_space<semaphore_mem>>)
        %dma_start3A_145 = arith.constant 0 : i32
        %dma_start3A_146 = arith.constant 0 : i32
        %dma_start3A_147 = tpu.memref_slice %arg22[%dma_start3A_145, %dma_start3A_146] : memref<10240x64xf32, #tpu.memory_space<vmem_shared>> -> memref<10240x64xf32, #tpu.memory_space<vmem_shared>>
        tpu.enqueue_indirect_dma source(%arg18 : memref<80x64xf32, #tpu.memory_space<vmem>>) target(%dma_start3A_147 : memref<10240x64xf32, #tpu.memory_space<vmem_shared>>) offsets(%arg14 : memref<80xi32, #tpu.memory_space<vmem>>) semaphore(%arg31 : memref<!tpu.dma_semaphore, #tpu.memory_space<semaphore_mem>>) {add = true}
        %dma_start3A_148 = arith.constant 0 : i32
        %dma_start3A_149 = arith.constant 0 : i32
        %dma_start3A_150 = tpu.memref_slice %arg23[%dma_start3A_148, %dma_start3A_149] : memref<10240x64xf32, #tpu.memory_space<vmem_shared>> -> memref<10240x64xf32, #tpu.memory_space<vmem_shared>>
        tpu.enqueue_indirect_dma source(%arg18 : memref<80x64xf32, #tpu.memory_space<vmem>>) target(%dma_start3A_150 : memref<10240x64xf32, #tpu.memory_space<vmem_shared>>) offsets(%arg16 : memref<80xi32, #tpu.memory_space<vmem>>) semaphore(%arg31 : memref<!tpu.dma_semaphore, #tpu.memory_space<semaphore_mem>>) {add = true}
        %dma_wait3A_151 = tpu.memref_slice %arg2[%mul3A_45] : memref<320000xi32, #tpu.memory_space<hbm>> -> memref<80xi32, #tpu.memory_space<hbm>>
        %dma_wait3A_152 = tpu.memref_slice %arg2[%mul3A_45] : memref<320000xi32, #tpu.memory_space<hbm>> -> memref<80xi32, #tpu.memory_space<hbm>>
        tpu.wait_dma2 semaphore(%arg25 : memref<!tpu.dma_semaphore, #tpu.memory_space<semaphore_mem>>) src(%dma_wait3A_152 : memref<80xi32, #tpu.memory_space<hbm>>) dst(%arg15 : memref<80xi32, #tpu.memory_space<vmem>>)
        %dma_wait3A_153 = tpu.memref_slice %arg3[%mul3A_45] : memref<320000xi32, #tpu.memory_space<hbm>> -> memref<80xi32, #tpu.memory_space<hbm>>
        %dma_wait3A_154 = tpu.memref_slice %arg3[%mul3A_45] : memref<320000xi32, #tpu.memory_space<hbm>> -> memref<80xi32, #tpu.memory_space<hbm>>
        tpu.wait_dma2 semaphore(%arg25 : memref<!tpu.dma_semaphore, #tpu.memory_space<semaphore_mem>>) src(%dma_wait3A_154 : memref<80xi32, #tpu.memory_space<hbm>>) dst(%arg17 : memref<80xi32, #tpu.memory_space<vmem>>)
        %dma_start3A_155 = arith.constant 0 : i32
        %dma_start3A_156 = arith.constant 0 : i32
        %dma_start3A_157 = tpu.memref_slice %arg6[%dma_start3A_155, %dma_start3A_156] : memref<10000x64xf32, #tpu.memory_space<hbm>> -> memref<10000x64xf32, #tpu.memory_space<hbm>>
        tpu.enqueue_indirect_dma source(%dma_start3A_157 : memref<10000x64xf32, #tpu.memory_space<hbm>>) target(%arg20 : memref<80x64xf32, #tpu.memory_space<vmem>>) offsets(%arg15 : memref<80xi32, #tpu.memory_space<vmem>>) semaphore(%arg28 : memref<!tpu.dma_semaphore, #tpu.memory_space<semaphore_mem>>)
        %dma_start3A_158 = arith.constant 0 : i32
        %dma_start3A_159 = arith.constant 0 : i32
        %dma_start3A_160 = tpu.memref_slice %arg8[%dma_start3A_158, %dma_start3A_159] : memref<10000x64xf32, #tpu.memory_space<hbm>> -> memref<10000x64xf32, #tpu.memory_space<hbm>>
        tpu.enqueue_indirect_dma source(%dma_start3A_160 : memref<10000x64xf32, #tpu.memory_space<hbm>>) target(%arg21 : memref<80x64xf32, #tpu.memory_space<vmem>>) offsets(%arg17 : memref<80xi32, #tpu.memory_space<vmem>>) semaphore(%arg29 : memref<!tpu.dma_semaphore, #tpu.memory_space<semaphore_mem>>)
        %mul3A_161 = arith.constant 2 : i32
        %mul3A_162 = arith.muli %mul3A_161, %scan3A_94 : i32
        %add3A_163 = arith.constant 1 : i32
        %add3A_164 = arith.addi %mul3A_162, %add3A_163 : i32
        %add3A_165 = arith.constant 1 : i32
        %add3A_166 = arith.addi %add3A_164, %add3A_165 : i32
        %min3A_167 = arith.constant 249 : i32
        %min3A_168 = arith.minsi %add3A_166, %min3A_167 : i32
        %dma_wait3A_169 = arith.constant 64 : i32
        %dma_wait3A_170 = tpu.memref_slice %arg4[%mul3A_45, %dma_wait3A_169] : memref<320000x128xf32, #tpu.memory_space<hbm>> -> memref<80x64xf32, #tpu.memory_space<hbm>>
        %dma_wait3A_171 = arith.constant 64 : i32
        %dma_wait3A_172 = tpu.memref_slice %arg4[%mul3A_45, %dma_wait3A_171] : memref<320000x128xf32, #tpu.memory_space<hbm>> -> memref<80x64xf32, #tpu.memory_space<hbm>>
        tpu.wait_dma2 semaphore(%arg27 : memref<!tpu.dma_semaphore, #tpu.memory_space<semaphore_mem>>) src(%dma_wait3A_172 : memref<80x64xf32, #tpu.memory_space<hbm>>) dst(%arg19 : memref<80x64xf32, #tpu.memory_space<vmem>>)
        %dma_wait3A_173 = arith.constant 0 : i32
        %dma_wait3A_174 = arith.constant 0 : i32
        %dma_wait3A_175 = tpu.memref_slice %arg6[%dma_wait3A_173, %dma_wait3A_174] : memref<10000x64xf32, #tpu.memory_space<hbm>> -> memref<10000x64xf32, #tpu.memory_space<hbm>>
        tpu.wait_indirect_dma semaphore(%arg28 : memref<!tpu.dma_semaphore, #tpu.memory_space<semaphore_mem>>) src(%dma_wait3A_175 : memref<10000x64xf32, #tpu.memory_space<hbm>>) dst(%arg20 : memref<80x64xf32, #tpu.memory_space<vmem>>)
        %dma_wait3A_176 = arith.constant 0 : i32
        %dma_wait3A_177 = arith.constant 0 : i32
        %dma_wait3A_178 = tpu.memref_slice %arg8[%dma_wait3A_176, %dma_wait3A_177] : memref<10000x64xf32, #tpu.memory_space<hbm>> -> memref<10000x64xf32, #tpu.memory_space<hbm>>
        tpu.wait_indirect_dma semaphore(%arg29 : memref<!tpu.dma_semaphore, #tpu.memory_space<semaphore_mem>>) src(%dma_wait3A_178 : memref<10000x64xf32, #tpu.memory_space<hbm>>) dst(%arg21 : memref<80x64xf32, #tpu.memory_space<vmem>>)
        %scan3A_179 = arith.constant 0 : i32
        %scan3A_180 = arith.constant 80 : i32
        %scan3A_181 = arith.addi %scan3A_179, %scan3A_180 : i32
        %scan3A_182 = arith.constant 1 : i32
        scf.for %scan3A_229 = %scan3A_179 to %scan3A_181 step %scan3A_182  : i32 {
          %get3A = arith.index_cast %scan3A_229 : i32 to index
          %get3A_230 = arith.constant 0 : index
          %get3A_231 = tpu.vector_load %arg19[%get3A, %get3A_230] {strides = array<i32>} : memref<80x64xf32, #tpu.memory_space<vmem>>, vector<1x16xf32>,
          %get3A_232 = vector.shape_cast %get3A_231 : vector<1x16xf32> to vector<16xf32>
          %get3A_233 = arith.index_cast %scan3A_229 : i32 to index
          %get3A_234 = arith.constant 0 : index
          %get3A_235 = tpu.vector_load %arg20[%get3A_233, %get3A_234] {strides = array<i32>} : memref<80x64xf32, #tpu.memory_space<vmem>>, vector<1x16xf32>,
          %get3A_236 = vector.shape_cast %get3A_235 : vector<1x16xf32> to vector<16xf32>
          %add3A_237 = arith.addf %get3A_232, %get3A_236 : vector<16xf32>
          %get3A_238 = arith.index_cast %scan3A_229 : i32 to index
          %get3A_239 = arith.constant 0 : index
          %get3A_240 = tpu.vector_load %arg21[%get3A_238, %get3A_239] {strides = array<i32>} : memref<80x64xf32, #tpu.memory_space<vmem>>, vector<1x16xf32>,
          %get3A_241 = vector.shape_cast %get3A_240 : vector<1x16xf32> to vector<16xf32>
          %add3A_242 = arith.addf %add3A_237, %get3A_241 : vector<16xf32>
          %swap3A = arith.index_cast %scan3A_229 : i32 to index
          %swap3A_243 = arith.constant 0 : index
          %swap3A_244 = tpu.vector_load %arg19[%swap3A, %swap3A_243] {strides = array<i32>} : memref<80x64xf32, #tpu.memory_space<vmem>>, vector<1x16xf32>,
          %swap3A_245 = vector.shape_cast %swap3A_244 : vector<1x16xf32> to vector<16xf32>
          %swap3A_246 = vector.shape_cast %add3A_242 : vector<16xf32> to vector<1x16xf32>
          tpu.vector_store %arg19[%swap3A, %swap3A_243], %swap3A_246 {strides = array<i32>} : memref<80x64xf32, #tpu.memory_space<vmem>>, vector<1x16xf32>,
          %get3A_247 = arith.index_cast %scan3A_229 : i32 to index
          %get3A_248 = arith.constant 16 : index
          %get3A_249 = tpu.vector_load %arg19[%get3A_247, %get3A_248] {strides = array<i32>} : memref<80x64xf32, #tpu.memory_space<vmem>>, vector<1x16xf32>,
          %get3A_250 = vector.shape_cast %get3A_249 : vector<1x16xf32> to vector<16xf32>
          %get3A_251 = arith.index_cast %scan3A_229 : i32 to index
          %get3A_252 = arith.constant 16 : index
          %get3A_253 = tpu.vector_load %arg20[%get3A_251, %get3A_252] {strides = array<i32>} : memref<80x64xf32, #tpu.memory_space<vmem>>, vector<1x16xf32>,
          %get3A_254 = vector.shape_cast %get3A_253 : vector<1x16xf32> to vector<16xf32>
          %add3A_255 = arith.addf %get3A_250, %get3A_254 : vector<16xf32>
          %get3A_256 = arith.index_cast %scan3A_229 : i32 to index
          %get3A_257 = arith.constant 16 : index
          %get3A_258 = tpu.vector_load %arg21[%get3A_256, %get3A_257] {strides = array<i32>} : memref<80x64xf32, #tpu.memory_space<vmem>>, vector<1x16xf32>,
          %get3A_259 = vector.shape_cast %get3A_258 : vector<1x16xf32> to vector<16xf32>
          %add3A_260 = arith.addf %add3A_255, %get3A_259 : vector<16xf32>
          %swap3A_261 = arith.index_cast %scan3A_229 : i32 to index
          %swap3A_262 = arith.constant 16 : index
          %swap3A_263 = tpu.vector_load %arg19[%swap3A_261, %swap3A_262] {strides = array<i32>} : memref<80x64xf32, #tpu.memory_space<vmem>>, vector<1x16xf32>,
          %swap3A_264 = vector.shape_cast %swap3A_263 : vector<1x16xf32> to vector<16xf32>
          %swap3A_265 = vector.shape_cast %add3A_260 : vector<16xf32> to vector<1x16xf32>
          tpu.vector_store %arg19[%swap3A_261, %swap3A_262], %swap3A_265 {strides = array<i32>} : memref<80x64xf32, #tpu.memory_space<vmem>>, vector<1x16xf32>,
          %get3A_266 = arith.index_cast %scan3A_229 : i32 to index
          %get3A_267 = arith.constant 32 : index
          %get3A_268 = tpu.vector_load %arg19[%get3A_266, %get3A_267] {strides = array<i32>} : memref<80x64xf32, #tpu.memory_space<vmem>>, vector<1x16xf32>,
          %get3A_269 = vector.shape_cast %get3A_268 : vector<1x16xf32> to vector<16xf32>
          %get3A_270 = arith.index_cast %scan3A_229 : i32 to index
          %get3A_271 = arith.constant 32 : index
          %get3A_272 = tpu.vector_load %arg20[%get3A_270, %get3A_271] {strides = array<i32>} : memref<80x64xf32, #tpu.memory_space<vmem>>, vector<1x16xf32>,
          %get3A_273 = vector.shape_cast %get3A_272 : vector<1x16xf32> to vector<16xf32>
          %add3A_274 = arith.addf %get3A_269, %get3A_273 : vector<16xf32>
          %get3A_275 = arith.index_cast %scan3A_229 : i32 to index
          %get3A_276 = arith.constant 32 : index
          %get3A_277 = tpu.vector_load %arg21[%get3A_275, %get3A_276] {strides = array<i32>} : memref<80x64xf32, #tpu.memory_space<vmem>>, vector<1x16xf32>,
          %get3A_278 = vector.shape_cast %get3A_277 : vector<1x16xf32> to vector<16xf32>
          %add3A_279 = arith.addf %add3A_274, %get3A_278 : vector<16xf32>
          %swap3A_280 = arith.index_cast %scan3A_229 : i32 to index
          %swap3A_281 = arith.constant 32 : index
          %swap3A_282 = tpu.vector_load %arg19[%swap3A_280, %swap3A_281] {strides = array<i32>} : memref<80x64xf32, #tpu.memory_space<vmem>>, vector<1x16xf32>,
          %swap3A_283 = vector.shape_cast %swap3A_282 : vector<1x16xf32> to vector<16xf32>
          %swap3A_284 = vector.shape_cast %add3A_279 : vector<16xf32> to vector<1x16xf32>
          tpu.vector_store %arg19[%swap3A_280, %swap3A_281], %swap3A_284 {strides = array<i32>} : memref<80x64xf32, #tpu.memory_space<vmem>>, vector<1x16xf32>,
          %get3A_285 = arith.index_cast %scan3A_229 : i32 to index
          %get3A_286 = arith.constant 48 : index
          %get3A_287 = tpu.vector_load %arg19[%get3A_285, %get3A_286] {strides = array<i32>} : memref<80x64xf32, #tpu.memory_space<vmem>>, vector<1x16xf32>,
          %get3A_288 = vector.shape_cast %get3A_287 : vector<1x16xf32> to vector<16xf32>
          %get3A_289 = arith.index_cast %scan3A_229 : i32 to index
          %get3A_290 = arith.constant 48 : index
          %get3A_291 = tpu.vector_load %arg20[%get3A_289, %get3A_290] {strides = array<i32>} : memref<80x64xf32, #tpu.memory_space<vmem>>, vector<1x16xf32>,
          %get3A_292 = vector.shape_cast %get3A_291 : vector<1x16xf32> to vector<16xf32>
          %add3A_293 = arith.addf %get3A_288, %get3A_292 : vector<16xf32>
          %get3A_294 = arith.index_cast %scan3A_229 : i32 to index
          %get3A_295 = arith.constant 48 : index
          %get3A_296 = tpu.vector_load %arg21[%get3A_294, %get3A_295] {strides = array<i32>} : memref<80x64xf32, #tpu.memory_space<vmem>>, vector<1x16xf32>,
          %get3A_297 = vector.shape_cast %get3A_296 : vector<1x16xf32> to vector<16xf32>
          %add3A_298 = arith.addf %add3A_293, %get3A_297 : vector<16xf32>
          %swap3A_299 = arith.index_cast %scan3A_229 : i32 to index
          %swap3A_300 = arith.constant 48 : index
          %swap3A_301 = tpu.vector_load %arg19[%swap3A_299, %swap3A_300] {strides = array<i32>} : memref<80x64xf32, #tpu.memory_space<vmem>>, vector<1x16xf32>,
          %swap3A_302 = vector.shape_cast %swap3A_301 : vector<1x16xf32> to vector<16xf32>
          %swap3A_303 = vector.shape_cast %add3A_298 : vector<16xf32> to vector<1x16xf32>
          tpu.vector_store %arg19[%swap3A_299, %swap3A_300], %swap3A_303 {strides = array<i32>} : memref<80x64xf32, #tpu.memory_space<vmem>>, vector<1x16xf32>,
        }
        %scan3A_183 = arith.constant 80 : i32
        %gt3A_184 = arith.constant 0 : i32
        %gt3A_185 = arith.cmpi sgt, %add3A_164, %gt3A_184 : i32
        %convert_element_type3A_186 = arith.extui %gt3A_185 : i1 to i32
        %cond3A_187 = arith.constant 0 : i32
        %cond3A_188 = arith.cmpi ne, %convert_element_type3A_186, %cond3A_187 : i32
        scf.if %cond3A_188 {
          %dma_wait3A_229 = arith.constant 64 : i32
          %dma_wait3A_230 = tpu.memref_slice %arg9[%mul3A_45, %dma_wait3A_229] : memref<320000x128xf32, #tpu.memory_space<hbm>> -> memref<80x64xf32, #tpu.memory_space<hbm>>
          %dma_wait3A_231 = arith.constant 64 : i32
          %dma_wait3A_232 = tpu.memref_slice %arg9[%mul3A_45, %dma_wait3A_231] : memref<320000x128xf32, #tpu.memory_space<hbm>> -> memref<80x64xf32, #tpu.memory_space<hbm>>
          tpu.wait_dma2 semaphore(%arg30 : memref<!tpu.dma_semaphore, #tpu.memory_space<semaphore_mem>>) src(%arg18 : memref<80x64xf32, #tpu.memory_space<vmem>>) dst(%dma_wait3A_232 : memref<80x64xf32, #tpu.memory_space<hbm>>)
          %dma_wait3A_233 = arith.constant 0 : i32
          %dma_wait3A_234 = arith.constant 0 : i32
          %dma_wait3A_235 = tpu.memref_slice %arg22[%dma_wait3A_233, %dma_wait3A_234] : memref<10240x64xf32, #tpu.memory_space<vmem_shared>> -> memref<10240x64xf32, #tpu.memory_space<vmem_shared>>
          tpu.wait_indirect_dma semaphore(%arg31 : memref<!tpu.dma_semaphore, #tpu.memory_space<semaphore_mem>>) src(%arg18 : memref<80x64xf32, #tpu.memory_space<vmem>>) dst(%dma_wait3A_235 : memref<10240x64xf32, #tpu.memory_space<vmem_shared>>)
          %dma_wait3A_236 = arith.constant 0 : i32
          %dma_wait3A_237 = arith.constant 0 : i32
          %dma_wait3A_238 = tpu.memref_slice %arg23[%dma_wait3A_236, %dma_wait3A_237] : memref<10240x64xf32, #tpu.memory_space<vmem_shared>> -> memref<10240x64xf32, #tpu.memory_space<vmem_shared>>
          tpu.wait_indirect_dma semaphore(%arg31 : memref<!tpu.dma_semaphore, #tpu.memory_space<semaphore_mem>>) src(%arg18 : memref<80x64xf32, #tpu.memory_space<vmem>>) dst(%dma_wait3A_238 : memref<10240x64xf32, #tpu.memory_space<vmem_shared>>)
        } else {
        }
        %mul3A_189 = arith.constant 80 : i32
        %mul3A_190 = arith.muli %min3A_168, %mul3A_189 : i32
        %add3A_191 = arith.addi %mul3A_45, %mul3A_190 : i32
        %dma_start3A_192 = tpu.memref_slice %arg2[%add3A_191] : memref<320000xi32, #tpu.memory_space<hbm>> -> memref<80xi32, #tpu.memory_space<hbm>>
        %dma_start3A_193 = tpu.memref_slice %arg2[%add3A_191] : memref<320000xi32, #tpu.memory_space<hbm>> -> memref<80xi32, #tpu.memory_space<hbm>>
        tpu.enqueue_dma source(%dma_start3A_193 : memref<80xi32, #tpu.memory_space<hbm>>) target(%arg14 : memref<80xi32, #tpu.memory_space<vmem>>) target_semaphore(%arg24 : memref<!tpu.dma_semaphore, #tpu.memory_space<semaphore_mem>>)
        %mul3A_194 = arith.constant 80 : i32
        %mul3A_195 = arith.muli %min3A_168, %mul3A_194 : i32
        %add3A_196 = arith.addi %mul3A_45, %mul3A_195 : i32
        %dma_start3A_197 = tpu.memref_slice %arg3[%add3A_196] : memref<320000xi32, #tpu.memory_space<hbm>> -> memref<80xi32, #tpu.memory_space<hbm>>
        %dma_start3A_198 = tpu.memref_slice %arg3[%add3A_196] : memref<320000xi32, #tpu.memory_space<hbm>> -> memref<80xi32, #tpu.memory_space<hbm>>
        tpu.enqueue_dma source(%dma_start3A_198 : memref<80xi32, #tpu.memory_space<hbm>>) target(%arg16 : memref<80xi32, #tpu.memory_space<vmem>>) target_semaphore(%arg24 : memref<!tpu.dma_semaphore, #tpu.memory_space<semaphore_mem>>)
        %mul3A_199 = arith.constant 80 : i32
        %mul3A_200 = arith.muli %min3A_168, %mul3A_199 : i32
        %add3A_201 = arith.addi %mul3A_45, %mul3A_200 : i32
        %dma_start3A_202 = arith.constant 64 : i32
        %dma_start3A_203 = tpu.memref_slice %arg4[%add3A_201, %dma_start3A_202] : memref<320000x128xf32, #tpu.memory_space<hbm>> -> memref<80x64xf32, #tpu.memory_space<hbm>>
        %dma_start3A_204 = arith.constant 64 : i32
        %dma_start3A_205 = tpu.memref_slice %arg4[%add3A_201, %dma_start3A_204] : memref<320000x128xf32, #tpu.memory_space<hbm>> -> memref<80x64xf32, #tpu.memory_space<hbm>>
        tpu.enqueue_dma source(%dma_start3A_205 : memref<80x64xf32, #tpu.memory_space<hbm>>) target(%arg18 : memref<80x64xf32, #tpu.memory_space<vmem>>) target_semaphore(%arg26 : memref<!tpu.dma_semaphore, #tpu.memory_space<semaphore_mem>>)
        %mul3A_206 = arith.constant 80 : i32
        %mul3A_207 = arith.muli %add3A_164, %mul3A_206 : i32
        %add3A_208 = arith.addi %mul3A_45, %mul3A_207 : i32
        %dma_start3A_209 = arith.constant 64 : i32
        %dma_start3A_210 = tpu.memref_slice %arg9[%add3A_208, %dma_start3A_209] : memref<320000x128xf32, #tpu.memory_space<hbm>> -> memref<80x64xf32, #tpu.memory_space<hbm>>
        %dma_start3A_211 = arith.constant 64 : i32
        %dma_start3A_212 = tpu.memref_slice %arg9[%add3A_208, %dma_start3A_211] : memref<320000x128xf32, #tpu.memory_space<hbm>> -> memref<80x64xf32, #tpu.memory_space<hbm>>
        tpu.enqueue_dma source(%arg19 : memref<80x64xf32, #tpu.memory_space<vmem>>) target(%dma_start3A_212 : memref<80x64xf32, #tpu.memory_space<hbm>>) target_semaphore(%arg30 : memref<!tpu.dma_semaphore, #tpu.memory_space<semaphore_mem>>)
        %dma_start3A_213 = arith.constant 0 : i32
        %dma_start3A_214 = arith.constant 0 : i32
        %dma_start3A_215 = tpu.memref_slice %arg22[%dma_start3A_213, %dma_start3A_214] : memref<10240x64xf32, #tpu.memory_space<vmem_shared>> -> memref<10240x64xf32, #tpu.memory_space<vmem_shared>>
        tpu.enqueue_indirect_dma source(%arg19 : memref<80x64xf32, #tpu.memory_space<vmem>>) target(%dma_start3A_215 : memref<10240x64xf32, #tpu.memory_space<vmem_shared>>) offsets(%arg15 : memref<80xi32, #tpu.memory_space<vmem>>) semaphore(%arg31 : memref<!tpu.dma_semaphore, #tpu.memory_space<semaphore_mem>>) {add = true}
        %dma_start3A_216 = arith.constant 0 : i32
        %dma_start3A_217 = arith.constant 0 : i32
        %dma_start3A_218 = tpu.memref_slice %arg23[%dma_start3A_216, %dma_start3A_217] : memref<10240x64xf32, #tpu.memory_space<vmem_shared>> -> memref<10240x64xf32, #tpu.memory_space<vmem_shared>>
        tpu.enqueue_indirect_dma source(%arg19 : memref<80x64xf32, #tpu.memory_space<vmem>>) target(%dma_start3A_218 : memref<10240x64xf32, #tpu.memory_space<vmem_shared>>) offsets(%arg17 : memref<80xi32, #tpu.memory_space<vmem>>) semaphore(%arg31 : memref<!tpu.dma_semaphore, #tpu.memory_space<semaphore_mem>>) {add = true}
        %dma_wait3A_219 = tpu.memref_slice %arg2[%mul3A_45] : memref<320000xi32, #tpu.memory_space<hbm>> -> memref<80xi32, #tpu.memory_space<hbm>>
        %dma_wait3A_220 = tpu.memref_slice %arg2[%mul3A_45] : memref<320000xi32, #tpu.memory_space<hbm>> -> memref<80xi32, #tpu.memory_space<hbm>>
        tpu.wait_dma2 semaphore(%arg24 : memref<!tpu.dma_semaphore, #tpu.memory_space<semaphore_mem>>) src(%dma_wait3A_220 : memref<80xi32, #tpu.memory_space<hbm>>) dst(%arg14 : memref<80xi32, #tpu.memory_space<vmem>>)
        %dma_wait3A_221 = tpu.memref_slice %arg3[%mul3A_45] : memref<320000xi32, #tpu.memory_space<hbm>> -> memref<80xi32, #tpu.memory_space<hbm>>
        %dma_wait3A_222 = tpu.memref_slice %arg3[%mul3A_45] : memref<320000xi32, #tpu.memory_space<hbm>> -> memref<80xi32, #tpu.memory_space<hbm>>
        tpu.wait_dma2 semaphore(%arg24 : memref<!tpu.dma_semaphore, #tpu.memory_space<semaphore_mem>>) src(%dma_wait3A_222 : memref<80xi32, #tpu.memory_space<hbm>>) dst(%arg16 : memref<80xi32, #tpu.memory_space<vmem>>)
        %dma_start3A_223 = arith.constant 0 : i32
        %dma_start3A_224 = arith.constant 0 : i32
        %dma_start3A_225 = tpu.memref_slice %arg6[%dma_start3A_223, %dma_start3A_224] : memref<10000x64xf32, #tpu.memory_space<hbm>> -> memref<10000x64xf32, #tpu.memory_space<hbm>>
        tpu.enqueue_indirect_dma source(%dma_start3A_225 : memref<10000x64xf32, #tpu.memory_space<hbm>>) target(%arg20 : memref<80x64xf32, #tpu.memory_space<vmem>>) offsets(%arg14 : memref<80xi32, #tpu.memory_space<vmem>>) semaphore(%arg28 : memref<!tpu.dma_semaphore, #tpu.memory_space<semaphore_mem>>)
        %dma_start3A_226 = arith.constant 0 : i32
        %dma_start3A_227 = arith.constant 0 : i32
        %dma_start3A_228 = tpu.memref_slice %arg8[%dma_start3A_226, %dma_start3A_227] : memref<10000x64xf32, #tpu.memory_space<hbm>> -> memref<10000x64xf32, #tpu.memory_space<hbm>>
        tpu.enqueue_indirect_dma source(%dma_start3A_228 : memref<10000x64xf32, #tpu.memory_space<hbm>>) target(%arg21 : memref<80x64xf32, #tpu.memory_space<vmem>>) offsets(%arg16 : memref<80xi32, #tpu.memory_space<vmem>>) semaphore(%arg29 : memref<!tpu.dma_semaphore, #tpu.memory_space<semaphore_mem>>)
      }
      %scan3A_72 = arith.constant 125 : i32
      %dma_wait3A_73 = arith.constant 64 : i32
      %dma_wait3A_74 = tpu.memref_slice %arg4[%mul3A_45, %dma_wait3A_73] : memref<320000x128xf32, #tpu.memory_space<hbm>> -> memref<80x64xf32, #tpu.memory_space<hbm>>
      %dma_wait3A_75 = arith.constant 64 : i32
      %dma_wait3A_76 = tpu.memref_slice %arg4[%mul3A_45, %dma_wait3A_75] : memref<320000x128xf32, #tpu.memory_space<hbm>> -> memref<80x64xf32, #tpu.memory_space<hbm>>
      tpu.wait_dma2 semaphore(%arg26 : memref<!tpu.dma_semaphore, #tpu.memory_space<semaphore_mem>>) src(%dma_wait3A_76 : memref<80x64xf32, #tpu.memory_space<hbm>>) dst(%arg18 : memref<80x64xf32, #tpu.memory_space<vmem>>)
      %dma_wait3A_77 = arith.constant 0 : i32
      %dma_wait3A_78 = arith.constant 0 : i32
      %dma_wait3A_79 = tpu.memref_slice %arg6[%dma_wait3A_77, %dma_wait3A_78] : memref<10000x64xf32, #tpu.memory_space<hbm>> -> memref<10000x64xf32, #tpu.memory_space<hbm>>
      tpu.wait_indirect_dma semaphore(%arg28 : memref<!tpu.dma_semaphore, #tpu.memory_space<semaphore_mem>>) src(%dma_wait3A_79 : memref<10000x64xf32, #tpu.memory_space<hbm>>) dst(%arg20 : memref<80x64xf32, #tpu.memory_space<vmem>>)
      %dma_wait3A_80 = arith.constant 0 : i32
      %dma_wait3A_81 = arith.constant 0 : i32
      %dma_wait3A_82 = tpu.memref_slice %arg8[%dma_wait3A_80, %dma_wait3A_81] : memref<10000x64xf32, #tpu.memory_space<hbm>> -> memref<10000x64xf32, #tpu.memory_space<hbm>>
      tpu.wait_indirect_dma semaphore(%arg29 : memref<!tpu.dma_semaphore, #tpu.memory_space<semaphore_mem>>) src(%dma_wait3A_82 : memref<10000x64xf32, #tpu.memory_space<hbm>>) dst(%arg21 : memref<80x64xf32, #tpu.memory_space<vmem>>)
      %dma_wait3A_83 = arith.constant 64 : i32
      %dma_wait3A_84 = tpu.memref_slice %arg9[%mul3A_45, %dma_wait3A_83] : memref<320000x128xf32, #tpu.memory_space<hbm>> -> memref<80x64xf32, #tpu.memory_space<hbm>>
      %dma_wait3A_85 = arith.constant 64 : i32
      %dma_wait3A_86 = tpu.memref_slice %arg9[%mul3A_45, %dma_wait3A_85] : memref<320000x128xf32, #tpu.memory_space<hbm>> -> memref<80x64xf32, #tpu.memory_space<hbm>>
      tpu.wait_dma2 semaphore(%arg30 : memref<!tpu.dma_semaphore, #tpu.memory_space<semaphore_mem>>) src(%arg19 : memref<80x64xf32, #tpu.memory_space<vmem>>) dst(%dma_wait3A_86 : memref<80x64xf32, #tpu.memory_space<hbm>>)
      %dma_wait3A_87 = arith.constant 0 : i32
      %dma_wait3A_88 = arith.constant 0 : i32
      %dma_wait3A_89 = tpu.memref_slice %arg22[%dma_wait3A_87, %dma_wait3A_88] : memref<10240x64xf32, #tpu.memory_space<vmem_shared>> -> memref<10240x64xf32, #tpu.memory_space<vmem_shared>>
      tpu.wait_indirect_dma semaphore(%arg31 : memref<!tpu.dma_semaphore, #tpu.memory_space<semaphore_mem>>) src(%arg19 : memref<80x64xf32, #tpu.memory_space<vmem>>) dst(%dma_wait3A_89 : memref<10240x64xf32, #tpu.memory_space<vmem_shared>>)
      %dma_wait3A_90 = arith.constant 0 : i32
      %dma_wait3A_91 = arith.constant 0 : i32
      %dma_wait3A_92 = tpu.memref_slice %arg23[%dma_wait3A_90, %dma_wait3A_91] : memref<10240x64xf32, #tpu.memory_space<vmem_shared>> -> memref<10240x64xf32, #tpu.memory_space<vmem_shared>>
      tpu.wait_indirect_dma semaphore(%arg31 : memref<!tpu.dma_semaphore, #tpu.memory_space<semaphore_mem>>) src(%arg19 : memref<80x64xf32, #tpu.memory_space<vmem>>) dst(%dma_wait3A_92 : memref<10240x64xf32, #tpu.memory_space<vmem_shared>>)
      %barrier3A_93 = arith.constant 0 : index
      tpu.barrier barrier_id(%barrier3A_93)
      "tpu.region"() ({
        %run_scoped3A = tpu.sem_alloc : memref<!tpu.dma_semaphore, #tpu.memory_space<semaphore_mem>>
        %dma_start3A_94 = arith.constant 0 : i32
        %dma_start3A_95 = tpu.memref_slice %arg11[%mul3A_12, %dma_start3A_94] : memref<10240x64xf32, #tpu.memory_space<hbm>> -> memref<640x64xf32, #tpu.memory_space<hbm>>
        %dma_start3A_96 = arith.constant 0 : i32
        %dma_start3A_97 = tpu.memref_slice %arg22[%mul3A_12, %dma_start3A_96] : memref<10240x64xf32, #tpu.memory_space<vmem_shared>> -> memref<640x64xf32, #tpu.memory_space<vmem_shared>>
        tpu.enqueue_dma source(%dma_start3A_97 : memref<640x64xf32, #tpu.memory_space<vmem_shared>>) target(%dma_start3A_95 : memref<640x64xf32, #tpu.memory_space<hbm>>) target_semaphore(%run_scoped3A : memref<!tpu.dma_semaphore, #tpu.memory_space<semaphore_mem>>)
        %dma_wait3A_98 = arith.constant 0 : i32
        %dma_wait3A_99 = tpu.memref_slice %arg11[%mul3A_12, %dma_wait3A_98] : memref<10240x64xf32, #tpu.memory_space<hbm>> -> memref<640x64xf32, #tpu.memory_space<hbm>>
        %dma_wait3A_100 = arith.constant 0 : i32
        %dma_wait3A_101 = tpu.memref_slice %arg22[%mul3A_12, %dma_wait3A_100] : memref<10240x64xf32, #tpu.memory_space<vmem_shared>> -> memref<640x64xf32, #tpu.memory_space<vmem_shared>>
        tpu.wait_dma2 semaphore(%run_scoped3A : memref<!tpu.dma_semaphore, #tpu.memory_space<semaphore_mem>>) src(%dma_wait3A_101 : memref<640x64xf32, #tpu.memory_space<vmem_shared>>) dst(%dma_wait3A_99 : memref<640x64xf32, #tpu.memory_space<hbm>>)
        tpu.yield
      }) : () -> ()
      "tpu.region"() ({
        %run_scoped3A = tpu.sem_alloc : memref<!tpu.dma_semaphore, #tpu.memory_space<semaphore_mem>>
        %dma_start3A_94 = arith.constant 0 : i32
        %dma_start3A_95 = tpu.memref_slice %arg13[%mul3A_12, %dma_start3A_94] : memref<10240x64xf32, #tpu.memory_space<hbm>> -> memref<640x64xf32, #tpu.memory_space<hbm>>
        %dma_start3A_96 = arith.constant 0 : i32
        %dma_start3A_97 = tpu.memref_slice %arg23[%mul3A_12, %dma_start3A_96] : memref<10240x64xf32, #tpu.memory_space<vmem_shared>> -> memref<640x64xf32, #tpu.memory_space<vmem_shared>>
        tpu.enqueue_dma source(%dma_start3A_97 : memref<640x64xf32, #tpu.memory_space<vmem_shared>>) target(%dma_start3A_95 : memref<640x64xf32, #tpu.memory_space<hbm>>) target_semaphore(%run_scoped3A : memref<!tpu.dma_semaphore, #tpu.memory_space<semaphore_mem>>)
        %dma_wait3A_98 = arith.constant 0 : i32
        %dma_wait3A_99 = tpu.memref_slice %arg13[%mul3A_12, %dma_wait3A_98] : memref<10240x64xf32, #tpu.memory_space<hbm>> -> memref<640x64xf32, #tpu.memory_space<hbm>>
        %dma_wait3A_100 = arith.constant 0 : i32
        %dma_wait3A_101 = tpu.memref_slice %arg23[%mul3A_12, %dma_wait3A_100] : memref<10240x64xf32, #tpu.memory_space<vmem_shared>> -> memref<640x64xf32, #tpu.memory_space<vmem_shared>>
        tpu.wait_dma2 semaphore(%run_scoped3A : memref<!tpu.dma_semaphore, #tpu.memory_space<semaphore_mem>>) src(%dma_wait3A_101 : memref<640x64xf32, #tpu.memory_space<vmem_shared>>) dst(%dma_wait3A_99 : memref<640x64xf32, #tpu.memory_space<hbm>>)
        tpu.yield
      }) : () -> ()
    } else {
    }
    return
  }
}

module attributes {stable_mosaic.version = 14 : i64} {
  func.func @_edge_tables_body(%arg0: i32, %arg1: memref<16x6400xf32, #tpu.memory_space<vmem>>, %arg2: memref<16x128xf32, #tpu.memory_space<vmem>>, %arg3: memref<1x32xf32, #tpu.memory_space<vmem>>, %arg4: memref<32x128xf32, #tpu.memory_space<vmem>>, %arg5: memref<1x128xf32, #tpu.memory_space<vmem>>, %arg6: memref<6400x128xf32, #tpu.memory_space<vmem>>) attributes {dimension_semantics = [#tpu.dimension_semantics<arbitrary>], iteration_bounds = array<i64: 50>, scalar_prefetch = 0 : i64, scratch_operands = 0 : i64, tpu.core_type = #tpu.core_type<tc>, window_params = [{transform_indices = @transform_0, window_bounds = array<i64: 16, 6400>}, {pipeline_mode = #tpu.pipeline_mode<synchronous>, transform_indices = @transform_1, window_bounds = array<i64: 16, 128>}, {pipeline_mode = #tpu.pipeline_mode<synchronous>, transform_indices = @transform_2, window_bounds = array<i64: 1, 32>}, {pipeline_mode = #tpu.pipeline_mode<synchronous>, transform_indices = @transform_3, window_bounds = array<i64: 32, 128>}, {pipeline_mode = #tpu.pipeline_mode<synchronous>, transform_indices = @transform_4, window_bounds = array<i64: 1, 128>}, {transform_indices = @transform_5, window_bounds = array<i64: 6400, 128>}]} {
    %get3A = arith.constant 0 : index
    %get3A_0 = arith.constant 0 : index
    %get3A_1 = vector.load %arg1[%get3A, %get3A_0] : memref<16x6400xf32, #tpu.memory_space<vmem>>, vector<16x6400xf32>
    %get3A_2 = arith.constant 0 : index
    %get3A_3 = arith.constant 0 : index
    %get3A_4 = vector.load %arg2[%get3A_2, %get3A_3] : memref<16x128xf32, #tpu.memory_space<vmem>>, vector<16x128xf32>
    %dot_general3A = arith.constant dense<0.000000e+00> : vector<6400x128xf32>
    %dot_general3A_5 = tpu.matmul %get3A_1, %get3A_4, %dot_general3A {dimension_numbers = #tpu.dot_dimension_numbers<[0], [0], [1], [1], [0, 1, 1, 1], [], []>, transpose_lhs_hint = false} : vector<16x6400xf32>, vector<16x128xf32>, vector<6400x128xf32> -> vector<6400x128xf32>
    %get3A_6 = arith.constant 0 : index
    %get3A_7 = arith.constant 0 : index
    %get3A_8 = vector.load %arg3[%get3A_6, %get3A_7] : memref<1x32xf32, #tpu.memory_space<vmem>>, vector<1x32xf32>
    %get3A_9 = arith.constant 0 : index
    %get3A_10 = arith.constant 0 : index
    %get3A_11 = vector.load %arg4[%get3A_9, %get3A_10] : memref<32x128xf32, #tpu.memory_space<vmem>>, vector<32x128xf32>
    %dot_general3A_12 = arith.constant dense<0.000000e+00> : vector<1x128xf32>
    %dot_general3A_13 = tpu.matmul %get3A_8, %get3A_11, %dot_general3A_12 {dimension_numbers = #tpu.dot_dimension_numbers<[1], [0], [0], [1], [0, 0, 1, 1], [], []>, transpose_lhs_hint = false} : vector<1x32xf32>, vector<32x128xf32>, vector<1x128xf32> -> vector<1x128xf32>
    %get3A_14 = arith.constant 0 : index
    %get3A_15 = arith.constant 0 : index
    %get3A_16 = vector.load %arg5[%get3A_14, %get3A_15] : memref<1x128xf32, #tpu.memory_space<vmem>>, vector<1x128xf32>
    %add3A = arith.addf %dot_general3A_13, %get3A_16 : vector<1x128xf32>
    %add3A_17 = vector.broadcast %add3A : vector<1x128xf32> to vector<6400x128xf32>
    %add3A_18 = arith.addf %dot_general3A_5, %add3A_17 : vector<6400x128xf32>
    %swap3A = arith.constant 0 : index
    %swap3A_19 = arith.constant 0 : index
    %swap3A_20 = vector.load %arg6[%swap3A, %swap3A_19] : memref<6400x128xf32, #tpu.memory_space<vmem>>, vector<6400x128xf32>
    tpu.vector_store %arg6[%swap3A, %swap3A_19], %add3A_18 {strides = array<i32>} : memref<6400x128xf32, #tpu.memory_space<vmem>>, vector<6400x128xf32>,
    return
  }
  func.func @transform_0(%arg0: i32) -> (i32, i32) {
    %c0_i32 = arith.constant 0 : i32
    %c0_i32_0 = arith.constant 0 : i32
    return %c0_i32, %arg0 : i32, i32
  }
  func.func @transform_1(%arg0: i32) -> (i32, i32) {
    %c0_i32 = arith.constant 0 : i32
    %c0_i32_0 = arith.constant 0 : i32
    %c0_i32_1 = arith.constant 0 : i32
    return %c0_i32, %c0_i32_0 : i32, i32
  }
  func.func @transform_2(%arg0: i32) -> (i32, i32) {
    %c0_i32 = arith.constant 0 : i32
    %c0_i32_0 = arith.constant 0 : i32
    %c0_i32_1 = arith.constant 0 : i32
    return %c0_i32, %c0_i32_0 : i32, i32
  }
  func.func @transform_3(%arg0: i32) -> (i32, i32) {
    %c0_i32 = arith.constant 0 : i32
    %c0_i32_0 = arith.constant 0 : i32
    %c0_i32_1 = arith.constant 0 : i32
    return %c0_i32, %c0_i32_0 : i32, i32
  }
  func.func @transform_4(%arg0: i32) -> (i32, i32) {
    %c0_i32 = arith.constant 0 : i32
    %c0_i32_0 = arith.constant 0 : i32
    %c0_i32_1 = arith.constant 0 : i32
    return %c0_i32, %c0_i32_0 : i32, i32
  }
  func.func @transform_5(%arg0: i32) -> (i32, i32) {
    %c0_i32 = arith.constant 0 : i32
    %c0_i32_0 = arith.constant 0 : i32
    return %arg0, %c0_i32 : i32, i32
  }
}

module attributes {stable_mosaic.version = 14 : i64} {
  func.func @_node_tables_body(%arg0: memref<10000x128xf32, #tpu.memory_space<vmem>>, %arg1: memref<128x128xf32, #tpu.memory_space<vmem>>, %arg2: memref<128x128xf32, #tpu.memory_space<vmem>>, %arg3: memref<10000x64xf32, #tpu.memory_space<vmem>>, %arg4: memref<10000x64xf32, #tpu.memory_space<vmem>>, %arg5: memref<10000x64xf32, #tpu.memory_space<vmem>>, %arg6: memref<10000x64xf32, #tpu.memory_space<vmem>>) attributes {dimension_semantics = [], scalar_prefetch = 0 : i64, scratch_operands = 0 : i64, tpu.core_type = #tpu.core_type<tc>} {
    %get3A = arith.constant 0 : index
    %get3A_0 = arith.constant 0 : index
    %get3A_1 = vector.load %arg0[%get3A, %get3A_0] : memref<10000x128xf32, #tpu.memory_space<vmem>>, vector<10000x128xf32>
    %get3A_2 = arith.constant 0 : index
    %get3A_3 = arith.constant 0 : index
    %get3A_4 = vector.load %arg1[%get3A_2, %get3A_3] : memref<128x128xf32, #tpu.memory_space<vmem>>, vector<128x128xf32>
    %dot_general3A = arith.constant dense<0.000000e+00> : vector<10000x128xf32>
    %dot_general3A_5 = tpu.matmul %get3A_1, %get3A_4, %dot_general3A {dimension_numbers = #tpu.dot_dimension_numbers<[1], [0], [0], [1], [0, 0, 1, 1], [], []>, transpose_lhs_hint = false} : vector<10000x128xf32>, vector<128x128xf32>, vector<10000x128xf32> -> vector<10000x128xf32>
    %get3A_6 = arith.constant 0 : index
    %get3A_7 = arith.constant 0 : index
    %get3A_8 = vector.load %arg0[%get3A_6, %get3A_7] : memref<10000x128xf32, #tpu.memory_space<vmem>>, vector<10000x128xf32>
    %get3A_9 = arith.constant 0 : index
    %get3A_10 = arith.constant 0 : index
    %get3A_11 = vector.load %arg2[%get3A_9, %get3A_10] : memref<128x128xf32, #tpu.memory_space<vmem>>, vector<128x128xf32>
    %dot_general3A_12 = arith.constant dense<0.000000e+00> : vector<10000x128xf32>
    %dot_general3A_13 = tpu.matmul %get3A_8, %get3A_11, %dot_general3A_12 {dimension_numbers = #tpu.dot_dimension_numbers<[1], [0], [0], [1], [0, 0, 1, 1], [], []>, transpose_lhs_hint = false} : vector<10000x128xf32>, vector<128x128xf32>, vector<10000x128xf32> -> vector<10000x128xf32>
    %slice3A = vector.extract_strided_slice %dot_general3A_5 {offsets = [0, 0], sizes = [10000, 64], strides = [1, 1]} : vector<10000x128xf32> to vector<10000x64xf32>
    %swap3A = arith.constant 0 : index
    %swap3A_14 = arith.constant 0 : index
    %swap3A_15 = vector.load %arg3[%swap3A, %swap3A_14] : memref<10000x64xf32, #tpu.memory_space<vmem>>, vector<10000x64xf32>
    tpu.vector_store %arg3[%swap3A, %swap3A_14], %slice3A {strides = array<i32>} : memref<10000x64xf32, #tpu.memory_space<vmem>>, vector<10000x64xf32>,
    %slice3A_16 = vector.extract_strided_slice %dot_general3A_5 {offsets = [0, 64], sizes = [10000, 64], strides = [1, 1]} : vector<10000x128xf32> to vector<10000x64xf32>
    %swap3A_17 = arith.constant 0 : index
    %swap3A_18 = arith.constant 0 : index
    %swap3A_19 = vector.load %arg4[%swap3A_17, %swap3A_18] : memref<10000x64xf32, #tpu.memory_space<vmem>>, vector<10000x64xf32>
    tpu.vector_store %arg4[%swap3A_17, %swap3A_18], %slice3A_16 {strides = array<i32>} : memref<10000x64xf32, #tpu.memory_space<vmem>>, vector<10000x64xf32>,
    %slice3A_20 = vector.extract_strided_slice %dot_general3A_13 {offsets = [0, 0], sizes = [10000, 64], strides = [1, 1]} : vector<10000x128xf32> to vector<10000x64xf32>
    %swap3A_21 = arith.constant 0 : index
    %swap3A_22 = arith.constant 0 : index
    %swap3A_23 = vector.load %arg5[%swap3A_21, %swap3A_22] : memref<10000x64xf32, #tpu.memory_space<vmem>>, vector<10000x64xf32>
    tpu.vector_store %arg5[%swap3A_21, %swap3A_22], %slice3A_20 {strides = array<i32>} : memref<10000x64xf32, #tpu.memory_space<vmem>>, vector<10000x64xf32>,
    %slice3A_24 = vector.extract_strided_slice %dot_general3A_13 {offsets = [0, 64], sizes = [10000, 64], strides = [1, 1]} : vector<10000x128xf32> to vector<10000x64xf32>
    %swap3A_25 = arith.constant 0 : index
    %swap3A_26 = arith.constant 0 : index
    %swap3A_27 = vector.load %arg6[%swap3A_25, %swap3A_26] : memref<10000x64xf32, #tpu.memory_space<vmem>>, vector<10000x64xf32>
    tpu.vector_store %arg6[%swap3A_25, %swap3A_26], %slice3A_24 {strides = array<i32>} : memref<10000x64xf32, #tpu.memory_space<vmem>>, vector<10000x64xf32>,
    return
  }
}

module attributes {stable_mosaic.version = 14 : i64} {
  func.func @_node_global_body(%arg0: memref<10000x128xf32, #tpu.memory_space<vmem>>, %arg1: memref<10240x64xf32, #tpu.memory_space<vmem>>, %arg2: memref<10240x64xf32, #tpu.memory_space<vmem>>, %arg3: memref<10240x64xf32, #tpu.memory_space<vmem>>, %arg4: memref<10240x64xf32, #tpu.memory_space<vmem>>, %arg5: memref<1x32xf32, #tpu.memory_space<vmem>>, %arg6: memref<128x128xf32, #tpu.memory_space<vmem>>, %arg7: memref<64x128xf32, #tpu.memory_space<vmem>>, %arg8: memref<64x128xf32, #tpu.memory_space<vmem>>, %arg9: memref<64x128xf32, #tpu.memory_space<vmem>>, %arg10: memref<64x128xf32, #tpu.memory_space<vmem>>, %arg11: memref<32x128xf32, #tpu.memory_space<vmem>>, %arg12: memref<1x128xf32, #tpu.memory_space<vmem>>, %arg13: memref<32x32xf32, #tpu.memory_space<vmem>>, %arg14: memref<128x32xf32, #tpu.memory_space<vmem>>, %arg15: memref<64x32xf32, #tpu.memory_space<vmem>>, %arg16: memref<64x32xf32, #tpu.memory_space<vmem>>, %arg17: memref<1x32xf32, #tpu.memory_space<vmem>>, %arg18: memref<10000x128xf32, #tpu.memory_space<vmem>>, %arg19: memref<1x32xf32, #tpu.memory_space<vmem>>) attributes {dimension_semantics = [], scalar_prefetch = 0 : i64, scratch_operands = 0 : i64, tpu.core_type = #tpu.core_type<tc>} {
    %get3A = arith.constant 0 : index
    %get3A_0 = arith.constant 0 : index
    %get3A_1 = vector.load %arg1[%get3A, %get3A_0] : memref<10240x64xf32, #tpu.memory_space<vmem>>, vector<10240x64xf32>
    %slice3A = vector.extract_strided_slice %get3A_1 {offsets = [0, 0], sizes = [10000, 64], strides = [1, 1]} : vector<10240x64xf32> to vector<10000x64xf32>
    %get3A_2 = arith.constant 0 : index
    %get3A_3 = arith.constant 0 : index
    %get3A_4 = vector.load %arg2[%get3A_2, %get3A_3] : memref<10240x64xf32, #tpu.memory_space<vmem>>, vector<10240x64xf32>
    %slice3A_5 = vector.extract_strided_slice %get3A_4 {offsets = [0, 0], sizes = [10000, 64], strides = [1, 1]} : vector<10240x64xf32> to vector<10000x64xf32>
    %get3A_6 = arith.constant 0 : index
    %get3A_7 = arith.constant 0 : index
    %get3A_8 = vector.load %arg3[%get3A_6, %get3A_7] : memref<10240x64xf32, #tpu.memory_space<vmem>>, vector<10240x64xf32>
    %slice3A_9 = vector.extract_strided_slice %get3A_8 {offsets = [0, 0], sizes = [10000, 64], strides = [1, 1]} : vector<10240x64xf32> to vector<10000x64xf32>
    %get3A_10 = arith.constant 0 : index
    %get3A_11 = arith.constant 0 : index
    %get3A_12 = vector.load %arg4[%get3A_10, %get3A_11] : memref<10240x64xf32, #tpu.memory_space<vmem>>, vector<10240x64xf32>
    %slice3A_13 = vector.extract_strided_slice %get3A_12 {offsets = [0, 0], sizes = [10000, 64], strides = [1, 1]} : vector<10240x64xf32> to vector<10000x64xf32>
    %get3A_14 = arith.constant 0 : index
    %get3A_15 = arith.constant 0 : index
    %get3A_16 = vector.load %arg0[%get3A_14, %get3A_15] : memref<10000x128xf32, #tpu.memory_space<vmem>>, vector<10000x128xf32>
    %get3A_17 = arith.constant 0 : index
    %get3A_18 = arith.constant 0 : index
    %get3A_19 = vector.load %arg6[%get3A_17, %get3A_18] : memref<128x128xf32, #tpu.memory_space<vmem>>, vector<128x128xf32>
    %dot_general3A = arith.constant dense<0.000000e+00> : vector<10000x128xf32>
    %dot_general3A_20 = tpu.matmul %get3A_16, %get3A_19, %dot_general3A {dimension_numbers = #tpu.dot_dimension_numbers<[1], [0], [0], [1], [0, 0, 1, 1], [], []>, transpose_lhs_hint = false} : vector<10000x128xf32>, vector<128x128xf32>, vector<10000x128xf32> -> vector<10000x128xf32>
    %get3A_21 = arith.constant 0 : index
    %get3A_22 = arith.constant 0 : index
    %get3A_23 = vector.load %arg7[%get3A_21, %get3A_22] : memref<64x128xf32, #tpu.memory_space<vmem>>, vector<64x128xf32>
    %dot_general3A_24 = arith.constant dense<0.000000e+00> : vector<10000x128xf32>
    %dot_general3A_25 = tpu.matmul %slice3A, %get3A_23, %dot_general3A_24 {dimension_numbers = #tpu.dot_dimension_numbers<[1], [0], [0], [1], [0, 0, 1, 1], [], []>, transpose_lhs_hint = false} : vector<10000x64xf32>, vector<64x128xf32>, vector<10000x128xf32> -> vector<10000x128xf32>
    %add3A = arith.addf %dot_general3A_20, %dot_general3A_25 : vector<10000x128xf32>
    %get3A_26 = arith.constant 0 : index
    %get3A_27 = arith.constant 0 : index
    %get3A_28 = vector.load %arg8[%get3A_26, %get3A_27] : memref<64x128xf32, #tpu.memory_space<vmem>>, vector<64x128xf32>
    %dot_general3A_29 = arith.constant dense<0.000000e+00> : vector<10000x128xf32>
    %dot_general3A_30 = tpu.matmul %slice3A_5, %get3A_28, %dot_general3A_29 {dimension_numbers = #tpu.dot_dimension_numbers<[1], [0], [0], [1], [0, 0, 1, 1], [], []>, transpose_lhs_hint = false} : vector<10000x64xf32>, vector<64x128xf32>, vector<10000x128xf32> -> vector<10000x128xf32>
    %add3A_31 = arith.addf %add3A, %dot_general3A_30 : vector<10000x128xf32>
    %get3A_32 = arith.constant 0 : index
    %get3A_33 = arith.constant 0 : index
    %get3A_34 = vector.load %arg9[%get3A_32, %get3A_33] : memref<64x128xf32, #tpu.memory_space<vmem>>, vector<64x128xf32>
    %dot_general3A_35 = arith.constant dense<0.000000e+00> : vector<10000x128xf32>
    %dot_general3A_36 = tpu.matmul %slice3A_9, %get3A_34, %dot_general3A_35 {dimension_numbers = #tpu.dot_dimension_numbers<[1], [0], [0], [1], [0, 0, 1, 1], [], []>, transpose_lhs_hint = false} : vector<10000x64xf32>, vector<64x128xf32>, vector<10000x128xf32> -> vector<10000x128xf32>
    %add3A_37 = arith.addf %add3A_31, %dot_general3A_36 : vector<10000x128xf32>
    %get3A_38 = arith.constant 0 : index
    %get3A_39 = arith.constant 0 : index
    %get3A_40 = vector.load %arg10[%get3A_38, %get3A_39] : memref<64x128xf32, #tpu.memory_space<vmem>>, vector<64x128xf32>
    %dot_general3A_41 = arith.constant dense<0.000000e+00> : vector<10000x128xf32>
    %dot_general3A_42 = tpu.matmul %slice3A_13, %get3A_40, %dot_general3A_41 {dimension_numbers = #tpu.dot_dimension_numbers<[1], [0], [0], [1], [0, 0, 1, 1], [], []>, transpose_lhs_hint = false} : vector<10000x64xf32>, vector<64x128xf32>, vector<10000x128xf32> -> vector<10000x128xf32>
    %add3A_43 = arith.addf %add3A_37, %dot_general3A_42 : vector<10000x128xf32>
    %get3A_44 = arith.constant 0 : index
    %get3A_45 = arith.constant 0 : index
    %get3A_46 = vector.load %arg5[%get3A_44, %get3A_45] : memref<1x32xf32, #tpu.memory_space<vmem>>, vector<1x32xf32>
    %get3A_47 = arith.constant 0 : index
    %get3A_48 = arith.constant 0 : index
    %get3A_49 = vector.load %arg11[%get3A_47, %get3A_48] : memref<32x128xf32, #tpu.memory_space<vmem>>, vector<32x128xf32>
    %dot_general3A_50 = arith.constant dense<0.000000e+00> : vector<1x128xf32>
    %dot_general3A_51 = tpu.matmul %get3A_46, %get3A_49, %dot_general3A_50 {dimension_numbers = #tpu.dot_dimension_numbers<[1], [0], [0], [1], [0, 0, 1, 1], [], []>, transpose_lhs_hint = false} : vector<1x32xf32>, vector<32x128xf32>, vector<1x128xf32> -> vector<1x128xf32>
    %get3A_52 = arith.constant 0 : index
    %get3A_53 = arith.constant 0 : index
    %get3A_54 = vector.load %arg12[%get3A_52, %get3A_53] : memref<1x128xf32, #tpu.memory_space<vmem>>, vector<1x128xf32>
    %add3A_55 = arith.addf %dot_general3A_51, %get3A_54 : vector<1x128xf32>
    %add3A_56 = vector.broadcast %add3A_55 : vector<1x128xf32> to vector<10000x128xf32>
    %add3A_57 = arith.addf %add3A_43, %add3A_56 : vector<10000x128xf32>
    %swap3A = arith.constant 0 : index
    %swap3A_58 = arith.constant 0 : index
    %swap3A_59 = vector.load %arg18[%swap3A, %swap3A_58] : memref<10000x128xf32, #tpu.memory_space<vmem>>, vector<10000x128xf32>
    tpu.vector_store %arg18[%swap3A, %swap3A_58], %add3A_57 {strides = array<i32>} : memref<10000x128xf32, #tpu.memory_space<vmem>>, vector<10000x128xf32>,
    %reduce_sum3A = arith.constant dense<0.000000e+00> : vector<128xf32>
    %reduce_sum3A_60 = vector.multi_reduction <add>, %add3A_57, %reduce_sum3A [0] : vector<10000x128xf32> to vector<128xf32>
    %broadcast_in_dim3A = vector.shape_cast %reduce_sum3A_60 : vector<128xf32> to vector<1x128xf32>
    %reduce_sum3A_61 = arith.constant dense<0.000000e+00> : vector<64xf32>
    %reduce_sum3A_62 = vector.multi_reduction <add>, %slice3A, %reduce_sum3A_61 [0] : vector<10000x64xf32> to vector<64xf32>
    %broadcast_in_dim3A_63 = vector.shape_cast %reduce_sum3A_62 : vector<64xf32> to vector<1x64xf32>
    %reduce_sum3A_64 = arith.constant dense<0.000000e+00> : vector<64xf32>
    %reduce_sum3A_65 = vector.multi_reduction <add>, %slice3A_5, %reduce_sum3A_64 [0] : vector<10000x64xf32> to vector<64xf32>
    %broadcast_in_dim3A_66 = vector.shape_cast %reduce_sum3A_65 : vector<64xf32> to vector<1x64xf32>
    %get3A_67 = arith.constant 0 : index
    %get3A_68 = arith.constant 0 : index
    %get3A_69 = vector.load %arg5[%get3A_67, %get3A_68] : memref<1x32xf32, #tpu.memory_space<vmem>>, vector<1x32xf32>
    %get3A_70 = arith.constant 0 : index
    %get3A_71 = arith.constant 0 : index
    %get3A_72 = vector.load %arg13[%get3A_70, %get3A_71] : memref<32x32xf32, #tpu.memory_space<vmem>>, vector<32x32xf32>
    %dot_general3A_73 = arith.constant dense<0.000000e+00> : vector<1x32xf32>
    %dot_general3A_74 = tpu.matmul %get3A_69, %get3A_72, %dot_general3A_73 {dimension_numbers = #tpu.dot_dimension_numbers<[1], [0], [0], [1], [0, 0, 1, 1], [], []>, transpose_lhs_hint = false} : vector<1x32xf32>, vector<32x32xf32>, vector<1x32xf32> -> vector<1x32xf32>
    %get3A_75 = arith.constant 0 : index
    %get3A_76 = arith.constant 0 : index
    %get3A_77 = vector.load %arg14[%get3A_75, %get3A_76] : memref<128x32xf32, #tpu.memory_space<vmem>>, vector<128x32xf32>
    %dot_general3A_78 = arith.constant dense<0.000000e+00> : vector<1x32xf32>
    %dot_general3A_79 = tpu.matmul %broadcast_in_dim3A, %get3A_77, %dot_general3A_78 {dimension_numbers = #tpu.dot_dimension_numbers<[1], [0], [0], [1], [0, 0, 1, 1], [], []>, transpose_lhs_hint = false} : vector<1x128xf32>, vector<128x32xf32>, vector<1x32xf32> -> vector<1x32xf32>
    %add3A_80 = arith.addf %dot_general3A_74, %dot_general3A_79 : vector<1x32xf32>
    %get3A_81 = arith.constant 0 : index
    %get3A_82 = arith.constant 0 : index
    %get3A_83 = vector.load %arg15[%get3A_81, %get3A_82] : memref<64x32xf32, #tpu.memory_space<vmem>>, vector<64x32xf32>
    %dot_general3A_84 = arith.constant dense<0.000000e+00> : vector<1x32xf32>
    %dot_general3A_85 = tpu.matmul %broadcast_in_dim3A_63, %get3A_83, %dot_general3A_84 {dimension_numbers = #tpu.dot_dimension_numbers<[1], [0], [0], [1], [0, 0, 1, 1], [], []>, transpose_lhs_hint = false} : vector<1x64xf32>, vector<64x32xf32>, vector<1x32xf32> -> vector<1x32xf32>
    %add3A_86 = arith.addf %add3A_80, %dot_general3A_85 : vector<1x32xf32>
    %get3A_87 = arith.constant 0 : index
    %get3A_88 = arith.constant 0 : index
    %get3A_89 = vector.load %arg16[%get3A_87, %get3A_88] : memref<64x32xf32, #tpu.memory_space<vmem>>, vector<64x32xf32>
    %dot_general3A_90 = arith.constant dense<0.000000e+00> : vector<1x32xf32>
    %dot_general3A_91 = tpu.matmul %broadcast_in_dim3A_66, %get3A_89, %dot_general3A_90 {dimension_numbers = #tpu.dot_dimension_numbers<[1], [0], [0], [1], [0, 0, 1, 1], [], []>, transpose_lhs_hint = false} : vector<1x64xf32>, vector<64x32xf32>, vector<1x32xf32> -> vector<1x32xf32>
    %add3A_92 = arith.addf %add3A_86, %dot_general3A_91 : vector<1x32xf32>
    %get3A_93 = arith.constant 0 : index
    %get3A_94 = arith.constant 0 : index
    %get3A_95 = vector.load %arg17[%get3A_93, %get3A_94] : memref<1x32xf32, #tpu.memory_space<vmem>>, vector<1x32xf32>
    %add3A_96 = arith.addf %add3A_92, %get3A_95 : vector<1x32xf32>
    %swap3A_97 = arith.constant 0 : index
    %swap3A_98 = arith.constant 0 : index
    %swap3A_99 = vector.load %arg19[%swap3A_97, %swap3A_98] : memref<1x32xf32, #tpu.memory_space<vmem>>, vector<1x32xf32>
    tpu.vector_store %arg19[%swap3A_97, %swap3A_98], %add3A_96 {strides = array<i32>} : memref<1x32xf32, #tpu.memory_space<vmem>>, vector<1x32xf32>,
    return
  }
}

</mosaic_0001>

<sc_bundles>
// kernel: kernel.6.cloned.1.call-start
scs
__scs_entry_jumppad:
0x0: {  	(pc) =	sbr.rel $0x88, $3  }
0x1: {  	(tag) =	ssettag $0x0;
	lr =	simm.s32 $0x1  }
0x2: {  	[smem:$0x3F97] =	sst lr;
	_ =	strace $0xD0000000  }
0x3: {  	_ = 	snop  }
0x4: {  	_ = 	snop  }
0x5: {  	_ = 	snop  }
0x6: {  	_ = 	snop  }
0x7: {  	_ = 	snop  }
__scs_overlays_trampoline_lowered:
0x8: {  	[smem:$0x3FA6] =	sst s0  }
0x9: {  	[smem:$0x3FA7] =	sst s1  }
0xa: {  	[smem:$0x3FA8] =	sst s2  }
0xb: {  	[smem:$0x3FA9] =	sst s3  }
0xc: {  	[smem:$0x3FAA] =	sst s4  }
0xd: {  	[smem:$0x3FAB] =	sst s5  }
0xe: {  	[smem:$0x3FAC] =	sst s6  }
0xf: {  	[smem:$0x3FAD] =	sst s7  }
0x10: {  	[smem:$0x3FAE] =	sst s8  }
0x11: {  	[smem:$0x3FAF] =	sst s9;
	s0 =	simm.s32 @!p0 $0x0  }
0x12: {  	s1 =	sld [smem:$0x3F95];
	s0 =	simm.s32 @p0 $0x1  }
0x13: {  	[smem:$0x3FB0] =	sst s0;
	s0 =	simm.s32 @!p1 $0x0  }
0x14: {  	s2 =	sld [smem:$0x3F94];
	s0 =	simm.s32 @p1 $0x1  }
0x15: {  	[smem:$0x3FB1] =	sst s0;
	s0 =	simm.s32 @!p2 $0x0  }
0x16: {  	s3 =	sld [smem:$0x3FDB];
	s0 =	simm.s32 @p2 $0x1  }
0x17: {  	s4 =	simm.s32 $0x1BF5;
	[smem:$0x3FB3] =	sst s0  }
0x18: {  	s0 =	sld [smem:$0x3F96];
	_ =	swait.ge [sflag:s4], $0x0  }
0x19: {  	s7 =	sld [smem:$0x3F97]  }
0x1a: {  	s8 =	sadd.s32 $0xFFFFE003, lr  }
0x1b: {  	s9 =	sadd.s32 $0xFFFFFEF7, lr;
	s5 =	simm.s32 $0xFFFFFFFF;
	p2 =	slt.u32 s8, $0xFFFFF086  }
0x1c: {  	p1 =	slt.u32 s9, $0xF7A;
	s5 =	simm.s32 @!p2 $0x0  }
0x1d: {  	s5 =	simm.s32 @p1 $0x1;
	p0 =	seq.s32 s7, s2  }
0x1e: {  	s7 =	smul.u32 @!p0 $0xF7A, s2;
	p2 =	seq.s32 @!p0 s5, $0x0  }
0x1f: {  	s9 =	smul.u32 $0xF7A, s1;
	s8 =	simm.s32 @!p0 $0x1BF5;
	p2 =	por !p2, p0  }
0x20: {  	[sflag:s8] =	ssyncset.s32 @!p0 $0xFFFFF086;
	s6 =	sadd.s32 @!p0 s3, s7;
	s7 =	simm.s32 @!p0 $0x108  }
0x21: {  	s3 =	sadd.s32 s3, s9;
	s6 =	sadd.s32 @!p0 $0x88, s6;
	s7 =	simm.s32 @p2 $0x1082  }
0x22: {  	[simem:s7], [sflag:s8] =	dma.local @!p0 [hbm:s6], $0xF7A  }
0x23: {  	s9 =	sor.u32 $0xD0000000, s2;
	s6 =	simm.s32 $0x108;
	_ =	swait.ge @!p0 [sflag:s8], $0x0  }
0x24: {  	s3 =	sadd.s32 $0x88, s3;
	s6 =	simm.s32 @!p1 $0x1082;
	[sflag:s4] =	ssyncset.s32 $0xFFFFF086  }
0x25: {  	[simem:s6], [sflag:s4] =	dma.local [hbm:s3], $0xF7A  }
0x26: {  	[smem:$0x3F97] =	sst s1;
	(tag) =	ssettag s2;
	_ =	strace s9  }
0x27: {  	s1 =	sld [smem:$0x3FA7]  }
0x28: {  	s2 =	sld [smem:$0x3FA8]  }
0x29: {  	s4 =	sld [smem:$0x3FAA]  }
0x2a: {  	p0 =	seq.s32 s5, $0x0;
	s5 =	sld [smem:$0x3FAB]  }
0x2b: {  	s6 =	sld [smem:$0x3FAC]  }
0x2c: {  	s7 =	sld [smem:$0x3FAD]  }
0x2d: {  	s3 =	simm.s32 $0x108;
	s8 =	sld [smem:$0x3FAE]  }
0x2e: {  	s3 =	simm.s32 @!p0 $0x1082;
	s9 =	sld [smem:$0x3FAF]  }
0x2f: {  	lr =	sadd.s32 s0, s3;
	s0 =	sld [smem:$0x3FA6]  }
0x30: {  	s3 =	sld [smem:$0x3FA9]  }
0x31: {  	[smem:$0x3FB2] =	sst s10  }
0x32: {  	s10 =	sld [smem:$0x3FB0];
	_ =	sdelay $0x3  }
0x33: {  	p0 =	seq.s32 s10, $0x1;
	s10 =	sld [smem:$0x3FB2];
	_ =	sdelay $0x3  }
0x34: {  	[smem:$0x3FB2] =	sst s10  }
0x35: {  	s10 =	sld [smem:$0x3FB1];
	_ =	sdelay $0x3  }
0x36: {  	p1 =	seq.s32 s10, $0x1;
	s10 =	sld [smem:$0x3FB2];
	_ =	sdelay $0x3  }
0x37: {  	[smem:$0x3FB2] =	sst s10  }
0x38: {  	s10 =	sld [smem:$0x3FB3]  }
0x39: {  	_ = 	snop;
	(pc) =	sbr.ind lr, $3  }
0x3a: {  	_ = 	snop  }
0x3b: {  	_ = 	snop  }
0x3c: {  	p2 =	seq.s32 s10, $0x1;
	s10 =	sld [smem:$0x3FB2]  }
0x3d: {  	_ =	shalt  }
0x3e: {  	_ =	shalt  }
0x3f: {  	_ =	shalt  }
0x40: {  	_ =	shalt  }
0x41: {  	_ =	shalt  }
0x42: {  	_ =	shalt  }
0x43: {  	_ =	shalt  }
0x44: {  	_ =	shalt  }
0x45: {  	_ =	shalt  }
0x46: {  	_ =	shalt  }
0x47: {  	_ =	shalt  }
0x48: {  	_ =	shalt  }
0x49: {  	_ =	shalt  }
0x4a: {  	_ =	shalt  }
0x4b: {  	_ =	shalt  }
0x4c: {  	_ =	shalt  }
0x4d: {  	_ =	shalt  }
0x4e: {  	_ =	shalt  }
0x4f: {  	_ =	shalt  }
0x50: {  	_ =	shalt  }
0x51: {  	_ =	shalt  }
0x52: {  	_ =	shalt  }
0x53: {  	_ =	shalt  }
0x54: {  	_ =	shalt  }
0x55: {  	_ =	shalt  }
0x56: {  	_ =	shalt  }
0x57: {  	_ =	shalt  }
0x58: {  	_ =	shalt  }
0x59: {  	_ =	shalt  }
0x5a: {  	_ =	shalt  }
0x5b: {  	_ =	shalt  }
0x5c: {  	_ =	shalt  }
0x5d: {  	_ =	shalt  }
0x5e: {  	_ =	shalt  }
0x5f: {  	_ =	shalt  }
0x60: {  	_ =	shalt  }
0x61: {  	_ =	shalt  }
0x62: {  	_ =	shalt  }
0x63: {  	_ =	shalt  }
0x64: {  	_ =	shalt  }
0x65: {  	_ =	shalt  }
0x66: {  	_ =	shalt  }
0x67: {  	_ =	shalt  }
0x68: {  	_ =	shalt  }
0x69: {  	_ =	shalt  }
0x6a: {  	_ =	shalt  }
0x6b: {  	_ =	shalt  }
0x6c: {  	_ =	shalt  }
0x6d: {  	_ =	shalt  }
0x6e: {  	_ =	shalt  }
0x6f: {  	_ =	shalt  }
0x70: {  	_ =	shalt  }
0x71: {  	_ =	shalt  }
0x72: {  	_ =	shalt  }
0x73: {  	_ =	shalt  }
0x74: {  	_ =	shalt  }
0x75: {  	_ =	shalt  }
0x76: {  	_ =	shalt  }
0x77: {  	_ =	shalt  }
0x78: {  	_ =	shalt  }
0x79: {  	_ =	shalt  }
0x7a: {  	_ =	shalt  }
0x7b: {  	_ =	shalt  }
0x7c: {  	_ =	shalt  }
0x7d: {  	_ =	shalt  }
0x7e: {  	_ =	shalt  }
0x7f: {  	_ =	shalt  }
0x80: {  	_ =	shalt  }
0x81: {  	_ =	shalt  }
0x82: {  	_ =	shalt  }
0x83: {  	_ =	shalt  }
0x84: {  	_ =	shalt  }
0x85: {  	_ =	shalt  }
0x86: {  	_ =	shalt  }
0x87: {  	_ =	shalt  }
.Lfunc_end0:
.L_simem_size_0:
called_computation_lowered:
.L_overlay_start_0:
0x88: {  	s2 =	sld [smem:$0x3FD9]  }
0x89: {  	s3 =	sld [smem:$0x3FFE];
	_ =	sdelay $0x1  }
0x8a: {  	s1 =	srdreg.scid  }
0x8b: {  	s0 =	sand.u32 $0x1, s1  }
0x8c: {  	s14 =	sshll.u32 s0, $0xA;
	s2 =	sadd.s32 s3, s2  }
0x8d: {  	s2 =	sadd.s32 s2, s14  }
0x8e: {  	[smem:$0x3FBE] =	sst s2  }
0x8f: {  	_ = 	snop  }
0x90: {  	s2 =	sld [smem:$0x3FD0];
	_ =	sdelay $0x2  }
0x91: {  	s15 =	simm.s32 $0xA;
	s4 =	simm.s32 $0x10  }
0x92: {  	[smem:s4], [sflag:s15] =	dma.local [hbm:s2], $0x1  }
0x93: {  	_ =	swait.eq [sflag:s15], $0x1  }
0x94: {  	[sflag:s15] =	ssyncset.done $0x0  }
0x95: {  	s16 =	sld [smem:$0x10];
	[sflag:s15] =	ssyncadd.s32 $0xFFFFFFFF  }
0x96: {  	s17 =	sld [smem:$0x11];
	(tm) =	ssettm $0x1  }
0x97: {  	s18 =	sld [smem:$0x3FFB];
	_ =	sdelay $0x3  }
0x98: {  	_ =	strace s18  }
0x99: {  	s4 =	sld [smem:$0x3FFC];
	_ =	sdelay $0x3  }
0x9a: {  	_ =	strace s4  }
0x9b: {  	s4 =	sld [smem:$0x3FFD];
	_ =	sdelay $0x3  }
0x9c: {  	_ =	strace s4  }
0x9d: {  	_ =	strace $0x8FFFFFFF  }
0x9e: {  	s19 =	sld [smem:$0x3FDB];
	_ =	sdelay $0x1  }
0x9f: {  	s5 =	simm.s32 $_scs_section_size  }
0xa0: {  	s6 =	simm.s32 $_size__tile_overlayer_lowered;
	s7 =	simm.s32 $_tile_overlayer_lowered  }
0xa1: {  	s22 =	simm.s32 $0x1BFF;
	s21 =	sshll.u32 s7, $0x1;
	s4 =	sadd.s32 s5, s19  }
0xa2: {  	s8 =	simm.s32 $0x0;
	s20 =	sshll.u32 s6, $0x1;
	s6 =	sadd.s32 s21, s4  }
0xa3: {  	[timem:s8], [sflag:s22] =	dma.local [hbm:s6], s20  }
0xa4: {  	_ =	swait.ge [sflag:s22], s20  }
0xa5: {  	s5 =	ssub.s32 $0x0, s20;
	[sflag:s22] =	ssyncset.done $0x0  }
0xa6: {  	[sflag:s22] =	ssyncadd.s32 s5;
	_ =	sdelay $0x1  }
0xa7: {  	s23 =	simm.s32 $0x1B8B  }
0xa8: {  	_ =	swait.ge [sflag:s23], $0x1  }
0xa9: {  	[sflag:s23] =	ssyncset.done $0x0  }
0xaa: {  	s25 =	simm.s32 $0x1B8E;
	s24 =	sld [smem:$0x3FFE];
	[sflag:s23] =	ssyncadd.s32 $0xFFFFFFFF  }
0xab: {  	s26 =	simm.s32 $execute0_lowered;
	[smem:$0x3FD2] =	sst s25  }
0xac: {  	s6 =	sshll.u32 s26, $0x1;
	_ =	strace $0x80000046;
	[dreg:$0x1] =	wrdreg $0xFFFFFFFF  }
0xad: {  	s28 =	simm.s32 $_size_execute0_lowered;
	s4 =	sadd.s32 s4, s6;
	[dreg:$0x0] =	wrdreg $0x0  }
0xae: {  	s6 =	sshll.u32 s28, $0x1;
	[dreg:$0x2] =	wrdreg s4  }
0xaf: {  	[dreg:$0x3] =	wrdreg s6  }
0xb0: {  	[dreg:$0x4] =	wrdreg $0xC0  }
0xb1: {  	_ =	task [dreg:s8], $0x5FFFF  }
0xb2: {  	[dreg:$0x1] =	wrdreg $0xFFFFFFFF  }
0xb3: {  	[dreg:$0x0] =	wrdreg $0x60  }
0xb4: {  	[dreg:$0x2] =	wrdreg s24  }
0xb5: {  	[dreg:$0x3] =	wrdreg s17  }
0xb6: {  	[dreg:$0x4] =	wrdreg s16  }
0xb7: {  	[dreg:$0x5] =	wrdreg $0x51400  }
0xb8: {  	[dreg:$0x6] =	wrdreg $0xF1400  }
0xb9: {  	[dreg:$0x7] =	wrdreg $0x9  }
0xba: {  	_ =	task.clear_ibuf [dreg:s8], $0x8FFFF;
	_ =	strace $0x90000046  }
0xbb: {  	s29 =	simm.s32 $0x9;
	_ =	strace $0x80000048  }
0xbc: {  	_ =	swait.ge [sflag:s29], $0x1  }
0xbd: {  	[sflag:s29] =	ssyncadd.s32 $0xFFFFFFFF  }
0xbe: {  	_ =	strace $0x90000048  }
0xbf: {  	_ =	sfence  }
0xc0: {  	s30 =	sld [smem:$0x0];
	_ =	sdelay $0x2  }
0xc1: {  	s31 =	sshll.u32 s1, $0xD;
	s1 =	sshrl.u32 s1, $0x2  }
0xc2: {  	s3 =	sand.u32 $0x4000, s31;
	s1 =	sadd.s32 s1, s30  }
0xc3: {  	s0 =	sor.u32 s3, s0;
	s1 =	sshll.u32 s1, $0x11  }
0xc4: {  	s0 =	sor.u32 s1, s0  }
0xc5: {  	s0 =	sadd.s32 $0x8F2B, s0  }
0xc6: {  	[sflag:s0] =	ssyncadd.remote.s32 $0x1  }
0xc7: {  	_ =	sfence.sel $0xFFFF  }
0xc8: {  	[dreg:$0x0] =	wrdreg $0xFFFFFFFF;
	(pc) =	sbr.abs _section_cstart, $3  }
0xc9: {  	[dreg:$0x1] =	wrdreg $0xFFFFFFFF  }
0xca: {  	_ =	task.clear_ibuf [dreg:s8], $0x2FFFF;
	_ =	strace $0x9FFFFFFF  }
0xcb: {  	(tm) =	ssettm $0x7FFFFFFF  }
tec
execute0_lowered:
.L_overlay_start_1:
0x0: {  	(tag) =	ssettag $0x1  }
0x1: {  	s0 =	rddreg [dreg:$0x0]  }
0x2: {  	s5 =	rddreg [dreg:$0x1]  }
0x3: {  	s8 =	rddreg [dreg:$0x3]  }
0x4: {  	s10 =	rddreg [dreg:$0x4]  }
0x5: {  	s1 =	srdreg.scid;
	s6 =	simm.s32 $0x0;
	s9 =	stileid.u32  }
0x6: {  	s1 =	sand.u32 $0x1, s1;
	[smem:$0x7FF] =	sst s6;
	s3 =	smul.u32 $0xA000, s9  }
0x7: {  	s28 =	simm.s32 $0x0;
	s2 =	ssub.s32 $0x2, s1;
	_ =	strace $0x80000047  }
0x8: {  	p0 =	seq.s32 s1, $0x1;
	s11 =	sor.u32 $0x1400, s3;
	s29 =	sadd.s32 s3, s10  }
0x9: {  	s4 =	sshrl.u32 s2, $0x1;
	s12 =	sadd.s32 s11, s8;
	[dreg:$0x1a] =	wrdreg s29  }
0xa: {  	s13 =	sadd.s32 $0x2800, s3;
	s1 =	sadd.s32 s11, s10;
	[dreg:$0x6] =	wrdreg s12  }
0xb: {  	s15 =	sadd.s32 $0x3C00, s3;
	s14 =	sadd.s32 s13, s8;
	[dreg:$0x7] =	wrdreg s1  }
0xc: {  	s17 =	sadd.s32 $0x5000, s3;
	s16 =	sadd.s32 s15, s8;
	[dreg:$0x8] =	wrdreg s14  }
0xd: {  	s19 =	sadd.s32 $0x6400, s3;
	s18 =	sadd.s32 s17, s8;
	[dreg:$0xa] =	wrdreg s16  }
0xe: {  	s21 =	sadd.s32 $0x7800, s3;
	s20 =	sadd.s32 s19, s8;
	[dreg:$0xc] =	wrdreg s18  }
0xf: {  	s23 =	sadd.s32 $0x8C00, s3;
	s22 =	sadd.s32 s21, s8;
	[dreg:$0xe] =	wrdreg s20  }
0x10: {  	s2 =	ssub.s32 s2, s4;
	s4 =	sadd.s32 s21, s10;
	[dreg:$0x10] =	wrdreg s22  }
0x11: {  	s7 =	sadd.s32 $0x5B400, s0;
	s24 =	sadd.s32 s23, s8;
	[dreg:$0x11] =	wrdreg s4  }
0x12: {  	s8 =	sadd.s32 s3, s8;
	s3 =	sshrl.u32 s3, $0x3;
	[dreg:$0x12] =	wrdreg s24  }
0x13: {  	s21 =	sadd.s32 $0x547200, s0;
	s1 =	sadd.s32 s13, s10;
	[dreg:$0x1b] =	wrdreg s3  }
0x14: {  	s12 =	smul.u32 $0x4E20, s9;
	s13 =	sadd.s32 $0x65200, s0;
	[dreg:$0x1e] =	wrdreg s21  }
0x15: {  	s14 =	sadd.s32 $0x3DC00, s0;
	s16 =	sadd.s32 $0x16800, s0;
	[dreg:$0x19] =	wrdreg s8  }
0x16: {  	s18 =	smul.u32 $0x4E200, s9;
	s20 =	sadd.s32 $0x55B200, s0;
	[dreg:$0x9] =	wrdreg s1  }
0x17: {  	s24 =	smax.u32 s2, $0x1;
	s21 =	simm.s32 $0x50;
	[dreg:$0x16] =	wrdreg s14  }
0x18: {  	s9 =	simm.s32 $0x6;
	s2 =	simm.s32 $0x1540;
	[dreg:$0x18] =	wrdreg s16  }
0x19: {  	s4 =	simm.s32 $0x2;
	s3 =	simm.s32 $0x8;
	[dreg:$0x1d] =	wrdreg s20  }
0x1a: {  	s1 =	sadd.s32 s15, s10;
	s15 =	sadd.s32 $0x2A200, s0;
	[smem:$0x7FB] =	sst s24  }
0x1b: {  	s16 =	simm.s32 $0x1;
	s20 =	simm.s32 $0x140;
	[dreg:$0xb] =	wrdreg s1  }
0x1c: {  	s24 =	simm.s32 $0x3;
	s1 =	sadd.s32 s17, s10;
	[dreg:$0x17] =	wrdreg s15  }
0x1d: {  	s14 =	simm.s32 $0x7;
	s17 =	sadd.s32 $0x2E00, s0;
	[dreg:$0xd] =	wrdreg s1  }
0x1e: {  	s25 =	sshrl.u32 s12, $0x3;
	s22 =	sadd.s32 s13, s18;
	[dreg:$0x1f] =	wrdreg s17  }
0x1f: {  	s30 =	smov.u32 s12;
	s1 =	sadd.s32 s19, s10;
	[smem:$0x7F9] =	sst s22  }
0x20: {  	s15 =	simm.s32 $0xA0;
	s26 =	sadd.s32 s7, s25;
	[dreg:$0xf] =	wrdreg s1  }
0x21: {  	s19 =	sadd.s32 $0x56F200, s0;
	s22 =	simm.s32 $0x3D40;
	[dreg:$0x14] =	wrdreg s26  }
0x22: {  	s1 =	sadd.s32 s23, s10;
	s23 =	sadd.s32 $0x51600, s0;
	[dreg:$0x1c] =	wrdreg s19  }
0x23: {  	s0 =	sadd.s32 $0x65208, s0;
	s10 =	smov.u32 s13;
	s26 =	sadd.s32 $0x8, s5  }
0x24: {  	s13 =	simm.s32 $0x2940;
	s19 =	simm.s32 $0x80;
	[dreg:$0x13] =	wrdreg s1  }
.Ltmp0:
0x25: {  	s11 =	sadd.s32 s23, s25;
	[smem:$0x7FD] =	sst s26;
	(pc) =	sbr.rel .LBB2_1-.Ltmp0, $4  }
0x26: {  	s31 =	smov.u32 s0;
	s0 =	sadd.s32 s18, s0;
	[dreg:$0x15] =	wrdreg s11  }
0x27: {  	s25 =	sadd.s32 $0xA0, s12;
	s12 =	sadd.s32 $0x50, s12;
	[smem:$0x7FA] =	sst s0  }
0x28: {  	s18 =	simm.s32 $0x40;
	s1 =	simm.s32 $0x4;
	[smem:$0x7FC] =	sst s25  }
0x29: {  	v0 =	vimm.f32 $0.0e+00;
	s25 =	simm.s32 $0x5;
	s0 =	simm.s32 $0xF0;
	s11 =	smov.u32 s8  }
.LBB2_18:
0x2a: {  	_ =	swait.ge [sflag:s24], $0x1400  }
0x2b: {  	[sflag:s24] =	ssyncset.done $0x0  }
0x2c: {  	[sflag:s24] =	ssyncadd.s32 $0xFFFFEC00  }
0x2d: {  	_ =	swait.ge [sflag:s25], $0x1400  }
0x2e: {  	[sflag:s25] =	ssyncset.done $0x0  }
0x2f: {  	[sflag:s25] =	ssyncadd.s32 $0xFFFFEC00  }
0x30: {  	_ =	swait.ge [sflag:s9], $0x1400  }
0x31: {  	[sflag:s9] =	ssyncset.done $0x0  }
0x32: {  	[sflag:s9] =	ssyncadd.s32 $0xFFFFEC00  }
0x33: {  	_ =	swait.ge [sflag:s14], $0x1400  }
0x34: {  	[sflag:s14] =	ssyncset.done $0x0  }
0x35: {  	[sflag:s14] =	ssyncadd.s32 $0xFFFFEC00  }
0x36: {  	_ =	swait.ge [sflag:s3], $0x1400  }
0x37: {  	[sflag:s3] =	ssyncset.done $0x0  }
0x38: {  	[sflag:s3] =	ssyncadd.s32 $0xFFFFEC00  }
0x39: {  	_ =	swait.ge [sflag:s3], $0x1400  }
0x3a: {  	[sflag:s3] =	ssyncset.done $0x0  }
0x3b: {  	s17 =	stileid.u32;
	[sflag:s3] =	ssyncadd.s32 $0xFFFFEC00  }
0x3c: {  	s17 =	sshll.u32 s17, $0x6;
	s29 =	rddreg [dreg:$0x1b];
	[bflag:$0x0] =	sbarrier.arrive $0xFFFF  }
0x3d: {  	s17 =	sor.u32 $0x1C09, s17;
	s26 =	rddreg [dreg:$0x19]  }
0x3e: {  	s8 =	sadd.s32 s8, s29;
	s11 =	smov.u32 s26;
	s26 =	sshrl.u32 s26, $0x3  }
0x3f: {  	[hbm:s8], [sflag:s17] =	dma.local [spmem:s26], $0x1400  }
0x40: {  	s26 =	simm.s32 $0x9  }
0x41: {  	_ =	swait.ge [sflag:s26], $0x1400  }
0x42: {  	s5 =	sadd.s32 s5, s29;
	[sflag:s26] =	ssyncset.done $0x0;
	s29 =	rddreg [dreg:$0x1a]  }
0x43: {  	[sflag:s26] =	ssyncadd.s32 $0xFFFFEC00;
	s8 =	sshrl.u32 s29, $0x3  }
0x44: {  	[hbm:s5], [sflag:s17] =	dma.local [spmem:s8], $0x1400  }
0x45: {  	_ =	swait.ge [sflag:s26], $0x1400  }
0x46: {  	s17 =	sld [smem:$0x7FB];
	_ =	sdelay $0x1  }
0x47: {  	s28 =	sadd.s32 $0x1, s28  }
0x48: {  	p1 =	sne.s32 s28, s17  }
.Ltmp1:
0x49: {  	_ = 	snop;
	(pc) =	sbr.rel @!p1 .LBB2_19-.Ltmp1, $3  }
0x4a: {  	_ =	sdelay $0x1  }
0x4b: {  	[sflag:s26] =	ssyncset.done $0x0  }
0x4c: {  	[sflag:s26] =	ssyncadd.s32 $0xFFFFEC00  }
.LBB2_1:
.Ltmp2:
0x4d: {  	(pc) =	sbr.rel @!p0 .LBB2_2-.Ltmp2, $2  }
0x4e: {  	_ =	sdelay $0x2  }
0x4f: {  	[smem:$0x7F8] =	sst s28;
	s8 =	simm.s32 $0x100;
	s5 =	simm.s32 $0x0  }
.LBB2_10:
0x50: {  	p1 =	sne.s32 s8, $0x4F00;
	[tilespmem:s5+$0x2970] =	vst v0;
	s17 =	smov.u32 s8;
	s8 =	sadd.s32 $0x100, s8  }
.Ltmp3:
0x51: {  	[tilespmem:s5+$0x2960] =	vst v0;
	(pc) =	sbr.rel @p1 .LBB2_10-.Ltmp3, $3  }
0x52: {  	[tilespmem:s5+$0x2940] =	vst v0  }
0x53: {  	[tilespmem:s5+$0x2950] =	vst v0;
	_ =	sdelay $0x1  }
0x54: {  	s5 =	sshra.s32 s17, $0x2  }
0x55: {  	[tilespmem:s5+$0x2970] =	vst v0  }
0x56: {  	[tilespmem:s5+$0x2960] =	vst v0  }
0x57: {  	[tilespmem:s5+$0x2940] =	vst v0  }
0x58: {  	[tilespmem:s5+$0x2950] =	vst v0;
	s8 =	simm.s32 $0x9  }
0x59: {  	[spmem:s11] =	stream.linear.scatter [tilespmem:s13], [sflag:$0x9], $0x1400, $0x38;
	[tilespmem:$0x19140] =	vst v63  }
0x5a: {  	_ =	swait.ge [sflag:s8], $0x1400  }
0x5b: {  	[sflag:s8] =	ssyncset.done $0x0  }
0x5c: {  	[sflag:s8] =	ssyncadd.s32 $0xFFFFEC00  }
0x5d: {  	[spmem:s29] =	stream.linear.scatter [tilespmem:s13], [sflag:$0x9], $0x1400, $0x38;
	[tilespmem:$0x19140] =	vst v63  }
0x5e: {  	_ =	swait.ge [sflag:s8], $0x1400  }
0x5f: {  	[sflag:s8] =	ssyncset.done $0x0  }
0x60: {  	s17 =	rddreg [dreg:$0x6];
	[sflag:s8] =	ssyncadd.s32 $0xFFFFEC00  }
0x61: {  	[spmem:s17] =	stream.linear.scatter [tilespmem:s13], [sflag:$0x9], $0x1400, $0x38;
	[tilespmem:$0x19140] =	vst v63  }
0x62: {  	_ =	swait.ge [sflag:s8], $0x1400  }
0x63: {  	[sflag:s8] =	ssyncset.done $0x0  }
0x64: {  	s26 =	rddreg [dreg:$0x7];
	[sflag:s8] =	ssyncadd.s32 $0xFFFFEC00  }
0x65: {  	[spmem:s26] =	stream.linear.scatter [tilespmem:s13], [sflag:$0x9], $0x1400, $0x38;
	[tilespmem:$0x19140] =	vst v63  }
0x66: {  	_ =	swait.ge [sflag:s8], $0x1400  }
0x67: {  	[sflag:s8] =	ssyncset.done $0x0  }
0x68: {  	s28 =	rddreg [dreg:$0x8];
	[sflag:s8] =	ssyncadd.s32 $0xFFFFEC00  }
0x69: {  	[spmem:s28] =	stream.linear.scatter [tilespmem:s13], [sflag:$0x9], $0x1400, $0x38;
	[tilespmem:$0x19140] =	vst v63  }
0x6a: {  	_ =	swait.ge [sflag:s8], $0x1400  }
0x6b: {  	[sflag:s8] =	ssyncset.done $0x0  }
0x6c: {  	s29 =	rddreg [dreg:$0x9];
	[sflag:s8] =	ssyncadd.s32 $0xFFFFEC00  }
0x6d: {  	[spmem:s29] =	stream.linear.scatter [tilespmem:s13], [sflag:$0x9], $0x1400, $0x38;
	[tilespmem:$0x19140] =	vst v63  }
0x6e: {  	_ =	swait.ge [sflag:s8], $0x1400  }
0x6f: {  	[sflag:s8] =	ssyncset.done $0x0  }
0x70: {  	s11 =	rddreg [dreg:$0xa];
	[sflag:s8] =	ssyncadd.s32 $0xFFFFEC00  }
0x71: {  	[spmem:s11] =	stream.linear.scatter [tilespmem:s13], [sflag:$0x9], $0x1400, $0x38;
	[tilespmem:$0x19140] =	vst v63  }
0x72: {  	_ =	swait.ge [sflag:s8], $0x1400  }
0x73: {  	[sflag:s8] =	ssyncset.done $0x0  }
0x74: {  	s17 =	rddreg [dreg:$0xb];
	[sflag:s8] =	ssyncadd.s32 $0xFFFFEC00  }
0x75: {  	[spmem:s17] =	stream.linear.scatter [tilespmem:s13], [sflag:$0x9], $0x1400, $0x38;
	[tilespmem:$0x19140] =	vst v63  }
0x76: {  	_ =	swait.ge [sflag:s8], $0x1400  }
0x77: {  	[sflag:s8] =	ssyncset.done $0x0  }
0x78: {  	s26 =	rddreg [dreg:$0xc];
	[sflag:s8] =	ssyncadd.s32 $0xFFFFEC00  }
0x79: {  	[spmem:s26] =	stream.linear.scatter [tilespmem:s13], [sflag:$0x9], $0x1400, $0x38;
	[tilespmem:$0x19140] =	vst v63  }
0x7a: {  	_ =	swait.ge [sflag:s8], $0x1400  }
0x7b: {  	[sflag:s8] =	ssyncset.done $0x0  }
0x7c: {  	s28 =	rddreg [dreg:$0xd];
	[sflag:s8] =	ssyncadd.s32 $0xFFFFEC00  }
0x7d: {  	[spmem:s28] =	stream.linear.scatter [tilespmem:s13], [sflag:$0x9], $0x1400, $0x38;
	[tilespmem:$0x19140] =	vst v63  }
0x7e: {  	_ =	swait.ge [sflag:s8], $0x1400  }
0x7f: {  	[sflag:s8] =	ssyncset.done $0x0  }
0x80: {  	s29 =	rddreg [dreg:$0xe];
	[sflag:s8] =	ssyncadd.s32 $0xFFFFEC00  }
0x81: {  	[spmem:s29] =	stream.linear.scatter [tilespmem:s13], [sflag:$0x9], $0x1400, $0x38;
	[tilespmem:$0x19140] =	vst v63  }
0x82: {  	_ =	swait.ge [sflag:s8], $0x1400  }
0x83: {  	[sflag:s8] =	ssyncset.done $0x0  }
0x84: {  	s11 =	rddreg [dreg:$0xf];
	[sflag:s8] =	ssyncadd.s32 $0xFFFFEC00  }
0x85: {  	[spmem:s11] =	stream.linear.scatter [tilespmem:s13], [sflag:$0x9], $0x1400, $0x38;
	[tilespmem:$0x19140] =	vst v63  }
0x86: {  	_ =	swait.ge [sflag:s8], $0x1400  }
0x87: {  	[sflag:s8] =	ssyncset.done $0x0  }
0x88: {  	s17 =	rddreg [dreg:$0x10];
	[sflag:s8] =	ssyncadd.s32 $0xFFFFEC00  }
0x89: {  	[spmem:s17] =	stream.linear.scatter [tilespmem:s13], [sflag:$0x9], $0x1400, $0x38;
	[tilespmem:$0x19140] =	vst v63  }
0x8a: {  	_ =	swait.ge [sflag:s8], $0x1400  }
0x8b: {  	[sflag:s8] =	ssyncset.done $0x0  }
0x8c: {  	s26 =	rddreg [dreg:$0x11];
	[sflag:s8] =	ssyncadd.s32 $0xFFFFEC00  }
0x8d: {  	[spmem:s26] =	stream.linear.scatter [tilespmem:s13], [sflag:$0x9], $0x1400, $0x38;
	[tilespmem:$0x19140] =	vst v63  }
0x8e: {  	_ =	swait.ge [sflag:s8], $0x1400  }
0x8f: {  	[sflag:s8] =	ssyncset.done $0x0  }
0x90: {  	s28 =	rddreg [dreg:$0x12];
	[sflag:s8] =	ssyncadd.s32 $0xFFFFEC00  }
0x91: {  	[spmem:s28] =	stream.linear.scatter [tilespmem:s13], [sflag:$0x9], $0x1400, $0x38;
	[tilespmem:$0x19140] =	vst v63  }
0x92: {  	_ =	swait.ge [sflag:s8], $0x1400  }
0x93: {  	[sflag:s8] =	ssyncset.done $0x0  }
0x94: {  	s29 =	rddreg [dreg:$0x13];
	[sflag:s8] =	ssyncadd.s32 $0xFFFFEC00  }
0x95: {  	[spmem:s29] =	stream.linear.scatter [tilespmem:s13], [sflag:$0x9], $0x1400, $0x38;
	[tilespmem:$0x19140] =	vst v63  }
0x96: {  	_ =	swait.ge [sflag:s8], $0x1400  }
0x97: {  	[sflag:s8] =	ssyncset.done $0x0  }
0x98: {  	[sflag:s8] =	ssyncadd.s32 $0xFFFFEC00  }
0x99: {  	[bflag:$0x0] =	sbarrier.arrive $0xFFFF  }
0x9a: {  	s5 =	simm.s32 $0x0;
	s11 =	rddreg [dreg:$0x14]  }
0x9b: {  	[tilespmem:s5], [sflag:$0x1] =	stream.linear.gather [hbm4b:s11+s5], $0x50, $0x38;
	[tilespmem:$0x19140] =	vst v63  }
0x9c: {  	s17 =	rddreg [dreg:$0x15]  }
0x9d: {  	[tilespmem:s15], [sflag:$0x1] =	stream.linear.gather [hbm4b:s17+s5], $0x50, $0x38;
	[tilespmem:$0x19140] =	vst v63  }
0x9e: {  	_ =	swait.ge [sflag:s16], $0x50  }
0x9f: {  	[sflag:s16] =	ssyncset.done $0x0  }
0xa0: {  	[sflag:s16] =	ssyncadd.s32 $0xFFFFFFB0  }
0xa1: {  	_ =	swait.ge [sflag:s16], $0x50  }
0xa2: {  	s26 =	sld [smem:$0x7FA]  }
0xa3: {  	[sflag:s16] =	ssyncset.done $0x0  }
0xa4: {  	s28 =	rddreg [dreg:$0x17];
	[sflag:s16] =	ssyncadd.s32 $0xFFFFFFB0  }
0xa5: {  	[tilespmem:s20], [sflag:$0x3] =	stream.strided.gather [hbm4b:s26+s18], $0x1400, s19, s18, $0x38;
	[tilespmem:$0x19140] =	vst v63  }
0xa6: {  	s29 =	rddreg [dreg:$0x1f]  }
0xa7: {  	[tilespmem:s13], [sflag:$0x5] =	stream.indirect.gather [hbm4b:s28+s21], $0x40, s5, s21, $0xb8;
	[tilespmem:$0x19140] =	vst v63  }
0xa8: {  	s11 =	sld [smem:$0x7FD]  }
0xa9: {  	[tilespmem:s22], [sflag:$0x6] =	stream.indirect.gather [hbm4b:s29+s21], $0x40, s15, s21, $0xb8;
	[tilespmem:$0x19140] =	vst v63  }
.LBB2_12:
0xaa: {  	_ =	swait.ge [sflag:s24], $0x1400  }
0xab: {  	[sflag:s24] =	ssyncset.done $0x0  }
0xac: {  	[sflag:s24] =	ssyncadd.s32 $0xFFFFEC00  }
0xad: {  	_ =	swait.ge [sflag:s25], $0x1400  }
0xae: {  	[sflag:s25] =	ssyncset.done $0x0  }
0xaf: {  	[sflag:s25] =	ssyncadd.s32 $0xFFFFEC00  }
0xb0: {  	_ =	swait.ge [sflag:s9], $0x1400  }
0xb1: {  	[sflag:s9] =	ssyncset.done $0x0  }
0xb2: {  	s17 =	simm.s32 $0x0;
	[sflag:s9] =	ssyncadd.s32 $0xFFFFEC00  }
0xb3: {  	v6 =	vld [tilespmem:s17+$0x3D40]  }
0xb4: {  	v5 =	vld [tilespmem:s17+$0x3D50]  }
0xb5: {  	v4 =	vld [tilespmem:s17+$0x2940]  }
0xb6: {  	v3 =	vld [tilespmem:s17+$0x2950]  }
0xb7: {  	v2 =	vld [tilespmem:s17+$0x2960]  }
0xb8: {  	v1 =	vld [tilespmem:s17+$0x2970]  }
0xb9: {  	v8 =	vld [tilespmem:s17+$0x140]  }
0xba: {  	v9 =	vld [tilespmem:s17+$0x150]  }
0xbb: {  	s8 =	simm.s32 $0x100;
	v7 =	vld [tilespmem:s17+$0x160]  }
.LBB2_13:
0xbc: {  	p1 =	sne.s32 s8, $0x4F00;
	v10 =	vld [tilespmem:s17+$0x170]  }
0xbd: {  	v11 =	vld [tilespmem:s17+$0x3D60]  }
0xbe: {  	s26 =	sshra.s32 s8, $0x2;
	v4 =	vadd.f32 v4, v8;
	v8 =	vld [tilespmem:s17+$0x3D70]  }
0xbf: {  	v12 =	vld [tilespmem:s26+$0x3D40];
	v3 =	vadd.f32 v3, v9  }
0xc0: {  	v9 =	vld [tilespmem:s26+$0x3D50];
	v6 =	vadd.f32 v6, v4;
	v2 =	vadd.f32 v2, v7  }
0xc1: {  	v4 =	vld [tilespmem:s26+$0x2940];
	v5 =	vadd.f32 v5, v3;
	v1 =	vadd.f32 v1, v10  }
0xc2: {  	v3 =	vld [tilespmem:s26+$0x2950];
	[tilespmem:s17+$0x140] =	vst v6;
	v7 =	vadd.f32 v11, v2  }
.Ltmp4:
0xc3: {  	v2 =	vld [tilespmem:s26+$0x2960];
	[tilespmem:s17+$0x150] =	vst v5;
	v10 =	vadd.f32 v8, v1;
	(pc) =	sbr.rel @p1 .LBB2_13-.Ltmp4, $4  }
0xc4: {  	v1 =	vld [tilespmem:s26+$0x2970];
	[tilespmem:s17+$0x160] =	vst v7;
	v6 =	vmov v12  }
0xc5: {  	v8 =	vld [tilespmem:s26+$0x140];
	[tilespmem:s17+$0x170] =	vst v10;
	v5 =	vmov v9;
	s17 =	smov.u32 s26  }
0xc6: {  	v9 =	vld [tilespmem:s17+$0x150]  }
0xc7: {  	s8 =	sadd.s32 $0x100, s8;
	v7 =	vld [tilespmem:s17+$0x160]  }
0xc8: {  	v10 =	vld [tilespmem:s17+$0x170]  }
0xc9: {  	v11 =	vld [tilespmem:s17+$0x3D60]  }
0xca: {  	v4 =	vadd.f32 v4, v8;
	v8 =	vld [tilespmem:s17+$0x3D70]  }
0xcb: {  	v3 =	vadd.f32 v3, v9  }
0xcc: {  	v4 =	vadd.f32 v6, v4;
	v2 =	vadd.f32 v2, v7  }
0xcd: {  	v3 =	vadd.f32 v5, v3;
	v1 =	vadd.f32 v1, v10  }
0xce: {  	[tilespmem:s17+$0x140] =	vst v4;
	v2 =	vadd.f32 v11, v2  }
0xcf: {  	[tilespmem:s17+$0x150] =	vst v3;
	v1 =	vadd.f32 v8, v1  }
0xd0: {  	p1 =	seq.s32 s5, $0x0;
	[tilespmem:s17+$0x160] =	vst v2  }
0xd1: {  	s8 =	simm.s32 @!p1 $0x7;
	[tilespmem:s17+$0x170] =	vst v1  }
0xd2: {  	_ =	swait.ge @!p1 [sflag:s8], $0x1400  }
0xd3: {  	[sflag:s8] =	ssyncset.done @!p1 $0x0  }
0xd4: {  	[sflag:s8] =	ssyncadd.s32 @!p1 $0xFFFFEC00;
	s8 =	simm.s32 @!p1 $0x8  }
0xd5: {  	_ =	swait.ge @!p1 [sflag:s8], $0x1400  }
0xd6: {  	s26 =	smul.u32 $0xA0, s5;
	[sflag:s8] =	ssyncset.done @!p1 $0x0  }
0xd7: {  	[sflag:s8] =	ssyncadd.s32 @!p1 $0xFFFFEC00  }
0xd8: {  	s17 =	sadd.s32 s12, s26;
	_ =	swait.ge @!p1 [sflag:s8], $0x1400  }
0xd9: {  	s28 =	sshrl.u32 s17, $0x3;
	[sflag:s8] =	ssyncset.done @!p1 $0x0  }
0xda: {  	s29 =	simm.s32 $0x0;
	[sflag:s8] =	ssyncadd.s32 @!p1 $0xFFFFEC00;
	s8 =	sadd.s32 s7, s28  }
0xdb: {  	[tilespmem:s21], [sflag:$0x2] =	stream.linear.gather [hbm4b:s8+s29], $0x50, $0x38;
	[tilespmem:$0x19140] =	vst v63  }
0xdc: {  	s17 =	sshll.u32 s17, $0x4;
	s8 =	sadd.s32 s23, s28  }
0xdd: {  	[tilespmem:s0], [sflag:$0x2] =	stream.linear.gather [hbm4b:s8+s29], $0x50, $0x38;
	[tilespmem:$0x19140] =	vst v63  }
0xde: {  	s26 =	sadd.s32 s30, s26;
	s8 =	sadd.s32 s17, s31  }
0xdf: {  	[tilespmem:s2], [sflag:$0x4] =	stream.strided.gather [hbm4b:s8+s18], $0x1400, s19, s18, $0x38;
	[tilespmem:$0x19140] =	vst v63  }
0xe0: {  	s8 =	sshll.u32 s26, $0x4  }
0xe1: {  	s8 =	sadd.s32 s8, s11  }
0xe2: {  	[hbm4b:s8+s18] =	stream.strided.scatter [tilespmem:s20], [sflag:$0x7], $0x1400, s19, s18, $0x38;
	[tilespmem:$0x19140] =	vst v63  }
0xe3: {  	s26 =	rddreg [dreg:$0x3]  }
0xe4: {  	[spmem:s26] =	stream.indirect.scatter.add.f32 [tilespmem:s20], [sflag:$0x8], $0x40, s29, s21, $0xb8;
	[tilespmem:$0x19140] =	vst v63  }
0xe5: {  	s29 =	rddreg [dreg:$0x4]  }
0xe6: {  	[spmem:s29] =	stream.indirect.scatter.add.f32 [tilespmem:s20], [sflag:$0x8], $0x40, s15, s21, $0xb8;
	[tilespmem:$0x19140] =	vst v63  }
0xe7: {  	_ =	swait.ge [sflag:s4], $0x50  }
0xe8: {  	[sflag:s4] =	ssyncset.done $0x0  }
0xe9: {  	[sflag:s4] =	ssyncadd.s32 $0xFFFFFFB0  }
0xea: {  	_ =	swait.ge [sflag:s4], $0x50  }
0xeb: {  	[sflag:s4] =	ssyncset.done $0x0  }
0xec: {  	s26 =	rddreg [dreg:$0x17];
	[sflag:s4] =	ssyncadd.s32 $0xFFFFFFB0  }
0xed: {  	[tilespmem:s13], [sflag:$0x5] =	stream.indirect.gather [hbm4b:s26+s21], $0x40, s21, s21, $0xb8;
	[tilespmem:$0x19140] =	vst v63  }
0xee: {  	s29 =	rddreg [dreg:$0x1f]  }
0xef: {  	[tilespmem:s22], [sflag:$0x6] =	stream.indirect.gather [hbm4b:s29+s21], $0x40, s0, s21, $0xb8;
	[tilespmem:$0x19140] =	vst v63  }
0xf0: {  	_ =	swait.ge [sflag:s1], $0x1400  }
0xf1: {  	[sflag:s1] =	ssyncset.done $0x0  }
0xf2: {  	[sflag:s1] =	ssyncadd.s32 $0xFFFFEC00  }
0xf3: {  	_ =	swait.ge [sflag:s25], $0x1400  }
0xf4: {  	[sflag:s25] =	ssyncset.done $0x0  }
0xf5: {  	[sflag:s25] =	ssyncadd.s32 $0xFFFFEC00  }
0xf6: {  	_ =	swait.ge [sflag:s9], $0x1400  }
0xf7: {  	[sflag:s9] =	ssyncset.done $0x0  }
0xf8: {  	s26 =	simm.s32 $0x0;
	[sflag:s9] =	ssyncadd.s32 $0xFFFFEC00  }
0xf9: {  	v6 =	vld [tilespmem:s26+$0x3D40]  }
0xfa: {  	v5 =	vld [tilespmem:s26+$0x3D50]  }
0xfb: {  	v4 =	vld [tilespmem:s26+$0x2940]  }
0xfc: {  	v3 =	vld [tilespmem:s26+$0x2950]  }
0xfd: {  	v2 =	vld [tilespmem:s26+$0x2960]  }
0xfe: {  	v1 =	vld [tilespmem:s26+$0x2970]  }
0xff: {  	v8 =	vld [tilespmem:s26+$0x1540]  }
0x100: {  	v9 =	vld [tilespmem:s26+$0x1550]  }
0x101: {  	s28 =	simm.s32 $0x100;
	s8 =	sshll.u32 s5, $0x1;
	v7 =	vld [tilespmem:s26+$0x1560]  }
.LBB2_15:
0x102: {  	p1 =	sne.s32 s28, $0x4F00;
	v10 =	vld [tilespmem:s26+$0x1570]  }
0x103: {  	v11 =	vld [tilespmem:s26+$0x3D60]  }
0x104: {  	s29 =	sshra.s32 s28, $0x2;
	v4 =	vadd.f32 v4, v8;
	v8 =	vld [tilespmem:s26+$0x3D70]  }
0x105: {  	v12 =	vld [tilespmem:s29+$0x3D40];
	v3 =	vadd.f32 v3, v9  }
0x106: {  	v9 =	vld [tilespmem:s29+$0x3D50];
	v6 =	vadd.f32 v6, v4;
	v2 =	vadd.f32 v2, v7  }
0x107: {  	v4 =	vld [tilespmem:s29+$0x2940];
	v5 =	vadd.f32 v5, v3;
	v1 =	vadd.f32 v1, v10  }
0x108: {  	v3 =	vld [tilespmem:s29+$0x2950];
	[tilespmem:s26+$0x1540] =	vst v6;
	v7 =	vadd.f32 v11, v2  }
.Ltmp5:
0x109: {  	v2 =	vld [tilespmem:s29+$0x2960];
	[tilespmem:s26+$0x1550] =	vst v5;
	v10 =	vadd.f32 v8, v1;
	(pc) =	sbr.rel @p1 .LBB2_15-.Ltmp5, $4  }
0x10a: {  	v1 =	vld [tilespmem:s29+$0x2970];
	[tilespmem:s26+$0x1560] =	vst v7;
	v6 =	vmov v12  }
0x10b: {  	v8 =	vld [tilespmem:s29+$0x1540];
	[tilespmem:s26+$0x1570] =	vst v10;
	v5 =	vmov v9;
	s26 =	smov.u32 s29  }
0x10c: {  	v9 =	vld [tilespmem:s26+$0x1550]  }
0x10d: {  	s28 =	sadd.s32 $0x100, s28;
	v7 =	vld [tilespmem:s26+$0x1560]  }
0x10e: {  	v10 =	vld [tilespmem:s26+$0x1570]  }
0x10f: {  	v11 =	vld [tilespmem:s26+$0x3D60]  }
0x110: {  	v63 =	vld [tilespmem:s26+$0x3D70];
	v4 =	vadd.f32 v4, v8  }
0x111: {  	v3 =	vadd.f32 v3, v9  }
0x112: {  	v4 =	vadd.f32 v6, v4;
	v2 =	vadd.f32 v2, v7  }
0x113: {  	v3 =	vadd.f32 v5, v3;
	v1 =	vadd.f32 v1, v10  }
0x114: {  	[tilespmem:s26+$0x1540] =	vst v4;
	v2 =	vadd.f32 v11, v2  }
0x115: {  	[tilespmem:s26+$0x1550] =	vst v3;
	v1 =	vadd.f32 v63, v1  }
0x116: {  	[tilespmem:s26+$0x1560] =	vst v2  }
0x117: {  	[tilespmem:s26+$0x1570] =	vst v1  }
0x118: {  	_ =	swait.ge [sflag:s14], $0x1400  }
0x119: {  	[sflag:s14] =	ssyncset.done $0x0  }
0x11a: {  	[sflag:s14] =	ssyncadd.s32 $0xFFFFEC00  }
0x11b: {  	_ =	swait.ge [sflag:s3], $0x1400  }
0x11c: {  	[sflag:s3] =	ssyncset.done $0x0  }
0x11d: {  	[sflag:s3] =	ssyncadd.s32 $0xFFFFEC00  }
0x11e: {  	_ =	swait.ge [sflag:s3], $0x1400  }
0x11f: {  	s8 =	smin.u32 s8, $0xF7;
	s28 =	sld [smem:$0x7FC]  }
0x120: {  	s8 =	smul.u32 $0x50, s8;
	_ =	sdelay $0x1  }
0x121: {  	s8 =	sadd.s32 s8, s28  }
0x122: {  	[sflag:s3] =	ssyncset.done $0x0;
	s26 =	sshrl.u32 s8, $0x3  }
0x123: {  	[sflag:s3] =	ssyncadd.s32 $0xFFFFEC00;
	s28 =	sadd.s32 s7, s26  }
0x124: {  	[tilespmem:s6], [sflag:$0x1] =	stream.linear.gather [hbm4b:s28+s6], $0x50, $0x38;
	[tilespmem:$0x19140] =	vst v63  }
0x125: {  	s8 =	sshll.u32 s8, $0x4;
	s26 =	sadd.s32 s23, s26  }
0x126: {  	[tilespmem:s15], [sflag:$0x1] =	stream.linear.gather [hbm4b:s26+s6], $0x50, $0x38;
	[tilespmem:$0x19140] =	vst v63  }
0x127: {  	s8 =	sadd.s32 s8, s31  }
0x128: {  	[tilespmem:s20], [sflag:$0x3] =	stream.strided.gather [hbm4b:s8+s18], $0x1400, s19, s18, $0x38;
	[tilespmem:$0x19140] =	vst v63  }
0x129: {  	s29 =	sadd.s32 s17, s11  }
0x12a: {  	[hbm4b:s29+s18] =	stream.strided.scatter [tilespmem:s2], [sflag:$0x7], $0x1400, s19, s18, $0x38;
	[tilespmem:$0x19140] =	vst v63  }
0x12b: {  	s17 =	rddreg [dreg:$0x3]  }
0x12c: {  	[spmem:s17] =	stream.indirect.scatter.add.f32 [tilespmem:s2], [sflag:$0x8], $0x40, s21, s21, $0xb8;
	[tilespmem:$0x19140] =	vst v63  }
0x12d: {  	s26 =	rddreg [dreg:$0x4]  }
0x12e: {  	[spmem:s26] =	stream.indirect.scatter.add.f32 [tilespmem:s2], [sflag:$0x8], $0x40, s0, s21, $0xb8;
	[tilespmem:$0x19140] =	vst v63  }
0x12f: {  	_ =	swait.ge [sflag:s16], $0x50  }
0x130: {  	[sflag:s16] =	ssyncset.done $0x0  }
0x131: {  	s5 =	sadd.s32 $0x1, s5;
	[sflag:s16] =	ssyncadd.s32 $0xFFFFFFB0  }
0x132: {  	p1 =	sne.s32 s5, $0x7D;
	_ =	swait.ge [sflag:s16], $0x50  }
.Ltmp6:
0x133: {  	[sflag:s16] =	ssyncset.done $0x0;
	(pc) =	sbr.rel @p1 .LBB2_12-.Ltmp6, $4  }
0x134: {  	s28 =	rddreg [dreg:$0x17];
	[sflag:s16] =	ssyncadd.s32 $0xFFFFFFB0  }
0x135: {  	[tilespmem:s13], [sflag:$0x5] =	stream.indirect.gather [hbm4b:s28+s21], $0x40, s6, s21, $0xb8;
	[tilespmem:$0x19140] =	vst v63  }
0x136: {  	s29 =	rddreg [dreg:$0x1f]  }
0x137: {  	[tilespmem:s22], [sflag:$0x6] =	stream.indirect.gather [hbm4b:s29+s21], $0x40, s15, s21, $0xb8;
	[tilespmem:$0x19140] =	vst v63  }
.Ltmp7:
0x138: {  	(pc) =	sbr.rel .LBB2_18-.Ltmp7, $4  }
0x139: {  	_ = 	snop  }
0x13a: {  	s8 =	rddreg [dreg:$0x1c]  }
0x13b: {  	s5 =	rddreg [dreg:$0x1e]  }
0x13c: {  	s28 =	sld [smem:$0x7F8]  }
.LBB2_2:
0x13d: {  	p1 =	sne.s32 s8, $0x4F00;
	[tilespmem:s5+$0x2970] =	vst v0;
	s17 =	smov.u32 s8;
	s8 =	sadd.s32 $0x100, s8  }
.Ltmp8:
0x13e: {  	[tilespmem:s5+$0x2960] =	vst v0;
	(pc) =	sbr.rel @p1 .LBB2_2-.Ltmp8, $3  }
0x13f: {  	[tilespmem:s5+$0x2940] =	vst v0  }
0x140: {  	[tilespmem:s5+$0x2950] =	vst v0;
	_ =	sdelay $0x1  }
0x141: {  	s5 =	sshra.s32 s17, $0x2  }
0x142: {  	[tilespmem:s5+$0x2970] =	vst v0  }
0x143: {  	[tilespmem:s5+$0x2960] =	vst v0  }
0x144: {  	[tilespmem:s5+$0x2940] =	vst v0  }
0x145: {  	[tilespmem:s5+$0x2950] =	vst v0;
	s8 =	simm.s32 $0x9  }
0x146: {  	[spmem:s11] =	stream.linear.scatter [tilespmem:s13], [sflag:$0x9], $0x1400, $0x38;
	[tilespmem:$0x19140] =	vst v63  }
0x147: {  	_ =	swait.ge [sflag:s8], $0x1400  }
0x148: {  	[sflag:s8] =	ssyncset.done $0x0  }
0x149: {  	[sflag:s8] =	ssyncadd.s32 $0xFFFFEC00  }
0x14a: {  	[spmem:s29] =	stream.linear.scatter [tilespmem:s13], [sflag:$0x9], $0x1400, $0x38;
	[tilespmem:$0x19140] =	vst v63  }
0x14b: {  	_ =	swait.ge [sflag:s8], $0x1400  }
0x14c: {  	[sflag:s8] =	ssyncset.done $0x0  }
0x14d: {  	s17 =	rddreg [dreg:$0x6];
	[sflag:s8] =	ssyncadd.s32 $0xFFFFEC00  }
0x14e: {  	[spmem:s17] =	stream.linear.scatter [tilespmem:s13], [sflag:$0x9], $0x1400, $0x38;
	[tilespmem:$0x19140] =	vst v63  }
0x14f: {  	_ =	swait.ge [sflag:s8], $0x1400  }
0x150: {  	[sflag:s8] =	ssyncset.done $0x0  }
0x151: {  	s26 =	rddreg [dreg:$0x7];
	[sflag:s8] =	ssyncadd.s32 $0xFFFFEC00  }
0x152: {  	[spmem:s26] =	stream.linear.scatter [tilespmem:s13], [sflag:$0x9], $0x1400, $0x38;
	[tilespmem:$0x19140] =	vst v63  }
0x153: {  	_ =	swait.ge [sflag:s8], $0x1400  }
0x154: {  	[sflag:s8] =	ssyncset.done $0x0  }
0x155: {  	s28 =	rddreg [dreg:$0x8];
	[sflag:s8] =	ssyncadd.s32 $0xFFFFEC00  }
0x156: {  	[spmem:s28] =	stream.linear.scatter [tilespmem:s13], [sflag:$0x9], $0x1400, $0x38;
	[tilespmem:$0x19140] =	vst v63  }
0x157: {  	_ =	swait.ge [sflag:s8], $0x1400  }
0x158: {  	[sflag:s8] =	ssyncset.done $0x0  }
0x159: {  	s29 =	rddreg [dreg:$0x9];
	[sflag:s8] =	ssyncadd.s32 $0xFFFFEC00  }
0x15a: {  	[spmem:s29] =	stream.linear.scatter [tilespmem:s13], [sflag:$0x9], $0x1400, $0x38;
	[tilespmem:$0x19140] =	vst v63  }
0x15b: {  	_ =	swait.ge [sflag:s8], $0x1400  }
0x15c: {  	[sflag:s8] =	ssyncset.done $0x0  }
0x15d: {  	s11 =	rddreg [dreg:$0xa];
	[sflag:s8] =	ssyncadd.s32 $0xFFFFEC00  }
0x15e: {  	[spmem:s11] =	stream.linear.scatter [tilespmem:s13], [sflag:$0x9], $0x1400, $0x38;
	[tilespmem:$0x19140] =	vst v63  }
0x15f: {  	_ =	swait.ge [sflag:s8], $0x1400  }
0x160: {  	[sflag:s8] =	ssyncset.done $0x0  }
0x161: {  	s17 =	rddreg [dreg:$0xb];
	[sflag:s8] =	ssyncadd.s32 $0xFFFFEC00  }
0x162: {  	[spmem:s17] =	stream.linear.scatter [tilespmem:s13], [sflag:$0x9], $0x1400, $0x38;
	[tilespmem:$0x19140] =	vst v63  }
0x163: {  	_ =	swait.ge [sflag:s8], $0x1400  }
0x164: {  	[sflag:s8] =	ssyncset.done $0x0  }
0x165: {  	s26 =	rddreg [dreg:$0xc];
	[sflag:s8] =	ssyncadd.s32 $0xFFFFEC00  }
0x166: {  	[spmem:s26] =	stream.linear.scatter [tilespmem:s13], [sflag:$0x9], $0x1400, $0x38;
	[tilespmem:$0x19140] =	vst v63  }
0x167: {  	_ =	swait.ge [sflag:s8], $0x1400  }
0x168: {  	[sflag:s8] =	ssyncset.done $0x0  }
0x169: {  	s28 =	rddreg [dreg:$0xd];
	[sflag:s8] =	ssyncadd.s32 $0xFFFFEC00  }
0x16a: {  	[spmem:s28] =	stream.linear.scatter [tilespmem:s13], [sflag:$0x9], $0x1400, $0x38;
	[tilespmem:$0x19140] =	vst v63  }
0x16b: {  	_ =	swait.ge [sflag:s8], $0x1400  }
0x16c: {  	[sflag:s8] =	ssyncset.done $0x0  }
0x16d: {  	s29 =	rddreg [dreg:$0xe];
	[sflag:s8] =	ssyncadd.s32 $0xFFFFEC00  }
0x16e: {  	[spmem:s29] =	stream.linear.scatter [tilespmem:s13], [sflag:$0x9], $0x1400, $0x38;
	[tilespmem:$0x19140] =	vst v63  }
0x16f: {  	_ =	swait.ge [sflag:s8], $0x1400  }
0x170: {  	[sflag:s8] =	ssyncset.done $0x0  }
0x171: {  	s11 =	rddreg [dreg:$0xf];
	[sflag:s8] =	ssyncadd.s32 $0xFFFFEC00  }
0x172: {  	[spmem:s11] =	stream.linear.scatter [tilespmem:s13], [sflag:$0x9], $0x1400, $0x38;
	[tilespmem:$0x19140] =	vst v63  }
0x173: {  	_ =	swait.ge [sflag:s8], $0x1400  }
0x174: {  	[sflag:s8] =	ssyncset.done $0x0  }
0x175: {  	s17 =	rddreg [dreg:$0x10];
	[sflag:s8] =	ssyncadd.s32 $0xFFFFEC00  }
0x176: {  	[spmem:s17] =	stream.linear.scatter [tilespmem:s13], [sflag:$0x9], $0x1400, $0x38;
	[tilespmem:$0x19140] =	vst v63  }
0x177: {  	_ =	swait.ge [sflag:s8], $0x1400  }
0x178: {  	[sflag:s8] =	ssyncset.done $0x0  }
0x179: {  	s26 =	rddreg [dreg:$0x11];
	[sflag:s8] =	ssyncadd.s32 $0xFFFFEC00  }
0x17a: {  	[spmem:s26] =	stream.linear.scatter [tilespmem:s13], [sflag:$0x9], $0x1400, $0x38;
	[tilespmem:$0x19140] =	vst v63  }
0x17b: {  	_ =	swait.ge [sflag:s8], $0x1400  }
0x17c: {  	[sflag:s8] =	ssyncset.done $0x0  }
0x17d: {  	s28 =	rddreg [dreg:$0x12];
	[sflag:s8] =	ssyncadd.s32 $0xFFFFEC00  }
0x17e: {  	[spmem:s28] =	stream.linear.scatter [tilespmem:s13], [sflag:$0x9], $0x1400, $0x38;
	[tilespmem:$0x19140] =	vst v63  }
0x17f: {  	_ =	swait.ge [sflag:s8], $0x1400  }
0x180: {  	[sflag:s8] =	ssyncset.done $0x0  }
0x181: {  	s29 =	rddreg [dreg:$0x13];
	[sflag:s8] =	ssyncadd.s32 $0xFFFFEC00  }
0x182: {  	[spmem:s29] =	stream.linear.scatter [tilespmem:s13], [sflag:$0x9], $0x1400, $0x38;
	[tilespmem:$0x19140] =	vst v63  }
0x183: {  	_ =	swait.ge [sflag:s8], $0x1400  }
0x184: {  	[sflag:s8] =	ssyncset.done $0x0  }
0x185: {  	[sflag:s8] =	ssyncadd.s32 $0xFFFFEC00  }
0x186: {  	[bflag:$0x0] =	sbarrier.arrive $0xFFFF  }
0x187: {  	s5 =	simm.s32 $0x0;
	s11 =	rddreg [dreg:$0x14]  }
0x188: {  	[tilespmem:s5], [sflag:$0x1] =	stream.linear.gather [hbm4b:s11+s5], $0x50, $0x38;
	[tilespmem:$0x19140] =	vst v63  }
0x189: {  	s17 =	rddreg [dreg:$0x15]  }
0x18a: {  	[tilespmem:s15], [sflag:$0x1] =	stream.linear.gather [hbm4b:s17+s5], $0x50, $0x38;
	[tilespmem:$0x19140] =	vst v63  }
0x18b: {  	_ =	swait.ge [sflag:s16], $0x50  }
0x18c: {  	[sflag:s16] =	ssyncset.done $0x0  }
0x18d: {  	[sflag:s16] =	ssyncadd.s32 $0xFFFFFFB0  }
0x18e: {  	_ =	swait.ge [sflag:s16], $0x50  }
0x18f: {  	s26 =	sld [smem:$0x7F9]  }
0x190: {  	[sflag:s16] =	ssyncset.done $0x0  }
0x191: {  	[sflag:s16] =	ssyncadd.s32 $0xFFFFFFB0  }
0x192: {  	[tilespmem:s20], [sflag:$0x3] =	stream.strided.gather [hbm4b:s26+s18], $0x1400, s19, s18, $0x38;
	[tilespmem:$0x19140] =	vst v63  }
0x193: {  	s28 =	rddreg [dreg:$0x16]  }
0x194: {  	[tilespmem:s13], [sflag:$0x5] =	stream.indirect.gather [hbm4b:s28+s21], $0x40, s5, s21, $0xb8;
	[tilespmem:$0x19140] =	vst v63  }
0x195: {  	s29 =	rddreg [dreg:$0x18]  }
0x196: {  	[tilespmem:s22], [sflag:$0x6] =	stream.indirect.gather [hbm4b:s29+s21], $0x40, s15, s21, $0xb8;
	[tilespmem:$0x19140] =	vst v63  }
.LBB2_4:
0x197: {  	_ =	swait.ge [sflag:s24], $0x1400  }
0x198: {  	[sflag:s24] =	ssyncset.done $0x0  }
0x199: {  	[sflag:s24] =	ssyncadd.s32 $0xFFFFEC00  }
0x19a: {  	_ =	swait.ge [sflag:s25], $0x1400  }
0x19b: {  	[sflag:s25] =	ssyncset.done $0x0  }
0x19c: {  	[sflag:s25] =	ssyncadd.s32 $0xFFFFEC00  }
0x19d: {  	_ =	swait.ge [sflag:s9], $0x1400  }
0x19e: {  	[sflag:s9] =	ssyncset.done $0x0  }
0x19f: {  	s17 =	simm.s32 $0x0;
	[sflag:s9] =	ssyncadd.s32 $0xFFFFEC00  }
0x1a0: {  	v6 =	vld [tilespmem:s17+$0x3D40]  }
0x1a1: {  	v5 =	vld [tilespmem:s17+$0x3D50]  }
0x1a2: {  	v4 =	vld [tilespmem:s17+$0x2940]  }
0x1a3: {  	v3 =	vld [tilespmem:s17+$0x2950]  }
0x1a4: {  	v2 =	vld [tilespmem:s17+$0x2960]  }
0x1a5: {  	v1 =	vld [tilespmem:s17+$0x2970]  }
0x1a6: {  	v8 =	vld [tilespmem:s17+$0x140]  }
0x1a7: {  	v9 =	vld [tilespmem:s17+$0x150]  }
0x1a8: {  	s8 =	simm.s32 $0x100;
	v7 =	vld [tilespmem:s17+$0x160]  }
.LBB2_5:
0x1a9: {  	p1 =	sne.s32 s8, $0x4F00;
	v10 =	vld [tilespmem:s17+$0x170]  }
0x1aa: {  	v11 =	vld [tilespmem:s17+$0x3D60]  }
0x1ab: {  	s26 =	sshra.s32 s8, $0x2;
	v4 =	vadd.f32 v4, v8;
	v8 =	vld [tilespmem:s17+$0x3D70]  }
0x1ac: {  	v12 =	vld [tilespmem:s26+$0x3D40];
	v3 =	vadd.f32 v3, v9  }
0x1ad: {  	v9 =	vld [tilespmem:s26+$0x3D50];
	v6 =	vadd.f32 v6, v4;
	v2 =	vadd.f32 v2, v7  }
0x1ae: {  	v4 =	vld [tilespmem:s26+$0x2940];
	v5 =	vadd.f32 v5, v3;
	v1 =	vadd.f32 v1, v10  }
0x1af: {  	v3 =	vld [tilespmem:s26+$0x2950];
	[tilespmem:s17+$0x140] =	vst v6;
	v7 =	vadd.f32 v11, v2  }
.Ltmp9:
0x1b0: {  	v2 =	vld [tilespmem:s26+$0x2960];
	[tilespmem:s17+$0x150] =	vst v5;
	v10 =	vadd.f32 v8, v1;
	(pc) =	sbr.rel @p1 .LBB2_5-.Ltmp9, $4  }
0x1b1: {  	v1 =	vld [tilespmem:s26+$0x2970];
	[tilespmem:s17+$0x160] =	vst v7;
	v6 =	vmov v12  }
0x1b2: {  	v8 =	vld [tilespmem:s26+$0x140];
	[tilespmem:s17+$0x170] =	vst v10;
	v5 =	vmov v9;
	s17 =	smov.u32 s26  }
0x1b3: {  	v9 =	vld [tilespmem:s17+$0x150]  }
0x1b4: {  	s8 =	sadd.s32 $0x100, s8;
	v7 =	vld [tilespmem:s17+$0x160]  }
0x1b5: {  	v10 =	vld [tilespmem:s17+$0x170]  }
0x1b6: {  	v11 =	vld [tilespmem:s17+$0x3D60]  }
0x1b7: {  	v4 =	vadd.f32 v4, v8;
	v8 =	vld [tilespmem:s17+$0x3D70]  }
0x1b8: {  	v3 =	vadd.f32 v3, v9  }
0x1b9: {  	v4 =	vadd.f32 v6, v4;
	v2 =	vadd.f32 v2, v7  }
0x1ba: {  	v3 =	vadd.f32 v5, v3;
	v1 =	vadd.f32 v1, v10  }
0x1bb: {  	[tilespmem:s17+$0x140] =	vst v4;
	v2 =	vadd.f32 v11, v2  }
0x1bc: {  	[tilespmem:s17+$0x150] =	vst v3;
	v1 =	vadd.f32 v8, v1  }
0x1bd: {  	p1 =	seq.s32 s5, $0x0;
	[tilespmem:s17+$0x160] =	vst v2  }
0x1be: {  	s8 =	simm.s32 @!p1 $0x7;
	[tilespmem:s17+$0x170] =	vst v1  }
0x1bf: {  	_ =	swait.ge @!p1 [sflag:s8], $0x1400  }
0x1c0: {  	[sflag:s8] =	ssyncset.done @!p1 $0x0  }
0x1c1: {  	[sflag:s8] =	ssyncadd.s32 @!p1 $0xFFFFEC00;
	s8 =	simm.s32 @!p1 $0x8  }
0x1c2: {  	_ =	swait.ge @!p1 [sflag:s8], $0x1400  }
0x1c3: {  	s26 =	smul.u32 $0xA0, s5;
	[sflag:s8] =	ssyncset.done @!p1 $0x0  }
0x1c4: {  	[sflag:s8] =	ssyncadd.s32 @!p1 $0xFFFFEC00  }
0x1c5: {  	s17 =	sadd.s32 s12, s26;
	_ =	swait.ge @!p1 [sflag:s8], $0x1400  }
0x1c6: {  	s28 =	sshrl.u32 s17, $0x3;
	[sflag:s8] =	ssyncset.done @!p1 $0x0  }
0x1c7: {  	s29 =	simm.s32 $0x0;
	s11 =	sadd.s32 s7, s28;
	[sflag:s8] =	ssyncadd.s32 @!p1 $0xFFFFEC00  }
0x1c8: {  	[tilespmem:s21], [sflag:$0x2] =	stream.linear.gather [hbm4b:s11+s29], $0x50, $0x38;
	[tilespmem:$0x19140] =	vst v63  }
0x1c9: {  	s17 =	sshll.u32 s17, $0x4;
	s11 =	sadd.s32 s23, s28  }
0x1ca: {  	[tilespmem:s0], [sflag:$0x2] =	stream.linear.gather [hbm4b:s11+s29], $0x50, $0x38;
	[tilespmem:$0x19140] =	vst v63  }
0x1cb: {  	s26 =	sadd.s32 s30, s26;
	s11 =	sadd.s32 s10, s17  }
0x1cc: {  	[tilespmem:s2], [sflag:$0x4] =	stream.strided.gather [hbm4b:s11+s18], $0x1400, s19, s18, $0x38;
	[tilespmem:$0x19140] =	vst v63  }
0x1cd: {  	s8 =	sshll.u32 s26, $0x4;
	s11 =	rddreg [dreg:$0x1]  }
0x1ce: {  	s8 =	sadd.s32 s11, s8  }
0x1cf: {  	[hbm4b:s8+s18] =	stream.strided.scatter [tilespmem:s20], [sflag:$0x7], $0x1400, s19, s18, $0x38;
	[tilespmem:$0x19140] =	vst v63  }
0x1d0: {  	s26 =	rddreg [dreg:$0x3]  }
0x1d1: {  	[spmem:s26] =	stream.indirect.scatter.add.f32 [tilespmem:s20], [sflag:$0x8], $0x40, s29, s21, $0xb8;
	[tilespmem:$0x19140] =	vst v63  }
0x1d2: {  	s11 =	rddreg [dreg:$0x4]  }
0x1d3: {  	[spmem:s11] =	stream.indirect.scatter.add.f32 [tilespmem:s20], [sflag:$0x8], $0x40, s15, s21, $0xb8;
	[tilespmem:$0x19140] =	vst v63  }
0x1d4: {  	_ =	swait.ge [sflag:s4], $0x50  }
0x1d5: {  	[sflag:s4] =	ssyncset.done $0x0  }
0x1d6: {  	[sflag:s4] =	ssyncadd.s32 $0xFFFFFFB0  }
0x1d7: {  	_ =	swait.ge [sflag:s4], $0x50  }
0x1d8: {  	[sflag:s4] =	ssyncset.done $0x0  }
0x1d9: {  	s26 =	rddreg [dreg:$0x16];
	[sflag:s4] =	ssyncadd.s32 $0xFFFFFFB0  }
0x1da: {  	[tilespmem:s13], [sflag:$0x5] =	stream.indirect.gather [hbm4b:s26+s21], $0x40, s21, s21, $0xb8;
	[tilespmem:$0x19140] =	vst v63  }
0x1db: {  	s29 =	rddreg [dreg:$0x18]  }
0x1dc: {  	[tilespmem:s22], [sflag:$0x6] =	stream.indirect.gather [hbm4b:s29+s21], $0x40, s0, s21, $0xb8;
	[tilespmem:$0x19140] =	vst v63  }
0x1dd: {  	_ =	swait.ge [sflag:s1], $0x1400  }
0x1de: {  	[sflag:s1] =	ssyncset.done $0x0  }
0x1df: {  	[sflag:s1] =	ssyncadd.s32 $0xFFFFEC00  }
0x1e0: {  	_ =	swait.ge [sflag:s25], $0x1400  }
0x1e1: {  	[sflag:s25] =	ssyncset.done $0x0  }
0x1e2: {  	[sflag:s25] =	ssyncadd.s32 $0xFFFFEC00  }
0x1e3: {  	_ =	swait.ge [sflag:s9], $0x1400  }
0x1e4: {  	[sflag:s9] =	ssyncset.done $0x0  }
0x1e5: {  	s26 =	simm.s32 $0x0;
	[sflag:s9] =	ssyncadd.s32 $0xFFFFEC00  }
0x1e6: {  	v6 =	vld [tilespmem:s26+$0x3D40]  }
0x1e7: {  	v5 =	vld [tilespmem:s26+$0x3D50]  }
0x1e8: {  	v4 =	vld [tilespmem:s26+$0x2940]  }
0x1e9: {  	v3 =	vld [tilespmem:s26+$0x2950]  }
0x1ea: {  	v2 =	vld [tilespmem:s26+$0x2960]  }
0x1eb: {  	v1 =	vld [tilespmem:s26+$0x2970]  }
0x1ec: {  	v8 =	vld [tilespmem:s26+$0x1540]  }
0x1ed: {  	v9 =	vld [tilespmem:s26+$0x1550]  }
0x1ee: {  	s28 =	simm.s32 $0x100;
	s8 =	sshll.u32 s5, $0x1;
	v7 =	vld [tilespmem:s26+$0x1560]  }
.LBB2_7:
0x1ef: {  	p1 =	sne.s32 s28, $0x4F00;
	v10 =	vld [tilespmem:s26+$0x1570]  }
0x1f0: {  	v11 =	vld [tilespmem:s26+$0x3D60]  }
0x1f1: {  	s29 =	sshra.s32 s28, $0x2;
	v4 =	vadd.f32 v4, v8;
	v8 =	vld [tilespmem:s26+$0x3D70]  }
0x1f2: {  	v12 =	vld [tilespmem:s29+$0x3D40];
	v3 =	vadd.f32 v3, v9  }
0x1f3: {  	v9 =	vld [tilespmem:s29+$0x3D50];
	v6 =	vadd.f32 v6, v4;
	v2 =	vadd.f32 v2, v7  }
0x1f4: {  	v4 =	vld [tilespmem:s29+$0x2940];
	v5 =	vadd.f32 v5, v3;
	v1 =	vadd.f32 v1, v10  }
0x1f5: {  	v3 =	vld [tilespmem:s29+$0x2950];
	[tilespmem:s26+$0x1540] =	vst v6;
	v7 =	vadd.f32 v11, v2  }
.Ltmp10:
0x1f6: {  	v2 =	vld [tilespmem:s29+$0x2960];
	[tilespmem:s26+$0x1550] =	vst v5;
	v10 =	vadd.f32 v8, v1;
	(pc) =	sbr.rel @p1 .LBB2_7-.Ltmp10, $4  }
0x1f7: {  	v1 =	vld [tilespmem:s29+$0x2970];
	[tilespmem:s26+$0x1560] =	vst v7;
	v6 =	vmov v12  }
0x1f8: {  	v8 =	vld [tilespmem:s29+$0x1540];
	[tilespmem:s26+$0x1570] =	vst v10;
	v5 =	vmov v9;
	s26 =	smov.u32 s29  }
0x1f9: {  	v9 =	vld [tilespmem:s26+$0x1550]  }
0x1fa: {  	s28 =	sadd.s32 $0x100, s28;
	v7 =	vld [tilespmem:s26+$0x1560]  }
0x1fb: {  	v10 =	vld [tilespmem:s26+$0x1570]  }
0x1fc: {  	v11 =	vld [tilespmem:s26+$0x3D60]  }
0x1fd: {  	v63 =	vld [tilespmem:s26+$0x3D70];
	v4 =	vadd.f32 v4, v8  }
0x1fe: {  	v3 =	vadd.f32 v3, v9  }
0x1ff: {  	v4 =	vadd.f32 v6, v4;
	v2 =	vadd.f32 v2, v7  }
0x200: {  	v3 =	vadd.f32 v5, v3;
	v1 =	vadd.f32 v1, v10  }
0x201: {  	[tilespmem:s26+$0x1540] =	vst v4;
	v2 =	vadd.f32 v11, v2  }
0x202: {  	[tilespmem:s26+$0x1550] =	vst v3;
	v1 =	vadd.f32 v63, v1  }
0x203: {  	[tilespmem:s26+$0x1560] =	vst v2  }
0x204: {  	[tilespmem:s26+$0x1570] =	vst v1  }
0x205: {  	_ =	swait.ge [sflag:s14], $0x1400  }
0x206: {  	[sflag:s14] =	ssyncset.done $0x0  }
0x207: {  	[sflag:s14] =	ssyncadd.s32 $0xFFFFEC00  }
0x208: {  	_ =	swait.ge [sflag:s3], $0x1400  }
0x209: {  	[sflag:s3] =	ssyncset.done $0x0  }
0x20a: {  	[sflag:s3] =	ssyncadd.s32 $0xFFFFEC00  }
0x20b: {  	_ =	swait.ge [sflag:s3], $0x1400  }
0x20c: {  	s8 =	smin.u32 s8, $0xF7;
	s29 =	sld [smem:$0x7FC]  }
0x20d: {  	s8 =	smul.u32 $0x50, s8;
	_ =	sdelay $0x1  }
0x20e: {  	s8 =	sadd.s32 s8, s29  }
0x20f: {  	[sflag:s3] =	ssyncset.done $0x0;
	s26 =	sshrl.u32 s8, $0x3  }
0x210: {  	[sflag:s3] =	ssyncadd.s32 $0xFFFFEC00;
	s28 =	sadd.s32 s7, s26  }
0x211: {  	[tilespmem:s6], [sflag:$0x1] =	stream.linear.gather [hbm4b:s28+s6], $0x50, $0x38;
	[tilespmem:$0x19140] =	vst v63  }
0x212: {  	s8 =	sshll.u32 s8, $0x4;
	s26 =	sadd.s32 s23, s26  }
0x213: {  	[tilespmem:s15], [sflag:$0x1] =	stream.linear.gather [hbm4b:s26+s6], $0x50, $0x38;
	[tilespmem:$0x19140] =	vst v63  }
0x214: {  	s11 =	rddreg [dreg:$0x1];
	s8 =	sadd.s32 s10, s8  }
0x215: {  	[tilespmem:s20], [sflag:$0x3] =	stream.strided.gather [hbm4b:s8+s18], $0x1400, s19, s18, $0x38;
	[tilespmem:$0x19140] =	vst v63  }
0x216: {  	s8 =	sadd.s32 s11, s17  }
0x217: {  	[hbm4b:s8+s18] =	stream.strided.scatter [tilespmem:s2], [sflag:$0x7], $0x1400, s19, s18, $0x38;
	[tilespmem:$0x19140] =	vst v63  }
0x218: {  	s17 =	rddreg [dreg:$0x3]  }
0x219: {  	[spmem:s17] =	stream.indirect.scatter.add.f32 [tilespmem:s2], [sflag:$0x8], $0x40, s21, s21, $0xb8;
	[tilespmem:$0x19140] =	vst v63  }
0x21a: {  	s26 =	rddreg [dreg:$0x4]  }
0x21b: {  	[spmem:s26] =	stream.indirect.scatter.add.f32 [tilespmem:s2], [sflag:$0x8], $0x40, s0, s21, $0xb8;
	[tilespmem:$0x19140] =	vst v63  }
0x21c: {  	_ =	swait.ge [sflag:s16], $0x50  }
0x21d: {  	[sflag:s16] =	ssyncset.done $0x0  }
0x21e: {  	s5 =	sadd.s32 $0x1, s5;
	[sflag:s16] =	ssyncadd.s32 $0xFFFFFFB0  }
0x21f: {  	p1 =	seq.s32 s5, $0x7D;
	_ =	swait.ge [sflag:s16], $0x50  }
.Ltmp11:
0x220: {  	[sflag:s16] =	ssyncset.done $0x0;
	(pc) =	sbr.rel @!p1 .LBB2_4-.Ltmp11, $4  }
0x221: {  	s28 =	rddreg [dreg:$0x16];
	[sflag:s16] =	ssyncadd.s32 $0xFFFFFFB0  }
0x222: {  	[tilespmem:s13], [sflag:$0x5] =	stream.indirect.gather [hbm4b:s28+s21], $0x40, s6, s21, $0xb8;
	[tilespmem:$0x19140] =	vst v63  }
0x223: {  	s29 =	rddreg [dreg:$0x18]  }
0x224: {  	[tilespmem:s22], [sflag:$0x6] =	stream.indirect.gather [hbm4b:s29+s21], $0x40, s15, s21, $0xb8;
	[tilespmem:$0x19140] =	vst v63  }
.Ltmp12:
0x225: {  	(pc) =	sbr.rel .LBB2_18-.Ltmp12, $4  }
0x226: {  	_ = 	snop  }
0x227: {  	s8 =	rddreg [dreg:$0x2]  }
0x228: {  	s5 =	rddreg [dreg:$0x1d]  }
0x229: {  	s28 =	sld [smem:$0x7F8]  }
.LBB2_19:
0x22a: {  	_ =	sfence.sel $0x180000  }
0x22b: {  	[bflag:$0x0] =	sbarrier.arrive $0xFFFF  }
0x22c: {  	_ =	strace $0x90000047  }
0x22d: {  	s0 =	stileid.u32;
	[bflag:$0x2] =	sbarrier.arrive $0xFFFF  }
0x22e: {  	p0 =	sne.s32 s0, $0x0;
	s0 =	rddreg [dreg:$0x5]  }
0x22f: {  	s0 =	sadd.s32 @!p0 $0x100000, s0  }
0x230: {  	[sflag:s0] =	ssyncadd.tile.s32 @!p0 $0x1;
	_ =	shalt  }
.Lfunc_end2:
_tile_overlayer_lowered:
.L_overlay_start_2:
0x231: {  	(tag) =	ssettag $0x2  }
0x232: {  	s0 =	rddreg [dreg:$0x0];
	s2 =	stileid.u32  }
0x233: {  	s1 =	rddreg [dreg:$0x1];
	p0 =	sne.s32 s2, $0x0  }
0x234: {  	s3 =	rddreg [dreg:$0x2];
	[bflag:$0x3] =	sbarrier.arrive $0xFFFF;
	s2 =	simm.s32 @!p0 $0x1C09  }
0x235: {  	[timem:s3], [sflag:s2] =	dma.local @!p0 [hbm:s0], s1  }
0x236: {  	s0 =	simm.s32 @!p0 $0x9  }
0x237: {  	_ =	swait.ge @!p0 [sflag:s0], s1  }
0x238: {  	s1 =	ssub.s32 @!p0 $0x0, s1;
	[sflag:s0] =	ssyncset.done @!p0 $0x0  }
0x239: {  	[sflag:s0] =	ssyncadd.s32 @!p0 s1  }
0x23a: {  	[bflag:$0x3] =	sbarrier.arrive $0xFFFF  }
0x23b: {  	_ =	shalt  }

</sc_bundles>
